<compile_context>
chip_gen: v7x
topology: tpu7x:2x2x1
jax: 0.10.2.dev20260603
libtpu: 0.0.44.dev20260713+nightly
codegen_flags: <defaults>
</compile_context>

<pallas_src>
import functools

import jax
import jax.numpy as jnp
from jax import lax
from jax.experimental import pallas as pl
from jax.experimental.pallas import tpu as pltpu
from jax.experimental.pallas import tpu_sc as plsc

_VB = 1024
_NBUF = 6
_NCORE = 2


def _argmax_tc_2core(xt):
    V, R = xt.shape
    nb = -(-V // _VB)
    half = nb // 2

    @functools.partial(
        pl.kernel,
        mesh=pltpu.create_tensorcore_mesh("core", num_cores=_NCORE),
        out_type=[jax.ShapeDtypeStruct((_NCORE, R), jnp.float32),
                  jax.ShapeDtypeStruct((_NCORE, R), jnp.int32)],
        scratch_types=[pltpu.VMEM((_NBUF, _VB, R), jnp.float32),
                       pltpu.VMEM((1, R), jnp.float32),
                       pltpu.VMEM((1, R), jnp.float32),
                       pltpu.VMEM((1, R), jnp.int32),
                       pltpu.SemaphoreType.DMA((_NBUF,))],
    )
    def k(x_hbm, pmax_hbm, pidx_hbm, bufs, macc, iacc, iacc32, sems):
        core = lax.axis_index("core").astype(jnp.int32)
        k0 = core * half
        nsteps = jnp.where(core == 0, jnp.int32(half), jnp.int32(nb - half))

        def copy(i, slot):
            base = jnp.minimum((k0 + i) * _VB, jnp.int32(V - _VB))
            return pltpu.make_async_copy(
                x_hbm.at[pl.ds(base, _VB), :], bufs.at[slot], sems.at[slot])

        for b in range(_NBUF):
            @pl.when(jnp.int32(b) < nsteps)
            def _():
                copy(jnp.int32(b), jnp.int32(b)).start()

        macc[...] = jnp.full((1, R), -jnp.inf, jnp.float32)
        iacc[...] = jnp.zeros((1, R), jnp.float32)

        def step(i, carry):
            slot = lax.rem(i, jnp.int32(_NBUF))
            copy(i, slot).wait()
            base = jnp.minimum((k0 + i) * _VB, jnp.int32(V - _VB))
            xblk = bufs[slot]
            m = jnp.max(xblk, axis=0, keepdims=True)
            itf = lax.broadcasted_iota(jnp.int32, xblk.shape, 0).astype(
                jnp.float32)
            cand = jnp.where(xblk == m, itf, jnp.float32(jnp.inf))
            li = jnp.min(cand, axis=0, keepdims=True)
            gi = li + base.astype(jnp.float32)
            pm = macc[...]
            upd = m > pm
            iacc[...] = jnp.where(upd, gi, iacc[...])
            macc[...] = jnp.where(upd, m, pm)

            @pl.when(i + _NBUF < nsteps)
            def _():
                copy(i + _NBUF, slot).start()

            return carry

        lax.fori_loop(jnp.int32(0), nsteps, step, jnp.int32(0))
        iacc32[...] = iacc[...].astype(jnp.int32)
        pltpu.sync_copy(macc, pmax_hbm.at[pl.ds(core, 1), :])
        pltpu.sync_copy(iacc32, pidx_hbm.at[pl.ds(core, 1), :])

    return k(xt)


def _rejection_sc(pmax, pidx, draft, nd, ndeff, bonus):
    R = draft.shape[0]
    B = nd.shape[0]
    S = R // B
    L = 16
    mesh = plsc.VectorSubcoreMesh(core_axis_name="c", subcore_axis_name="s")

    @functools.partial(
        pl.kernel, mesh=mesh,
        compiler_params=pltpu.CompilerParams(needs_layout_passes=False),
        out_type=[jax.ShapeDtypeStruct((B, S + 1), jnp.int32),
                  jax.ShapeDtypeStruct((B,), jnp.int32),
                  jax.ShapeDtypeStruct((B,), jnp.int32)],
        scratch_types=[pltpu.VMEM((2 * R,), jnp.float32),
                       pltpu.VMEM((2 * R,), jnp.int32),
                       pltpu.VMEM((R,), jnp.int32),
                       pltpu.VMEM((R,), jnp.int32),
                       pltpu.VMEM((B,), jnp.int32),
                       pltpu.VMEM((B,), jnp.int32),
                       pltpu.VMEM((B,), jnp.int32),
                       pltpu.VMEM((B, S + 1), jnp.int32),
                       pltpu.VMEM((B,), jnp.int32),
                       pltpu.VMEM((B,), jnp.int32)],
    )
    def k(pmax_hbm, pidx_hbm, draft_hbm, nd_hbm, ndeff_hbm, bonus_hbm,
          out_hbm, nrej_hbm, last_hbm,
          pmax_v, pidx_v, draft_v, amax_v, nd_v, ndeff_v, bonus_v,
          out_v, nrej_v, last_v):
        cid = lax.axis_index("c")
        sid = lax.axis_index("s")

        @pl.when((cid == 0) & (sid == 0))
        def _():
            pltpu.sync_copy(pmax_hbm, pmax_v)
            pltpu.sync_copy(pidx_hbm, pidx_v)
            pltpu.sync_copy(draft_hbm, draft_v)
            pltpu.sync_copy(nd_hbm, nd_v)
            pltpu.sync_copy(ndeff_hbm, ndeff_v)
            pltpu.sync_copy(bonus_hbm, bonus_v)
            i16 = jnp.arange(L, dtype=jnp.int32)

            for i in range(R // L):
                rows = i16 + (L * i)
                m0 = plsc.load_gather(pmax_v, [rows])
                m1 = plsc.load_gather(pmax_v, [rows + R])
                i0 = plsc.load_gather(pidx_v, [rows])
                i1 = plsc.load_gather(pidx_v, [rows + R])
                take1 = (m1 > m0) | ((m1 == m0) & (i1 < i0))
                amax_v[pl.ds(L * i, L)] = jnp.where(take1, i1, i0)

            carry = jnp.int32(0)
            for i in range(B // L):
                sl = pl.ds(L * i, L)
                ndc = nd_v[sl]
                ndeffc = ndeff_v[sl]
                bonusc = bonus_v[sl]
                inc = plsc.cumsum(ndc)
                cu = inc - ndc + carry
                carry = carry + jnp.max(inc)

                tvals = []
                na = jnp.full((L,), S, jnp.int32)
                for s in range(S):
                    idxt = jnp.clip(cu + s, 0, R - 1)
                    tg = plsc.load_gather(amax_v, [idxt])
                    dr = plsc.load_gather(draft_v, [idxt])
                    tvals.append(tg)
                    match = (tg == dr) & (jnp.full((L,), s, jnp.int32) < ndeffc)
                    na = jnp.minimum(na, jnp.where(
                        match, jnp.full((L,), S, jnp.int32),
                        jnp.full((L,), s, jnp.int32)))

                all_acc = na == ndc
                one = jnp.full((L,), 1, jnp.int32)
                zero = jnp.zeros((L,), jnp.int32)
                nst = na + jnp.where(all_acc, zero, one)
                nrej_v[sl] = ndc - na

                lastsel = jnp.clip(nst - 1, 0, S - 1)
                lastt = zero
                for s in range(S):
                    lastt = jnp.where(
                        lastsel == jnp.full((L,), s, jnp.int32),
                        tvals[s], lastt)
                last_v[sl] = jnp.where(all_acc, bonusc, lastt)

                bvec = i16 + (L * i)
                neg1 = jnp.full((L,), -1, jnp.int32)
                for j in range(S + 1):
                    jv = jnp.full((L,), j, jnp.int32)
                    if j < S:
                        row = jnp.where(
                            jv < nst, tvals[j],
                            jnp.where(all_acc & (ndc == jv), bonusc, neg1))
                    else:
                        row = jnp.where(all_acc & (ndc == jv), bonusc, neg1)
                    plsc.store_scatter(out_v, [bvec, jv], row)

            pltpu.sync_copy(out_v, out_hbm)
            pltpu.sync_copy(nrej_v, nrej_hbm)
            pltpu.sync_copy(last_v, last_hbm)

    return k(pmax, pidx, draft, nd, ndeff, bonus)


def kernel(target_logits, draft_token_ids, bonus_token_ids, num_draft_tokens,
           max_spec_num):
    draft = draft_token_ids.astype(jnp.int32)
    bonus = bonus_token_ids.astype(jnp.int32)
    nd = num_draft_tokens.astype(jnp.int32)
    ndeff = jnp.minimum(nd, jnp.asarray(max_spec_num).astype(jnp.int32))

    pmax, pidx = _argmax_tc_2core(target_logits.astype(jnp.float32).T)
    out32, nrej32, last32 = _rejection_sc(
        pmax.reshape(-1), pidx.reshape(-1), draft, nd, ndeff, bonus)

    out = out32.astype(bonus_token_ids.dtype)
    num_rejected = nrej32.astype(num_draft_tokens.dtype)
    last_token_ids = last32.astype(num_draft_tokens.dtype)
    return (out, num_rejected, last_token_ids)

# --- scband reference (transcript-rebuilt; emitter-appended) ---
"""Pipeline reference for scband-rejection-sampler-18889266168367 (READ-ONLY COPY).

The authoritative reference and input builder live on the scoring server;
editing this copy changes nothing except your own understanding.
"""

import jax, jax.numpy as jnp
import numpy as np
jax.config.update("jax_enable_x64", True)


def setup_inputs(seed: int = 0) -> dict:
    key = jax.random.key(seed)
    k1, k2, k3, k4 = jax.random.split(key, 4)
    batch = 64
    max_spec = 8
    vocab = 100000
    num_tokens = batch * max_spec
    target_logits = jax.random.normal(k1, (num_tokens, vocab), dtype=jnp.float32)
    draft_token_ids = jax.random.randint(k2, (num_tokens,), 0, vocab, dtype=jnp.int64)
    bonus_token_ids = jax.random.randint(k3, (batch,), 0, vocab, dtype=jnp.int64)
    num_draft_tokens = jax.random.randint(k4, (batch,), 0, 9, dtype=jnp.int64)
    return {
        "target_logits": target_logits,
        "draft_token_ids": draft_token_ids,
        "bonus_token_ids": bonus_token_ids,
        "num_draft_tokens": num_draft_tokens,
        "max_spec_num": 8,
    }


def reference(target_logits, draft_token_ids, bonus_token_ids, num_draft_tokens, max_spec_num):
    B = bonus_token_ids.shape[0]
    T = draft_token_ids.shape[0]
    S = T // B
    # target model greedy tokens
    target_argmax = jnp.argmax(target_logits, axis=-1).astype(draft_token_ids.dtype)
    # cumulative draft-token offsets per sequence (ragged layout)
    cu = jnp.concatenate([jnp.zeros((1,), dtype=num_draft_tokens.dtype), jnp.cumsum(num_draft_tokens)])
    pos = jnp.arange(S, dtype=num_draft_tokens.dtype)
    gidx = jnp.clip(cu[:-1, None] + pos[None, :], 0, T - 1)
    draft = draft_token_ids[gidx]                 # [B, S]
    tgt = target_argmax[gidx]                     # [B, S]
    nd_eff = jnp.minimum(num_draft_tokens, jnp.asarray(max_spec_num, dtype=num_draft_tokens.dtype))
    valid = pos[None, :] < nd_eff[:, None]
    match = (draft == tgt) & valid
    # number of accepted tokens = length of leading run of matches
    accept_prefix = jnp.cumprod(match.astype(jnp.int32), axis=1)
    num_accept = accept_prefix.sum(axis=1).astype(num_draft_tokens.dtype)
    nd = num_draft_tokens
    all_accepted = num_accept == nd
    # positions stored with target_argmax: accepted ones plus the first rejected one
    num_stored = jnp.where(all_accepted, num_accept, num_accept + 1)
    pos_full = jnp.arange(S + 1, dtype=num_draft_tokens.dtype)
    out = jnp.full((B, S + 1), -1, dtype=bonus_token_ids.dtype)
    tgt_full = jnp.concatenate([tgt, jnp.zeros((B, 1), dtype=tgt.dtype)], axis=1)
    write_tgt = pos_full[None, :] < num_stored[:, None]
    out = jnp.where(write_tgt, tgt_full, out)
    # bonus token appended only if every draft token was accepted
    bonus_mask = all_accepted[:, None] & (pos_full[None, :] == nd[:, None])
    out = jnp.where(bonus_mask, bonus_token_ids[:, None], out)
    num_rejected = nd - num_accept
    last_from_tgt = tgt[jnp.arange(B), jnp.clip(num_stored - 1, 0, S - 1)]
    last_token_ids = jnp.where(all_accepted, bonus_token_ids, last_from_tgt).astype(num_draft_tokens.dtype)
    return (out, num_rejected, last_token_ids)

if __name__ == "__main__":
    import jax
    _d = setup_inputs()
    print(jax.jit(kernel)(*tuple(_d.values())))

</pallas_src>

<mosaic_0001>
#map = affine_map<(d0, d1) -> (0)>
#map1 = affine_map<(d0, d1) -> (0, 0)>
module attributes {stable_mosaic.version = 14 : i64} {
  func.func @k(%arg0: i32, %arg1: i32, %arg2: memref<1024xf32, #tpu.memory_space<hbm>>, %arg3: memref<1024xi32, #tpu.memory_space<hbm>>, %arg4: memref<512xi32, #tpu.memory_space<hbm>>, %arg5: memref<64xi32, #tpu.memory_space<hbm>>, %arg6: memref<64xi32, #tpu.memory_space<hbm>>, %arg7: memref<64xi32, #tpu.memory_space<hbm>>, %arg8: memref<64x9xi32, #tpu.memory_space<hbm>>, %arg9: memref<64xi32, #tpu.memory_space<hbm>>, %arg10: memref<64xi32, #tpu.memory_space<hbm>>, %arg11: memref<1024xf32, #tpu.memory_space<vmem>>, %arg12: memref<1024xi32, #tpu.memory_space<vmem>>, %arg13: memref<512xi32, #tpu.memory_space<vmem>>, %arg14: memref<512xi32, #tpu.memory_space<vmem>>, %arg15: memref<64xi32, #tpu.memory_space<vmem>>, %arg16: memref<64xi32, #tpu.memory_space<vmem>>, %arg17: memref<64xi32, #tpu.memory_space<vmem>>, %arg18: memref<64x9xi32, #tpu.memory_space<vmem>>, %arg19: memref<64xi32, #tpu.memory_space<vmem>>, %arg20: memref<64xi32, #tpu.memory_space<vmem>>) attributes {dimension_semantics = [#tpu.dimension_semantics<core_parallel>, #tpu.dimension_semantics<subcore_parallel>], iteration_bounds = array<i64: 2, 16>, scalar_prefetch = 0 : i64, scratch_operands = 10 : i64, tpu.core_type = #tpu.core_type<sc_vector_subcore>, window_params = [{transform_indices = #map}, {transform_indices = #map}, {transform_indices = #map}, {transform_indices = #map}, {transform_indices = #map}, {transform_indices = #map}, {transform_indices = #map1}, {transform_indices = #map}, {transform_indices = #map}]} {
    %eq3A = arith.constant 0 : i32
    %eq3A_0 = arith.cmpi eq, %arg0, %eq3A : i32
    %eq3A_1 = arith.constant 0 : i32
    %eq3A_2 = arith.cmpi eq, %arg1, %eq3A_1 : i32
    %and3A = arith.andi %eq3A_0, %eq3A_2 : i1
    %convert_element_type3A = arith.extui %and3A : i1 to i32
    %cond3A = arith.constant 0 : i32
    %cond3A_3 = arith.cmpi ne, %convert_element_type3A, %cond3A : i32
    scf.if %cond3A_3 {
      "tpu.region"() ({
        %run_scoped3A = tpu.sem_alloc : memref<!tpu.dma_semaphore, #tpu.memory_space<semaphore_mem>>
        tpu.enqueue_dma source(%arg2 : memref<1024xf32, #tpu.memory_space<hbm>>) target(%arg11 : memref<1024xf32, #tpu.memory_space<vmem>>) target_semaphore(%run_scoped3A : memref<!tpu.dma_semaphore, #tpu.memory_space<semaphore_mem>>)
        tpu.wait_dma2 semaphore(%run_scoped3A : memref<!tpu.dma_semaphore, #tpu.memory_space<semaphore_mem>>) src(%arg2 : memref<1024xf32, #tpu.memory_space<hbm>>) dst(%arg11 : memref<1024xf32, #tpu.memory_space<vmem>>)
        tpu.yield
      }) : () -> ()
      "tpu.region"() ({
        %run_scoped3A = tpu.sem_alloc : memref<!tpu.dma_semaphore, #tpu.memory_space<semaphore_mem>>
        tpu.enqueue_dma source(%arg3 : memref<1024xi32, #tpu.memory_space<hbm>>) target(%arg12 : memref<1024xi32, #tpu.memory_space<vmem>>) target_semaphore(%run_scoped3A : memref<!tpu.dma_semaphore, #tpu.memory_space<semaphore_mem>>)
        tpu.wait_dma2 semaphore(%run_scoped3A : memref<!tpu.dma_semaphore, #tpu.memory_space<semaphore_mem>>) src(%arg3 : memref<1024xi32, #tpu.memory_space<hbm>>) dst(%arg12 : memref<1024xi32, #tpu.memory_space<vmem>>)
        tpu.yield
      }) : () -> ()
      "tpu.region"() ({
        %run_scoped3A = tpu.sem_alloc : memref<!tpu.dma_semaphore, #tpu.memory_space<semaphore_mem>>
        tpu.enqueue_dma source(%arg4 : memref<512xi32, #tpu.memory_space<hbm>>) target(%arg13 : memref<512xi32, #tpu.memory_space<vmem>>) target_semaphore(%run_scoped3A : memref<!tpu.dma_semaphore, #tpu.memory_space<semaphore_mem>>)
        tpu.wait_dma2 semaphore(%run_scoped3A : memref<!tpu.dma_semaphore, #tpu.memory_space<semaphore_mem>>) src(%arg4 : memref<512xi32, #tpu.memory_space<hbm>>) dst(%arg13 : memref<512xi32, #tpu.memory_space<vmem>>)
        tpu.yield
      }) : () -> ()
      "tpu.region"() ({
        %run_scoped3A = tpu.sem_alloc : memref<!tpu.dma_semaphore, #tpu.memory_space<semaphore_mem>>
        tpu.enqueue_dma source(%arg5 : memref<64xi32, #tpu.memory_space<hbm>>) target(%arg15 : memref<64xi32, #tpu.memory_space<vmem>>) target_semaphore(%run_scoped3A : memref<!tpu.dma_semaphore, #tpu.memory_space<semaphore_mem>>)
        tpu.wait_dma2 semaphore(%run_scoped3A : memref<!tpu.dma_semaphore, #tpu.memory_space<semaphore_mem>>) src(%arg5 : memref<64xi32, #tpu.memory_space<hbm>>) dst(%arg15 : memref<64xi32, #tpu.memory_space<vmem>>)
        tpu.yield
      }) : () -> ()
      "tpu.region"() ({
        %run_scoped3A = tpu.sem_alloc : memref<!tpu.dma_semaphore, #tpu.memory_space<semaphore_mem>>
        tpu.enqueue_dma source(%arg6 : memref<64xi32, #tpu.memory_space<hbm>>) target(%arg16 : memref<64xi32, #tpu.memory_space<vmem>>) target_semaphore(%run_scoped3A : memref<!tpu.dma_semaphore, #tpu.memory_space<semaphore_mem>>)
        tpu.wait_dma2 semaphore(%run_scoped3A : memref<!tpu.dma_semaphore, #tpu.memory_space<semaphore_mem>>) src(%arg6 : memref<64xi32, #tpu.memory_space<hbm>>) dst(%arg16 : memref<64xi32, #tpu.memory_space<vmem>>)
        tpu.yield
      }) : () -> ()
      "tpu.region"() ({
        %run_scoped3A = tpu.sem_alloc : memref<!tpu.dma_semaphore, #tpu.memory_space<semaphore_mem>>
        tpu.enqueue_dma source(%arg7 : memref<64xi32, #tpu.memory_space<hbm>>) target(%arg17 : memref<64xi32, #tpu.memory_space<vmem>>) target_semaphore(%run_scoped3A : memref<!tpu.dma_semaphore, #tpu.memory_space<semaphore_mem>>)
        tpu.wait_dma2 semaphore(%run_scoped3A : memref<!tpu.dma_semaphore, #tpu.memory_space<semaphore_mem>>) src(%arg7 : memref<64xi32, #tpu.memory_space<hbm>>) dst(%arg17 : memref<64xi32, #tpu.memory_space<vmem>>)
        tpu.yield
      }) : () -> ()
      %iota3A = tpu.iota {dimensions = array<i32: 0>} : vector<16xi32>
      %add3A = arith.constant 0 : i32
      %add3A_4 = vector.broadcast %add3A : i32 to vector<16xi32>
      %add3A_5 = arith.addi %iota3A, %add3A_4 : vector<16xi32>
      %gather3A = tpu.vector_load_idx %arg11[%add3A_5] : memref<1024xf32, #tpu.memory_space<vmem>>[vector<16xi32>], vector<16xf32>,
      %add3A_6 = arith.constant 512 : i32
      %add3A_7 = vector.broadcast %add3A_6 : i32 to vector<16xi32>
      %add3A_8 = arith.addi %add3A_5, %add3A_7 : vector<16xi32>
      %gather3A_9 = tpu.vector_load_idx %arg11[%add3A_8] : memref<1024xf32, #tpu.memory_space<vmem>>[vector<16xi32>], vector<16xf32>,
      %gather3A_10 = tpu.vector_load_idx %arg12[%add3A_5] : memref<1024xi32, #tpu.memory_space<vmem>>[vector<16xi32>], vector<16xi32>,
      %add3A_11 = arith.constant 512 : i32
      %add3A_12 = vector.broadcast %add3A_11 : i32 to vector<16xi32>
      %add3A_13 = arith.addi %add3A_5, %add3A_12 : vector<16xi32>
      %gather3A_14 = tpu.vector_load_idx %arg12[%add3A_13] : memref<1024xi32, #tpu.memory_space<vmem>>[vector<16xi32>], vector<16xi32>,
      %gt3A = arith.cmpf ogt, %gather3A_9, %gather3A : vector<16xf32>
      %eq3A_15 = arith.cmpf oeq, %gather3A_9, %gather3A : vector<16xf32>
      %lt3A = arith.cmpi slt, %gather3A_14, %gather3A_10 : vector<16xi32>
      %and3A_16 = arith.andi %eq3A_15, %lt3A : vector<16xi1>
      %or3A = arith.ori %gt3A, %and3A_16 : vector<16xi1>
      %select_n3A = arith.select %or3A, %gather3A_14, %gather3A_10 : vector<16xi1>, vector<16xi32>
      %swap3A = arith.constant 0 : index
      %swap3A_17 = tpu.vector_load %arg14[%swap3A] {strides = array<i32>} : memref<512xi32, #tpu.memory_space<vmem>>, vector<16xi32>,
      tpu.vector_store %arg14[%swap3A], %select_n3A {strides = array<i32>} : memref<512xi32, #tpu.memory_space<vmem>>, vector<16xi32>,
      %add3A_18 = arith.constant 16 : i32
      %add3A_19 = vector.broadcast %add3A_18 : i32 to vector<16xi32>
      %add3A_20 = arith.addi %iota3A, %add3A_19 : vector<16xi32>
      %gather3A_21 = tpu.vector_load_idx %arg11[%add3A_20] : memref<1024xf32, #tpu.memory_space<vmem>>[vector<16xi32>], vector<16xf32>,
      %add3A_22 = arith.constant 512 : i32
      %add3A_23 = vector.broadcast %add3A_22 : i32 to vector<16xi32>
      %add3A_24 = arith.addi %add3A_20, %add3A_23 : vector<16xi32>
      %gather3A_25 = tpu.vector_load_idx %arg11[%add3A_24] : memref<1024xf32, #tpu.memory_space<vmem>>[vector<16xi32>], vector<16xf32>,
      %gather3A_26 = tpu.vector_load_idx %arg12[%add3A_20] : memref<1024xi32, #tpu.memory_space<vmem>>[vector<16xi32>], vector<16xi32>,
      %add3A_27 = arith.constant 512 : i32
      %add3A_28 = vector.broadcast %add3A_27 : i32 to vector<16xi32>
      %add3A_29 = arith.addi %add3A_20, %add3A_28 : vector<16xi32>
      %gather3A_30 = tpu.vector_load_idx %arg12[%add3A_29] : memref<1024xi32, #tpu.memory_space<vmem>>[vector<16xi32>], vector<16xi32>,
      %gt3A_31 = arith.cmpf ogt, %gather3A_25, %gather3A_21 : vector<16xf32>
      %eq3A_32 = arith.cmpf oeq, %gather3A_25, %gather3A_21 : vector<16xf32>
      %lt3A_33 = arith.cmpi slt, %gather3A_30, %gather3A_26 : vector<16xi32>
      %and3A_34 = arith.andi %eq3A_32, %lt3A_33 : vector<16xi1>
      %or3A_35 = arith.ori %gt3A_31, %and3A_34 : vector<16xi1>
      %select_n3A_36 = arith.select %or3A_35, %gather3A_30, %gather3A_26 : vector<16xi1>, vector<16xi32>
      %swap3A_37 = arith.constant 16 : index
      %swap3A_38 = tpu.vector_load %arg14[%swap3A_37] {strides = array<i32>} : memref<512xi32, #tpu.memory_space<vmem>>, vector<16xi32>,
      tpu.vector_store %arg14[%swap3A_37], %select_n3A_36 {strides = array<i32>} : memref<512xi32, #tpu.memory_space<vmem>>, vector<16xi32>,
      %add3A_39 = arith.constant 32 : i32
      %add3A_40 = vector.broadcast %add3A_39 : i32 to vector<16xi32>
      %add3A_41 = arith.addi %iota3A, %add3A_40 : vector<16xi32>
      %gather3A_42 = tpu.vector_load_idx %arg11[%add3A_41] : memref<1024xf32, #tpu.memory_space<vmem>>[vector<16xi32>], vector<16xf32>,
      %add3A_43 = arith.constant 512 : i32
      %add3A_44 = vector.broadcast %add3A_43 : i32 to vector<16xi32>
      %add3A_45 = arith.addi %add3A_41, %add3A_44 : vector<16xi32>
      %gather3A_46 = tpu.vector_load_idx %arg11[%add3A_45] : memref<1024xf32, #tpu.memory_space<vmem>>[vector<16xi32>], vector<16xf32>,
      %gather3A_47 = tpu.vector_load_idx %arg12[%add3A_41] : memref<1024xi32, #tpu.memory_space<vmem>>[vector<16xi32>], vector<16xi32>,
      %add3A_48 = arith.constant 512 : i32
      %add3A_49 = vector.broadcast %add3A_48 : i32 to vector<16xi32>
      %add3A_50 = arith.addi %add3A_41, %add3A_49 : vector<16xi32>
      %gather3A_51 = tpu.vector_load_idx %arg12[%add3A_50] : memref<1024xi32, #tpu.memory_space<vmem>>[vector<16xi32>], vector<16xi32>,
      %gt3A_52 = arith.cmpf ogt, %gather3A_46, %gather3A_42 : vector<16xf32>
      %eq3A_53 = arith.cmpf oeq, %gather3A_46, %gather3A_42 : vector<16xf32>
      %lt3A_54 = arith.cmpi slt, %gather3A_51, %gather3A_47 : vector<16xi32>
      %and3A_55 = arith.andi %eq3A_53, %lt3A_54 : vector<16xi1>
      %or3A_56 = arith.ori %gt3A_52, %and3A_55 : vector<16xi1>
      %select_n3A_57 = arith.select %or3A_56, %gather3A_51, %gather3A_47 : vector<16xi1>, vector<16xi32>
      %swap3A_58 = arith.constant 32 : index
      %swap3A_59 = tpu.vector_load %arg14[%swap3A_58] {strides = array<i32>} : memref<512xi32, #tpu.memory_space<vmem>>, vector<16xi32>,
      tpu.vector_store %arg14[%swap3A_58], %select_n3A_57 {strides = array<i32>} : memref<512xi32, #tpu.memory_space<vmem>>, vector<16xi32>,
      %add3A_60 = arith.constant 48 : i32
      %add3A_61 = vector.broadcast %add3A_60 : i32 to vector<16xi32>
      %add3A_62 = arith.addi %iota3A, %add3A_61 : vector<16xi32>
      %gather3A_63 = tpu.vector_load_idx %arg11[%add3A_62] : memref<1024xf32, #tpu.memory_space<vmem>>[vector<16xi32>], vector<16xf32>,
      %add3A_64 = arith.constant 512 : i32
      %add3A_65 = vector.broadcast %add3A_64 : i32 to vector<16xi32>
      %add3A_66 = arith.addi %add3A_62, %add3A_65 : vector<16xi32>
      %gather3A_67 = tpu.vector_load_idx %arg11[%add3A_66] : memref<1024xf32, #tpu.memory_space<vmem>>[vector<16xi32>], vector<16xf32>,
      %gather3A_68 = tpu.vector_load_idx %arg12[%add3A_62] : memref<1024xi32, #tpu.memory_space<vmem>>[vector<16xi32>], vector<16xi32>,
      %add3A_69 = arith.constant 512 : i32
      %add3A_70 = vector.broadcast %add3A_69 : i32 to vector<16xi32>
      %add3A_71 = arith.addi %add3A_62, %add3A_70 : vector<16xi32>
      %gather3A_72 = tpu.vector_load_idx %arg12[%add3A_71] : memref<1024xi32, #tpu.memory_space<vmem>>[vector<16xi32>], vector<16xi32>,
      %gt3A_73 = arith.cmpf ogt, %gather3A_67, %gather3A_63 : vector<16xf32>
      %eq3A_74 = arith.cmpf oeq, %gather3A_67, %gather3A_63 : vector<16xf32>
      %lt3A_75 = arith.cmpi slt, %gather3A_72, %gather3A_68 : vector<16xi32>
      %and3A_76 = arith.andi %eq3A_74, %lt3A_75 : vector<16xi1>
      %or3A_77 = arith.ori %gt3A_73, %and3A_76 : vector<16xi1>
      %select_n3A_78 = arith.select %or3A_77, %gather3A_72, %gather3A_68 : vector<16xi1>, vector<16xi32>
      %swap3A_79 = arith.constant 48 : index
      %swap3A_80 = tpu.vector_load %arg14[%swap3A_79] {strides = array<i32>} : memref<512xi32, #tpu.memory_space<vmem>>, vector<16xi32>,
      tpu.vector_store %arg14[%swap3A_79], %select_n3A_78 {strides = array<i32>} : memref<512xi32, #tpu.memory_space<vmem>>, vector<16xi32>,
      %add3A_81 = arith.constant 64 : i32
      %add3A_82 = vector.broadcast %add3A_81 : i32 to vector<16xi32>
      %add3A_83 = arith.addi %iota3A, %add3A_82 : vector<16xi32>
      %gather3A_84 = tpu.vector_load_idx %arg11[%add3A_83] : memref<1024xf32, #tpu.memory_space<vmem>>[vector<16xi32>], vector<16xf32>,
      %add3A_85 = arith.constant 512 : i32
      %add3A_86 = vector.broadcast %add3A_85 : i32 to vector<16xi32>
      %add3A_87 = arith.addi %add3A_83, %add3A_86 : vector<16xi32>
      %gather3A_88 = tpu.vector_load_idx %arg11[%add3A_87] : memref<1024xf32, #tpu.memory_space<vmem>>[vector<16xi32>], vector<16xf32>,
      %gather3A_89 = tpu.vector_load_idx %arg12[%add3A_83] : memref<1024xi32, #tpu.memory_space<vmem>>[vector<16xi32>], vector<16xi32>,
      %add3A_90 = arith.constant 512 : i32
      %add3A_91 = vector.broadcast %add3A_90 : i32 to vector<16xi32>
      %add3A_92 = arith.addi %add3A_83, %add3A_91 : vector<16xi32>
      %gather3A_93 = tpu.vector_load_idx %arg12[%add3A_92] : memref<1024xi32, #tpu.memory_space<vmem>>[vector<16xi32>], vector<16xi32>,
      %gt3A_94 = arith.cmpf ogt, %gather3A_88, %gather3A_84 : vector<16xf32>
      %eq3A_95 = arith.cmpf oeq, %gather3A_88, %gather3A_84 : vector<16xf32>
      %lt3A_96 = arith.cmpi slt, %gather3A_93, %gather3A_89 : vector<16xi32>
      %and3A_97 = arith.andi %eq3A_95, %lt3A_96 : vector<16xi1>
      %or3A_98 = arith.ori %gt3A_94, %and3A_97 : vector<16xi1>
      %select_n3A_99 = arith.select %or3A_98, %gather3A_93, %gather3A_89 : vector<16xi1>, vector<16xi32>
      %swap3A_100 = arith.constant 64 : index
      %swap3A_101 = tpu.vector_load %arg14[%swap3A_100] {strides = array<i32>} : memref<512xi32, #tpu.memory_space<vmem>>, vector<16xi32>,
      tpu.vector_store %arg14[%swap3A_100], %select_n3A_99 {strides = array<i32>} : memref<512xi32, #tpu.memory_space<vmem>>, vector<16xi32>,
      %add3A_102 = arith.constant 80 : i32
      %add3A_103 = vector.broadcast %add3A_102 : i32 to vector<16xi32>
      %add3A_104 = arith.addi %iota3A, %add3A_103 : vector<16xi32>
      %gather3A_105 = tpu.vector_load_idx %arg11[%add3A_104] : memref<1024xf32, #tpu.memory_space<vmem>>[vector<16xi32>], vector<16xf32>,
      %add3A_106 = arith.constant 512 : i32
      %add3A_107 = vector.broadcast %add3A_106 : i32 to vector<16xi32>
      %add3A_108 = arith.addi %add3A_104, %add3A_107 : vector<16xi32>
      %gather3A_109 = tpu.vector_load_idx %arg11[%add3A_108] : memref<1024xf32, #tpu.memory_space<vmem>>[vector<16xi32>], vector<16xf32>,
      %gather3A_110 = tpu.vector_load_idx %arg12[%add3A_104] : memref<1024xi32, #tpu.memory_space<vmem>>[vector<16xi32>], vector<16xi32>,
      %add3A_111 = arith.constant 512 : i32
      %add3A_112 = vector.broadcast %add3A_111 : i32 to vector<16xi32>
      %add3A_113 = arith.addi %add3A_104, %add3A_112 : vector<16xi32>
      %gather3A_114 = tpu.vector_load_idx %arg12[%add3A_113] : memref<1024xi32, #tpu.memory_space<vmem>>[vector<16xi32>], vector<16xi32>,
      %gt3A_115 = arith.cmpf ogt, %gather3A_109, %gather3A_105 : vector<16xf32>
      %eq3A_116 = arith.cmpf oeq, %gather3A_109, %gather3A_105 : vector<16xf32>
      %lt3A_117 = arith.cmpi slt, %gather3A_114, %gather3A_110 : vector<16xi32>
      %and3A_118 = arith.andi %eq3A_116, %lt3A_117 : vector<16xi1>
      %or3A_119 = arith.ori %gt3A_115, %and3A_118 : vector<16xi1>
      %select_n3A_120 = arith.select %or3A_119, %gather3A_114, %gather3A_110 : vector<16xi1>, vector<16xi32>
      %swap3A_121 = arith.constant 80 : index
      %swap3A_122 = tpu.vector_load %arg14[%swap3A_121] {strides = array<i32>} : memref<512xi32, #tpu.memory_space<vmem>>, vector<16xi32>,
      tpu.vector_store %arg14[%swap3A_121], %select_n3A_120 {strides = array<i32>} : memref<512xi32, #tpu.memory_space<vmem>>, vector<16xi32>,
      %add3A_123 = arith.constant 96 : i32
      %add3A_124 = vector.broadcast %add3A_123 : i32 to vector<16xi32>
      %add3A_125 = arith.addi %iota3A, %add3A_124 : vector<16xi32>
      %gather3A_126 = tpu.vector_load_idx %arg11[%add3A_125] : memref<1024xf32, #tpu.memory_space<vmem>>[vector<16xi32>], vector<16xf32>,
      %add3A_127 = arith.constant 512 : i32
      %add3A_128 = vector.broadcast %add3A_127 : i32 to vector<16xi32>
      %add3A_129 = arith.addi %add3A_125, %add3A_128 : vector<16xi32>
      %gather3A_130 = tpu.vector_load_idx %arg11[%add3A_129] : memref<1024xf32, #tpu.memory_space<vmem>>[vector<16xi32>], vector<16xf32>,
      %gather3A_131 = tpu.vector_load_idx %arg12[%add3A_125] : memref<1024xi32, #tpu.memory_space<vmem>>[vector<16xi32>], vector<16xi32>,
      %add3A_132 = arith.constant 512 : i32
      %add3A_133 = vector.broadcast %add3A_132 : i32 to vector<16xi32>
      %add3A_134 = arith.addi %add3A_125, %add3A_133 : vector<16xi32>
      %gather3A_135 = tpu.vector_load_idx %arg12[%add3A_134] : memref<1024xi32, #tpu.memory_space<vmem>>[vector<16xi32>], vector<16xi32>,
      %gt3A_136 = arith.cmpf ogt, %gather3A_130, %gather3A_126 : vector<16xf32>
      %eq3A_137 = arith.cmpf oeq, %gather3A_130, %gather3A_126 : vector<16xf32>
      %lt3A_138 = arith.cmpi slt, %gather3A_135, %gather3A_131 : vector<16xi32>
      %and3A_139 = arith.andi %eq3A_137, %lt3A_138 : vector<16xi1>
      %or3A_140 = arith.ori %gt3A_136, %and3A_139 : vector<16xi1>
      %select_n3A_141 = arith.select %or3A_140, %gather3A_135, %gather3A_131 : vector<16xi1>, vector<16xi32>
      %swap3A_142 = arith.constant 96 : index
      %swap3A_143 = tpu.vector_load %arg14[%swap3A_142] {strides = array<i32>} : memref<512xi32, #tpu.memory_space<vmem>>, vector<16xi32>,
      tpu.vector_store %arg14[%swap3A_142], %select_n3A_141 {strides = array<i32>} : memref<512xi32, #tpu.memory_space<vmem>>, vector<16xi32>,
      %add3A_144 = arith.constant 112 : i32
      %add3A_145 = vector.broadcast %add3A_144 : i32 to vector<16xi32>
      %add3A_146 = arith.addi %iota3A, %add3A_145 : vector<16xi32>
      %gather3A_147 = tpu.vector_load_idx %arg11[%add3A_146] : memref<1024xf32, #tpu.memory_space<vmem>>[vector<16xi32>], vector<16xf32>,
      %add3A_148 = arith.constant 512 : i32
      %add3A_149 = vector.broadcast %add3A_148 : i32 to vector<16xi32>
      %add3A_150 = arith.addi %add3A_146, %add3A_149 : vector<16xi32>
      %gather3A_151 = tpu.vector_load_idx %arg11[%add3A_150] : memref<1024xf32, #tpu.memory_space<vmem>>[vector<16xi32>], vector<16xf32>,
      %gather3A_152 = tpu.vector_load_idx %arg12[%add3A_146] : memref<1024xi32, #tpu.memory_space<vmem>>[vector<16xi32>], vector<16xi32>,
      %add3A_153 = arith.constant 512 : i32
      %add3A_154 = vector.broadcast %add3A_153 : i32 to vector<16xi32>
      %add3A_155 = arith.addi %add3A_146, %add3A_154 : vector<16xi32>
      %gather3A_156 = tpu.vector_load_idx %arg12[%add3A_155] : memref<1024xi32, #tpu.memory_space<vmem>>[vector<16xi32>], vector<16xi32>,
      %gt3A_157 = arith.cmpf ogt, %gather3A_151, %gather3A_147 : vector<16xf32>
      %eq3A_158 = arith.cmpf oeq, %gather3A_151, %gather3A_147 : vector<16xf32>
      %lt3A_159 = arith.cmpi slt, %gather3A_156, %gather3A_152 : vector<16xi32>
      %and3A_160 = arith.andi %eq3A_158, %lt3A_159 : vector<16xi1>
      %or3A_161 = arith.ori %gt3A_157, %and3A_160 : vector<16xi1>
      %select_n3A_162 = arith.select %or3A_161, %gather3A_156, %gather3A_152 : vector<16xi1>, vector<16xi32>
      %swap3A_163 = arith.constant 112 : index
      %swap3A_164 = tpu.vector_load %arg14[%swap3A_163] {strides = array<i32>} : memref<512xi32, #tpu.memory_space<vmem>>, vector<16xi32>,
      tpu.vector_store %arg14[%swap3A_163], %select_n3A_162 {strides = array<i32>} : memref<512xi32, #tpu.memory_space<vmem>>, vector<16xi32>,
      %add3A_165 = arith.constant 128 : i32
      %add3A_166 = vector.broadcast %add3A_165 : i32 to vector<16xi32>
      %add3A_167 = arith.addi %iota3A, %add3A_166 : vector<16xi32>
      %gather3A_168 = tpu.vector_load_idx %arg11[%add3A_167] : memref<1024xf32, #tpu.memory_space<vmem>>[vector<16xi32>], vector<16xf32>,
      %add3A_169 = arith.constant 512 : i32
      %add3A_170 = vector.broadcast %add3A_169 : i32 to vector<16xi32>
      %add3A_171 = arith.addi %add3A_167, %add3A_170 : vector<16xi32>
      %gather3A_172 = tpu.vector_load_idx %arg11[%add3A_171] : memref<1024xf32, #tpu.memory_space<vmem>>[vector<16xi32>], vector<16xf32>,
      %gather3A_173 = tpu.vector_load_idx %arg12[%add3A_167] : memref<1024xi32, #tpu.memory_space<vmem>>[vector<16xi32>], vector<16xi32>,
      %add3A_174 = arith.constant 512 : i32
      %add3A_175 = vector.broadcast %add3A_174 : i32 to vector<16xi32>
      %add3A_176 = arith.addi %add3A_167, %add3A_175 : vector<16xi32>
      %gather3A_177 = tpu.vector_load_idx %arg12[%add3A_176] : memref<1024xi32, #tpu.memory_space<vmem>>[vector<16xi32>], vector<16xi32>,
      %gt3A_178 = arith.cmpf ogt, %gather3A_172, %gather3A_168 : vector<16xf32>
      %eq3A_179 = arith.cmpf oeq, %gather3A_172, %gather3A_168 : vector<16xf32>
      %lt3A_180 = arith.cmpi slt, %gather3A_177, %gather3A_173 : vector<16xi32>
      %and3A_181 = arith.andi %eq3A_179, %lt3A_180 : vector<16xi1>
      %or3A_182 = arith.ori %gt3A_178, %and3A_181 : vector<16xi1>
      %select_n3A_183 = arith.select %or3A_182, %gather3A_177, %gather3A_173 : vector<16xi1>, vector<16xi32>
      %swap3A_184 = arith.constant 128 : index
      %swap3A_185 = tpu.vector_load %arg14[%swap3A_184] {strides = array<i32>} : memref<512xi32, #tpu.memory_space<vmem>>, vector<16xi32>,
      tpu.vector_store %arg14[%swap3A_184], %select_n3A_183 {strides = array<i32>} : memref<512xi32, #tpu.memory_space<vmem>>, vector<16xi32>,
      %add3A_186 = arith.constant 144 : i32
      %add3A_187 = vector.broadcast %add3A_186 : i32 to vector<16xi32>
      %add3A_188 = arith.addi %iota3A, %add3A_187 : vector<16xi32>
      %gather3A_189 = tpu.vector_load_idx %arg11[%add3A_188] : memref<1024xf32, #tpu.memory_space<vmem>>[vector<16xi32>], vector<16xf32>,
      %add3A_190 = arith.constant 512 : i32
      %add3A_191 = vector.broadcast %add3A_190 : i32 to vector<16xi32>
      %add3A_192 = arith.addi %add3A_188, %add3A_191 : vector<16xi32>
      %gather3A_193 = tpu.vector_load_idx %arg11[%add3A_192] : memref<1024xf32, #tpu.memory_space<vmem>>[vector<16xi32>], vector<16xf32>,
      %gather3A_194 = tpu.vector_load_idx %arg12[%add3A_188] : memref<1024xi32, #tpu.memory_space<vmem>>[vector<16xi32>], vector<16xi32>,
      %add3A_195 = arith.constant 512 : i32
      %add3A_196 = vector.broadcast %add3A_195 : i32 to vector<16xi32>
      %add3A_197 = arith.addi %add3A_188, %add3A_196 : vector<16xi32>
      %gather3A_198 = tpu.vector_load_idx %arg12[%add3A_197] : memref<1024xi32, #tpu.memory_space<vmem>>[vector<16xi32>], vector<16xi32>,
      %gt3A_199 = arith.cmpf ogt, %gather3A_193, %gather3A_189 : vector<16xf32>
      %eq3A_200 = arith.cmpf oeq, %gather3A_193, %gather3A_189 : vector<16xf32>
      %lt3A_201 = arith.cmpi slt, %gather3A_198, %gather3A_194 : vector<16xi32>
      %and3A_202 = arith.andi %eq3A_200, %lt3A_201 : vector<16xi1>
      %or3A_203 = arith.ori %gt3A_199, %and3A_202 : vector<16xi1>
      %select_n3A_204 = arith.select %or3A_203, %gather3A_198, %gather3A_194 : vector<16xi1>, vector<16xi32>
      %swap3A_205 = arith.constant 144 : index
      %swap3A_206 = tpu.vector_load %arg14[%swap3A_205] {strides = array<i32>} : memref<512xi32, #tpu.memory_space<vmem>>, vector<16xi32>,
      tpu.vector_store %arg14[%swap3A_205], %select_n3A_204 {strides = array<i32>} : memref<512xi32, #tpu.memory_space<vmem>>, vector<16xi32>,
      %add3A_207 = arith.constant 160 : i32
      %add3A_208 = vector.broadcast %add3A_207 : i32 to vector<16xi32>
      %add3A_209 = arith.addi %iota3A, %add3A_208 : vector<16xi32>
      %gather3A_210 = tpu.vector_load_idx %arg11[%add3A_209] : memref<1024xf32, #tpu.memory_space<vmem>>[vector<16xi32>], vector<16xf32>,
      %add3A_211 = arith.constant 512 : i32
      %add3A_212 = vector.broadcast %add3A_211 : i32 to vector<16xi32>
      %add3A_213 = arith.addi %add3A_209, %add3A_212 : vector<16xi32>
      %gather3A_214 = tpu.vector_load_idx %arg11[%add3A_213] : memref<1024xf32, #tpu.memory_space<vmem>>[vector<16xi32>], vector<16xf32>,
      %gather3A_215 = tpu.vector_load_idx %arg12[%add3A_209] : memref<1024xi32, #tpu.memory_space<vmem>>[vector<16xi32>], vector<16xi32>,
      %add3A_216 = arith.constant 512 : i32
      %add3A_217 = vector.broadcast %add3A_216 : i32 to vector<16xi32>
      %add3A_218 = arith.addi %add3A_209, %add3A_217 : vector<16xi32>
      %gather3A_219 = tpu.vector_load_idx %arg12[%add3A_218] : memref<1024xi32, #tpu.memory_space<vmem>>[vector<16xi32>], vector<16xi32>,
      %gt3A_220 = arith.cmpf ogt, %gather3A_214, %gather3A_210 : vector<16xf32>
      %eq3A_221 = arith.cmpf oeq, %gather3A_214, %gather3A_210 : vector<16xf32>
      %lt3A_222 = arith.cmpi slt, %gather3A_219, %gather3A_215 : vector<16xi32>
      %and3A_223 = arith.andi %eq3A_221, %lt3A_222 : vector<16xi1>
      %or3A_224 = arith.ori %gt3A_220, %and3A_223 : vector<16xi1>
      %select_n3A_225 = arith.select %or3A_224, %gather3A_219, %gather3A_215 : vector<16xi1>, vector<16xi32>
      %swap3A_226 = arith.constant 160 : index
      %swap3A_227 = tpu.vector_load %arg14[%swap3A_226] {strides = array<i32>} : memref<512xi32, #tpu.memory_space<vmem>>, vector<16xi32>,
      tpu.vector_store %arg14[%swap3A_226], %select_n3A_225 {strides = array<i32>} : memref<512xi32, #tpu.memory_space<vmem>>, vector<16xi32>,
      %add3A_228 = arith.constant 176 : i32
      %add3A_229 = vector.broadcast %add3A_228 : i32 to vector<16xi32>
      %add3A_230 = arith.addi %iota3A, %add3A_229 : vector<16xi32>
      %gather3A_231 = tpu.vector_load_idx %arg11[%add3A_230] : memref<1024xf32, #tpu.memory_space<vmem>>[vector<16xi32>], vector<16xf32>,
      %add3A_232 = arith.constant 512 : i32
      %add3A_233 = vector.broadcast %add3A_232 : i32 to vector<16xi32>
      %add3A_234 = arith.addi %add3A_230, %add3A_233 : vector<16xi32>
      %gather3A_235 = tpu.vector_load_idx %arg11[%add3A_234] : memref<1024xf32, #tpu.memory_space<vmem>>[vector<16xi32>], vector<16xf32>,
      %gather3A_236 = tpu.vector_load_idx %arg12[%add3A_230] : memref<1024xi32, #tpu.memory_space<vmem>>[vector<16xi32>], vector<16xi32>,
      %add3A_237 = arith.constant 512 : i32
      %add3A_238 = vector.broadcast %add3A_237 : i32 to vector<16xi32>
      %add3A_239 = arith.addi %add3A_230, %add3A_238 : vector<16xi32>
      %gather3A_240 = tpu.vector_load_idx %arg12[%add3A_239] : memref<1024xi32, #tpu.memory_space<vmem>>[vector<16xi32>], vector<16xi32>,
      %gt3A_241 = arith.cmpf ogt, %gather3A_235, %gather3A_231 : vector<16xf32>
      %eq3A_242 = arith.cmpf oeq, %gather3A_235, %gather3A_231 : vector<16xf32>
      %lt3A_243 = arith.cmpi slt, %gather3A_240, %gather3A_236 : vector<16xi32>
      %and3A_244 = arith.andi %eq3A_242, %lt3A_243 : vector<16xi1>
      %or3A_245 = arith.ori %gt3A_241, %and3A_244 : vector<16xi1>
      %select_n3A_246 = arith.select %or3A_245, %gather3A_240, %gather3A_236 : vector<16xi1>, vector<16xi32>
      %swap3A_247 = arith.constant 176 : index
      %swap3A_248 = tpu.vector_load %arg14[%swap3A_247] {strides = array<i32>} : memref<512xi32, #tpu.memory_space<vmem>>, vector<16xi32>,
      tpu.vector_store %arg14[%swap3A_247], %select_n3A_246 {strides = array<i32>} : memref<512xi32, #tpu.memory_space<vmem>>, vector<16xi32>,
      %add3A_249 = arith.constant 192 : i32
      %add3A_250 = vector.broadcast %add3A_249 : i32 to vector<16xi32>
      %add3A_251 = arith.addi %iota3A, %add3A_250 : vector<16xi32>
      %gather3A_252 = tpu.vector_load_idx %arg11[%add3A_251] : memref<1024xf32, #tpu.memory_space<vmem>>[vector<16xi32>], vector<16xf32>,
      %add3A_253 = arith.constant 512 : i32
      %add3A_254 = vector.broadcast %add3A_253 : i32 to vector<16xi32>
      %add3A_255 = arith.addi %add3A_251, %add3A_254 : vector<16xi32>
      %gather3A_256 = tpu.vector_load_idx %arg11[%add3A_255] : memref<1024xf32, #tpu.memory_space<vmem>>[vector<16xi32>], vector<16xf32>,
      %gather3A_257 = tpu.vector_load_idx %arg12[%add3A_251] : memref<1024xi32, #tpu.memory_space<vmem>>[vector<16xi32>], vector<16xi32>,
      %add3A_258 = arith.constant 512 : i32
      %add3A_259 = vector.broadcast %add3A_258 : i32 to vector<16xi32>
      %add3A_260 = arith.addi %add3A_251, %add3A_259 : vector<16xi32>
      %gather3A_261 = tpu.vector_load_idx %arg12[%add3A_260] : memref<1024xi32, #tpu.memory_space<vmem>>[vector<16xi32>], vector<16xi32>,
      %gt3A_262 = arith.cmpf ogt, %gather3A_256, %gather3A_252 : vector<16xf32>
      %eq3A_263 = arith.cmpf oeq, %gather3A_256, %gather3A_252 : vector<16xf32>
      %lt3A_264 = arith.cmpi slt, %gather3A_261, %gather3A_257 : vector<16xi32>
      %and3A_265 = arith.andi %eq3A_263, %lt3A_264 : vector<16xi1>
      %or3A_266 = arith.ori %gt3A_262, %and3A_265 : vector<16xi1>
      %select_n3A_267 = arith.select %or3A_266, %gather3A_261, %gather3A_257 : vector<16xi1>, vector<16xi32>
      %swap3A_268 = arith.constant 192 : index
      %swap3A_269 = tpu.vector_load %arg14[%swap3A_268] {strides = array<i32>} : memref<512xi32, #tpu.memory_space<vmem>>, vector<16xi32>,
      tpu.vector_store %arg14[%swap3A_268], %select_n3A_267 {strides = array<i32>} : memref<512xi32, #tpu.memory_space<vmem>>, vector<16xi32>,
      %add3A_270 = arith.constant 208 : i32
      %add3A_271 = vector.broadcast %add3A_270 : i32 to vector<16xi32>
      %add3A_272 = arith.addi %iota3A, %add3A_271 : vector<16xi32>
      %gather3A_273 = tpu.vector_load_idx %arg11[%add3A_272] : memref<1024xf32, #tpu.memory_space<vmem>>[vector<16xi32>], vector<16xf32>,
      %add3A_274 = arith.constant 512 : i32
      %add3A_275 = vector.broadcast %add3A_274 : i32 to vector<16xi32>
      %add3A_276 = arith.addi %add3A_272, %add3A_275 : vector<16xi32>
      %gather3A_277 = tpu.vector_load_idx %arg11[%add3A_276] : memref<1024xf32, #tpu.memory_space<vmem>>[vector<16xi32>], vector<16xf32>,
      %gather3A_278 = tpu.vector_load_idx %arg12[%add3A_272] : memref<1024xi32, #tpu.memory_space<vmem>>[vector<16xi32>], vector<16xi32>,
      %add3A_279 = arith.constant 512 : i32
      %add3A_280 = vector.broadcast %add3A_279 : i32 to vector<16xi32>
      %add3A_281 = arith.addi %add3A_272, %add3A_280 : vector<16xi32>
      %gather3A_282 = tpu.vector_load_idx %arg12[%add3A_281] : memref<1024xi32, #tpu.memory_space<vmem>>[vector<16xi32>], vector<16xi32>,
      %gt3A_283 = arith.cmpf ogt, %gather3A_277, %gather3A_273 : vector<16xf32>
      %eq3A_284 = arith.cmpf oeq, %gather3A_277, %gather3A_273 : vector<16xf32>
      %lt3A_285 = arith.cmpi slt, %gather3A_282, %gather3A_278 : vector<16xi32>
      %and3A_286 = arith.andi %eq3A_284, %lt3A_285 : vector<16xi1>
      %or3A_287 = arith.ori %gt3A_283, %and3A_286 : vector<16xi1>
      %select_n3A_288 = arith.select %or3A_287, %gather3A_282, %gather3A_278 : vector<16xi1>, vector<16xi32>
      %swap3A_289 = arith.constant 208 : index
      %swap3A_290 = tpu.vector_load %arg14[%swap3A_289] {strides = array<i32>} : memref<512xi32, #tpu.memory_space<vmem>>, vector<16xi32>,
      tpu.vector_store %arg14[%swap3A_289], %select_n3A_288 {strides = array<i32>} : memref<512xi32, #tpu.memory_space<vmem>>, vector<16xi32>,
      %add3A_291 = arith.constant 224 : i32
      %add3A_292 = vector.broadcast %add3A_291 : i32 to vector<16xi32>
      %add3A_293 = arith.addi %iota3A, %add3A_292 : vector<16xi32>
      %gather3A_294 = tpu.vector_load_idx %arg11[%add3A_293] : memref<1024xf32, #tpu.memory_space<vmem>>[vector<16xi32>], vector<16xf32>,
      %add3A_295 = arith.constant 512 : i32
      %add3A_296 = vector.broadcast %add3A_295 : i32 to vector<16xi32>
      %add3A_297 = arith.addi %add3A_293, %add3A_296 : vector<16xi32>
      %gather3A_298 = tpu.vector_load_idx %arg11[%add3A_297] : memref<1024xf32, #tpu.memory_space<vmem>>[vector<16xi32>], vector<16xf32>,
      %gather3A_299 = tpu.vector_load_idx %arg12[%add3A_293] : memref<1024xi32, #tpu.memory_space<vmem>>[vector<16xi32>], vector<16xi32>,
      %add3A_300 = arith.constant 512 : i32
      %add3A_301 = vector.broadcast %add3A_300 : i32 to vector<16xi32>
      %add3A_302 = arith.addi %add3A_293, %add3A_301 : vector<16xi32>
      %gather3A_303 = tpu.vector_load_idx %arg12[%add3A_302] : memref<1024xi32, #tpu.memory_space<vmem>>[vector<16xi32>], vector<16xi32>,
      %gt3A_304 = arith.cmpf ogt, %gather3A_298, %gather3A_294 : vector<16xf32>
      %eq3A_305 = arith.cmpf oeq, %gather3A_298, %gather3A_294 : vector<16xf32>
      %lt3A_306 = arith.cmpi slt, %gather3A_303, %gather3A_299 : vector<16xi32>
      %and3A_307 = arith.andi %eq3A_305, %lt3A_306 : vector<16xi1>
      %or3A_308 = arith.ori %gt3A_304, %and3A_307 : vector<16xi1>
      %select_n3A_309 = arith.select %or3A_308, %gather3A_303, %gather3A_299 : vector<16xi1>, vector<16xi32>
      %swap3A_310 = arith.constant 224 : index
      %swap3A_311 = tpu.vector_load %arg14[%swap3A_310] {strides = array<i32>} : memref<512xi32, #tpu.memory_space<vmem>>, vector<16xi32>,
      tpu.vector_store %arg14[%swap3A_310], %select_n3A_309 {strides = array<i32>} : memref<512xi32, #tpu.memory_space<vmem>>, vector<16xi32>,
      %add3A_312 = arith.constant 240 : i32
      %add3A_313 = vector.broadcast %add3A_312 : i32 to vector<16xi32>
      %add3A_314 = arith.addi %iota3A, %add3A_313 : vector<16xi32>
      %gather3A_315 = tpu.vector_load_idx %arg11[%add3A_314] : memref<1024xf32, #tpu.memory_space<vmem>>[vector<16xi32>], vector<16xf32>,
      %add3A_316 = arith.constant 512 : i32
      %add3A_317 = vector.broadcast %add3A_316 : i32 to vector<16xi32>
      %add3A_318 = arith.addi %add3A_314, %add3A_317 : vector<16xi32>
      %gather3A_319 = tpu.vector_load_idx %arg11[%add3A_318] : memref<1024xf32, #tpu.memory_space<vmem>>[vector<16xi32>], vector<16xf32>,
      %gather3A_320 = tpu.vector_load_idx %arg12[%add3A_314] : memref<1024xi32, #tpu.memory_space<vmem>>[vector<16xi32>], vector<16xi32>,
      %add3A_321 = arith.constant 512 : i32
      %add3A_322 = vector.broadcast %add3A_321 : i32 to vector<16xi32>
      %add3A_323 = arith.addi %add3A_314, %add3A_322 : vector<16xi32>
      %gather3A_324 = tpu.vector_load_idx %arg12[%add3A_323] : memref<1024xi32, #tpu.memory_space<vmem>>[vector<16xi32>], vector<16xi32>,
      %gt3A_325 = arith.cmpf ogt, %gather3A_319, %gather3A_315 : vector<16xf32>
      %eq3A_326 = arith.cmpf oeq, %gather3A_319, %gather3A_315 : vector<16xf32>
      %lt3A_327 = arith.cmpi slt, %gather3A_324, %gather3A_320 : vector<16xi32>
      %and3A_328 = arith.andi %eq3A_326, %lt3A_327 : vector<16xi1>
      %or3A_329 = arith.ori %gt3A_325, %and3A_328 : vector<16xi1>
      %select_n3A_330 = arith.select %or3A_329, %gather3A_324, %gather3A_320 : vector<16xi1>, vector<16xi32>
      %swap3A_331 = arith.constant 240 : index
      %swap3A_332 = tpu.vector_load %arg14[%swap3A_331] {strides = array<i32>} : memref<512xi32, #tpu.memory_space<vmem>>, vector<16xi32>,
      tpu.vector_store %arg14[%swap3A_331], %select_n3A_330 {strides = array<i32>} : memref<512xi32, #tpu.memory_space<vmem>>, vector<16xi32>,
      %add3A_333 = arith.constant 256 : i32
      %add3A_334 = vector.broadcast %add3A_333 : i32 to vector<16xi32>
      %add3A_335 = arith.addi %iota3A, %add3A_334 : vector<16xi32>
      %gather3A_336 = tpu.vector_load_idx %arg11[%add3A_335] : memref<1024xf32, #tpu.memory_space<vmem>>[vector<16xi32>], vector<16xf32>,
      %add3A_337 = arith.constant 512 : i32
      %add3A_338 = vector.broadcast %add3A_337 : i32 to vector<16xi32>
      %add3A_339 = arith.addi %add3A_335, %add3A_338 : vector<16xi32>
      %gather3A_340 = tpu.vector_load_idx %arg11[%add3A_339] : memref<1024xf32, #tpu.memory_space<vmem>>[vector<16xi32>], vector<16xf32>,
      %gather3A_341 = tpu.vector_load_idx %arg12[%add3A_335] : memref<1024xi32, #tpu.memory_space<vmem>>[vector<16xi32>], vector<16xi32>,
      %add3A_342 = arith.constant 512 : i32
      %add3A_343 = vector.broadcast %add3A_342 : i32 to vector<16xi32>
      %add3A_344 = arith.addi %add3A_335, %add3A_343 : vector<16xi32>
      %gather3A_345 = tpu.vector_load_idx %arg12[%add3A_344] : memref<1024xi32, #tpu.memory_space<vmem>>[vector<16xi32>], vector<16xi32>,
      %gt3A_346 = arith.cmpf ogt, %gather3A_340, %gather3A_336 : vector<16xf32>
      %eq3A_347 = arith.cmpf oeq, %gather3A_340, %gather3A_336 : vector<16xf32>
      %lt3A_348 = arith.cmpi slt, %gather3A_345, %gather3A_341 : vector<16xi32>
      %and3A_349 = arith.andi %eq3A_347, %lt3A_348 : vector<16xi1>
      %or3A_350 = arith.ori %gt3A_346, %and3A_349 : vector<16xi1>
      %select_n3A_351 = arith.select %or3A_350, %gather3A_345, %gather3A_341 : vector<16xi1>, vector<16xi32>
      %swap3A_352 = arith.constant 256 : index
      %swap3A_353 = tpu.vector_load %arg14[%swap3A_352] {strides = array<i32>} : memref<512xi32, #tpu.memory_space<vmem>>, vector<16xi32>,
      tpu.vector_store %arg14[%swap3A_352], %select_n3A_351 {strides = array<i32>} : memref<512xi32, #tpu.memory_space<vmem>>, vector<16xi32>,
      %add3A_354 = arith.constant 272 : i32
      %add3A_355 = vector.broadcast %add3A_354 : i32 to vector<16xi32>
      %add3A_356 = arith.addi %iota3A, %add3A_355 : vector<16xi32>
      %gather3A_357 = tpu.vector_load_idx %arg11[%add3A_356] : memref<1024xf32, #tpu.memory_space<vmem>>[vector<16xi32>], vector<16xf32>,
      %add3A_358 = arith.constant 512 : i32
      %add3A_359 = vector.broadcast %add3A_358 : i32 to vector<16xi32>
      %add3A_360 = arith.addi %add3A_356, %add3A_359 : vector<16xi32>
      %gather3A_361 = tpu.vector_load_idx %arg11[%add3A_360] : memref<1024xf32, #tpu.memory_space<vmem>>[vector<16xi32>], vector<16xf32>,
      %gather3A_362 = tpu.vector_load_idx %arg12[%add3A_356] : memref<1024xi32, #tpu.memory_space<vmem>>[vector<16xi32>], vector<16xi32>,
      %add3A_363 = arith.constant 512 : i32
      %add3A_364 = vector.broadcast %add3A_363 : i32 to vector<16xi32>
      %add3A_365 = arith.addi %add3A_356, %add3A_364 : vector<16xi32>
      %gather3A_366 = tpu.vector_load_idx %arg12[%add3A_365] : memref<1024xi32, #tpu.memory_space<vmem>>[vector<16xi32>], vector<16xi32>,
      %gt3A_367 = arith.cmpf ogt, %gather3A_361, %gather3A_357 : vector<16xf32>
      %eq3A_368 = arith.cmpf oeq, %gather3A_361, %gather3A_357 : vector<16xf32>
      %lt3A_369 = arith.cmpi slt, %gather3A_366, %gather3A_362 : vector<16xi32>
      %and3A_370 = arith.andi %eq3A_368, %lt3A_369 : vector<16xi1>
      %or3A_371 = arith.ori %gt3A_367, %and3A_370 : vector<16xi1>
      %select_n3A_372 = arith.select %or3A_371, %gather3A_366, %gather3A_362 : vector<16xi1>, vector<16xi32>
      %swap3A_373 = arith.constant 272 : index
      %swap3A_374 = tpu.vector_load %arg14[%swap3A_373] {strides = array<i32>} : memref<512xi32, #tpu.memory_space<vmem>>, vector<16xi32>,
      tpu.vector_store %arg14[%swap3A_373], %select_n3A_372 {strides = array<i32>} : memref<512xi32, #tpu.memory_space<vmem>>, vector<16xi32>,
      %add3A_375 = arith.constant 288 : i32
      %add3A_376 = vector.broadcast %add3A_375 : i32 to vector<16xi32>
      %add3A_377 = arith.addi %iota3A, %add3A_376 : vector<16xi32>
      %gather3A_378 = tpu.vector_load_idx %arg11[%add3A_377] : memref<1024xf32, #tpu.memory_space<vmem>>[vector<16xi32>], vector<16xf32>,
      %add3A_379 = arith.constant 512 : i32
      %add3A_380 = vector.broadcast %add3A_379 : i32 to vector<16xi32>
      %add3A_381 = arith.addi %add3A_377, %add3A_380 : vector<16xi32>
      %gather3A_382 = tpu.vector_load_idx %arg11[%add3A_381] : memref<1024xf32, #tpu.memory_space<vmem>>[vector<16xi32>], vector<16xf32>,
      %gather3A_383 = tpu.vector_load_idx %arg12[%add3A_377] : memref<1024xi32, #tpu.memory_space<vmem>>[vector<16xi32>], vector<16xi32>,
      %add3A_384 = arith.constant 512 : i32
      %add3A_385 = vector.broadcast %add3A_384 : i32 to vector<16xi32>
      %add3A_386 = arith.addi %add3A_377, %add3A_385 : vector<16xi32>
      %gather3A_387 = tpu.vector_load_idx %arg12[%add3A_386] : memref<1024xi32, #tpu.memory_space<vmem>>[vector<16xi32>], vector<16xi32>,
      %gt3A_388 = arith.cmpf ogt, %gather3A_382, %gather3A_378 : vector<16xf32>
      %eq3A_389 = arith.cmpf oeq, %gather3A_382, %gather3A_378 : vector<16xf32>
      %lt3A_390 = arith.cmpi slt, %gather3A_387, %gather3A_383 : vector<16xi32>
      %and3A_391 = arith.andi %eq3A_389, %lt3A_390 : vector<16xi1>
      %or3A_392 = arith.ori %gt3A_388, %and3A_391 : vector<16xi1>
      %select_n3A_393 = arith.select %or3A_392, %gather3A_387, %gather3A_383 : vector<16xi1>, vector<16xi32>
      %swap3A_394 = arith.constant 288 : index
      %swap3A_395 = tpu.vector_load %arg14[%swap3A_394] {strides = array<i32>} : memref<512xi32, #tpu.memory_space<vmem>>, vector<16xi32>,
      tpu.vector_store %arg14[%swap3A_394], %select_n3A_393 {strides = array<i32>} : memref<512xi32, #tpu.memory_space<vmem>>, vector<16xi32>,
      %add3A_396 = arith.constant 304 : i32
      %add3A_397 = vector.broadcast %add3A_396 : i32 to vector<16xi32>
      %add3A_398 = arith.addi %iota3A, %add3A_397 : vector<16xi32>
      %gather3A_399 = tpu.vector_load_idx %arg11[%add3A_398] : memref<1024xf32, #tpu.memory_space<vmem>>[vector<16xi32>], vector<16xf32>,
      %add3A_400 = arith.constant 512 : i32
      %add3A_401 = vector.broadcast %add3A_400 : i32 to vector<16xi32>
      %add3A_402 = arith.addi %add3A_398, %add3A_401 : vector<16xi32>
      %gather3A_403 = tpu.vector_load_idx %arg11[%add3A_402] : memref<1024xf32, #tpu.memory_space<vmem>>[vector<16xi32>], vector<16xf32>,
      %gather3A_404 = tpu.vector_load_idx %arg12[%add3A_398] : memref<1024xi32, #tpu.memory_space<vmem>>[vector<16xi32>], vector<16xi32>,
      %add3A_405 = arith.constant 512 : i32
      %add3A_406 = vector.broadcast %add3A_405 : i32 to vector<16xi32>
      %add3A_407 = arith.addi %add3A_398, %add3A_406 : vector<16xi32>
      %gather3A_408 = tpu.vector_load_idx %arg12[%add3A_407] : memref<1024xi32, #tpu.memory_space<vmem>>[vector<16xi32>], vector<16xi32>,
      %gt3A_409 = arith.cmpf ogt, %gather3A_403, %gather3A_399 : vector<16xf32>
      %eq3A_410 = arith.cmpf oeq, %gather3A_403, %gather3A_399 : vector<16xf32>
      %lt3A_411 = arith.cmpi slt, %gather3A_408, %gather3A_404 : vector<16xi32>
      %and3A_412 = arith.andi %eq3A_410, %lt3A_411 : vector<16xi1>
      %or3A_413 = arith.ori %gt3A_409, %and3A_412 : vector<16xi1>
      %select_n3A_414 = arith.select %or3A_413, %gather3A_408, %gather3A_404 : vector<16xi1>, vector<16xi32>
      %swap3A_415 = arith.constant 304 : index
      %swap3A_416 = tpu.vector_load %arg14[%swap3A_415] {strides = array<i32>} : memref<512xi32, #tpu.memory_space<vmem>>, vector<16xi32>,
      tpu.vector_store %arg14[%swap3A_415], %select_n3A_414 {strides = array<i32>} : memref<512xi32, #tpu.memory_space<vmem>>, vector<16xi32>,
      %add3A_417 = arith.constant 320 : i32
      %add3A_418 = vector.broadcast %add3A_417 : i32 to vector<16xi32>
      %add3A_419 = arith.addi %iota3A, %add3A_418 : vector<16xi32>
      %gather3A_420 = tpu.vector_load_idx %arg11[%add3A_419] : memref<1024xf32, #tpu.memory_space<vmem>>[vector<16xi32>], vector<16xf32>,
      %add3A_421 = arith.constant 512 : i32
      %add3A_422 = vector.broadcast %add3A_421 : i32 to vector<16xi32>
      %add3A_423 = arith.addi %add3A_419, %add3A_422 : vector<16xi32>
      %gather3A_424 = tpu.vector_load_idx %arg11[%add3A_423] : memref<1024xf32, #tpu.memory_space<vmem>>[vector<16xi32>], vector<16xf32>,
      %gather3A_425 = tpu.vector_load_idx %arg12[%add3A_419] : memref<1024xi32, #tpu.memory_space<vmem>>[vector<16xi32>], vector<16xi32>,
      %add3A_426 = arith.constant 512 : i32
      %add3A_427 = vector.broadcast %add3A_426 : i32 to vector<16xi32>
      %add3A_428 = arith.addi %add3A_419, %add3A_427 : vector<16xi32>
      %gather3A_429 = tpu.vector_load_idx %arg12[%add3A_428] : memref<1024xi32, #tpu.memory_space<vmem>>[vector<16xi32>], vector<16xi32>,
      %gt3A_430 = arith.cmpf ogt, %gather3A_424, %gather3A_420 : vector<16xf32>
      %eq3A_431 = arith.cmpf oeq, %gather3A_424, %gather3A_420 : vector<16xf32>
      %lt3A_432 = arith.cmpi slt, %gather3A_429, %gather3A_425 : vector<16xi32>
      %and3A_433 = arith.andi %eq3A_431, %lt3A_432 : vector<16xi1>
      %or3A_434 = arith.ori %gt3A_430, %and3A_433 : vector<16xi1>
      %select_n3A_435 = arith.select %or3A_434, %gather3A_429, %gather3A_425 : vector<16xi1>, vector<16xi32>
      %swap3A_436 = arith.constant 320 : index
      %swap3A_437 = tpu.vector_load %arg14[%swap3A_436] {strides = array<i32>} : memref<512xi32, #tpu.memory_space<vmem>>, vector<16xi32>,
      tpu.vector_store %arg14[%swap3A_436], %select_n3A_435 {strides = array<i32>} : memref<512xi32, #tpu.memory_space<vmem>>, vector<16xi32>,
      %add3A_438 = arith.constant 336 : i32
      %add3A_439 = vector.broadcast %add3A_438 : i32 to vector<16xi32>
      %add3A_440 = arith.addi %iota3A, %add3A_439 : vector<16xi32>
      %gather3A_441 = tpu.vector_load_idx %arg11[%add3A_440] : memref<1024xf32, #tpu.memory_space<vmem>>[vector<16xi32>], vector<16xf32>,
      %add3A_442 = arith.constant 512 : i32
      %add3A_443 = vector.broadcast %add3A_442 : i32 to vector<16xi32>
      %add3A_444 = arith.addi %add3A_440, %add3A_443 : vector<16xi32>
      %gather3A_445 = tpu.vector_load_idx %arg11[%add3A_444] : memref<1024xf32, #tpu.memory_space<vmem>>[vector<16xi32>], vector<16xf32>,
      %gather3A_446 = tpu.vector_load_idx %arg12[%add3A_440] : memref<1024xi32, #tpu.memory_space<vmem>>[vector<16xi32>], vector<16xi32>,
      %add3A_447 = arith.constant 512 : i32
      %add3A_448 = vector.broadcast %add3A_447 : i32 to vector<16xi32>
      %add3A_449 = arith.addi %add3A_440, %add3A_448 : vector<16xi32>
      %gather3A_450 = tpu.vector_load_idx %arg12[%add3A_449] : memref<1024xi32, #tpu.memory_space<vmem>>[vector<16xi32>], vector<16xi32>,
      %gt3A_451 = arith.cmpf ogt, %gather3A_445, %gather3A_441 : vector<16xf32>
      %eq3A_452 = arith.cmpf oeq, %gather3A_445, %gather3A_441 : vector<16xf32>
      %lt3A_453 = arith.cmpi slt, %gather3A_450, %gather3A_446 : vector<16xi32>
      %and3A_454 = arith.andi %eq3A_452, %lt3A_453 : vector<16xi1>
      %or3A_455 = arith.ori %gt3A_451, %and3A_454 : vector<16xi1>
      %select_n3A_456 = arith.select %or3A_455, %gather3A_450, %gather3A_446 : vector<16xi1>, vector<16xi32>
      %swap3A_457 = arith.constant 336 : index
      %swap3A_458 = tpu.vector_load %arg14[%swap3A_457] {strides = array<i32>} : memref<512xi32, #tpu.memory_space<vmem>>, vector<16xi32>,
      tpu.vector_store %arg14[%swap3A_457], %select_n3A_456 {strides = array<i32>} : memref<512xi32, #tpu.memory_space<vmem>>, vector<16xi32>,
      %add3A_459 = arith.constant 352 : i32
      %add3A_460 = vector.broadcast %add3A_459 : i32 to vector<16xi32>
      %add3A_461 = arith.addi %iota3A, %add3A_460 : vector<16xi32>
      %gather3A_462 = tpu.vector_load_idx %arg11[%add3A_461] : memref<1024xf32, #tpu.memory_space<vmem>>[vector<16xi32>], vector<16xf32>,
      %add3A_463 = arith.constant 512 : i32
      %add3A_464 = vector.broadcast %add3A_463 : i32 to vector<16xi32>
      %add3A_465 = arith.addi %add3A_461, %add3A_464 : vector<16xi32>
      %gather3A_466 = tpu.vector_load_idx %arg11[%add3A_465] : memref<1024xf32, #tpu.memory_space<vmem>>[vector<16xi32>], vector<16xf32>,
      %gather3A_467 = tpu.vector_load_idx %arg12[%add3A_461] : memref<1024xi32, #tpu.memory_space<vmem>>[vector<16xi32>], vector<16xi32>,
      %add3A_468 = arith.constant 512 : i32
      %add3A_469 = vector.broadcast %add3A_468 : i32 to vector<16xi32>
      %add3A_470 = arith.addi %add3A_461, %add3A_469 : vector<16xi32>
      %gather3A_471 = tpu.vector_load_idx %arg12[%add3A_470] : memref<1024xi32, #tpu.memory_space<vmem>>[vector<16xi32>], vector<16xi32>,
      %gt3A_472 = arith.cmpf ogt, %gather3A_466, %gather3A_462 : vector<16xf32>
      %eq3A_473 = arith.cmpf oeq, %gather3A_466, %gather3A_462 : vector<16xf32>
      %lt3A_474 = arith.cmpi slt, %gather3A_471, %gather3A_467 : vector<16xi32>
      %and3A_475 = arith.andi %eq3A_473, %lt3A_474 : vector<16xi1>
      %or3A_476 = arith.ori %gt3A_472, %and3A_475 : vector<16xi1>
      %select_n3A_477 = arith.select %or3A_476, %gather3A_471, %gather3A_467 : vector<16xi1>, vector<16xi32>
      %swap3A_478 = arith.constant 352 : index
      %swap3A_479 = tpu.vector_load %arg14[%swap3A_478] {strides = array<i32>} : memref<512xi32, #tpu.memory_space<vmem>>, vector<16xi32>,
      tpu.vector_store %arg14[%swap3A_478], %select_n3A_477 {strides = array<i32>} : memref<512xi32, #tpu.memory_space<vmem>>, vector<16xi32>,
      %add3A_480 = arith.constant 368 : i32
      %add3A_481 = vector.broadcast %add3A_480 : i32 to vector<16xi32>
      %add3A_482 = arith.addi %iota3A, %add3A_481 : vector<16xi32>
      %gather3A_483 = tpu.vector_load_idx %arg11[%add3A_482] : memref<1024xf32, #tpu.memory_space<vmem>>[vector<16xi32>], vector<16xf32>,
      %add3A_484 = arith.constant 512 : i32
      %add3A_485 = vector.broadcast %add3A_484 : i32 to vector<16xi32>
      %add3A_486 = arith.addi %add3A_482, %add3A_485 : vector<16xi32>
      %gather3A_487 = tpu.vector_load_idx %arg11[%add3A_486] : memref<1024xf32, #tpu.memory_space<vmem>>[vector<16xi32>], vector<16xf32>,
      %gather3A_488 = tpu.vector_load_idx %arg12[%add3A_482] : memref<1024xi32, #tpu.memory_space<vmem>>[vector<16xi32>], vector<16xi32>,
      %add3A_489 = arith.constant 512 : i32
      %add3A_490 = vector.broadcast %add3A_489 : i32 to vector<16xi32>
      %add3A_491 = arith.addi %add3A_482, %add3A_490 : vector<16xi32>
      %gather3A_492 = tpu.vector_load_idx %arg12[%add3A_491] : memref<1024xi32, #tpu.memory_space<vmem>>[vector<16xi32>], vector<16xi32>,
      %gt3A_493 = arith.cmpf ogt, %gather3A_487, %gather3A_483 : vector<16xf32>
      %eq3A_494 = arith.cmpf oeq, %gather3A_487, %gather3A_483 : vector<16xf32>
      %lt3A_495 = arith.cmpi slt, %gather3A_492, %gather3A_488 : vector<16xi32>
      %and3A_496 = arith.andi %eq3A_494, %lt3A_495 : vector<16xi1>
      %or3A_497 = arith.ori %gt3A_493, %and3A_496 : vector<16xi1>
      %select_n3A_498 = arith.select %or3A_497, %gather3A_492, %gather3A_488 : vector<16xi1>, vector<16xi32>
      %swap3A_499 = arith.constant 368 : index
      %swap3A_500 = tpu.vector_load %arg14[%swap3A_499] {strides = array<i32>} : memref<512xi32, #tpu.memory_space<vmem>>, vector<16xi32>,
      tpu.vector_store %arg14[%swap3A_499], %select_n3A_498 {strides = array<i32>} : memref<512xi32, #tpu.memory_space<vmem>>, vector<16xi32>,
      %add3A_501 = arith.constant 384 : i32
      %add3A_502 = vector.broadcast %add3A_501 : i32 to vector<16xi32>
      %add3A_503 = arith.addi %iota3A, %add3A_502 : vector<16xi32>
      %gather3A_504 = tpu.vector_load_idx %arg11[%add3A_503] : memref<1024xf32, #tpu.memory_space<vmem>>[vector<16xi32>], vector<16xf32>,
      %add3A_505 = arith.constant 512 : i32
      %add3A_506 = vector.broadcast %add3A_505 : i32 to vector<16xi32>
      %add3A_507 = arith.addi %add3A_503, %add3A_506 : vector<16xi32>
      %gather3A_508 = tpu.vector_load_idx %arg11[%add3A_507] : memref<1024xf32, #tpu.memory_space<vmem>>[vector<16xi32>], vector<16xf32>,
      %gather3A_509 = tpu.vector_load_idx %arg12[%add3A_503] : memref<1024xi32, #tpu.memory_space<vmem>>[vector<16xi32>], vector<16xi32>,
      %add3A_510 = arith.constant 512 : i32
      %add3A_511 = vector.broadcast %add3A_510 : i32 to vector<16xi32>
      %add3A_512 = arith.addi %add3A_503, %add3A_511 : vector<16xi32>
      %gather3A_513 = tpu.vector_load_idx %arg12[%add3A_512] : memref<1024xi32, #tpu.memory_space<vmem>>[vector<16xi32>], vector<16xi32>,
      %gt3A_514 = arith.cmpf ogt, %gather3A_508, %gather3A_504 : vector<16xf32>
      %eq3A_515 = arith.cmpf oeq, %gather3A_508, %gather3A_504 : vector<16xf32>
      %lt3A_516 = arith.cmpi slt, %gather3A_513, %gather3A_509 : vector<16xi32>
      %and3A_517 = arith.andi %eq3A_515, %lt3A_516 : vector<16xi1>
      %or3A_518 = arith.ori %gt3A_514, %and3A_517 : vector<16xi1>
      %select_n3A_519 = arith.select %or3A_518, %gather3A_513, %gather3A_509 : vector<16xi1>, vector<16xi32>
      %swap3A_520 = arith.constant 384 : index
      %swap3A_521 = tpu.vector_load %arg14[%swap3A_520] {strides = array<i32>} : memref<512xi32, #tpu.memory_space<vmem>>, vector<16xi32>,
      tpu.vector_store %arg14[%swap3A_520], %select_n3A_519 {strides = array<i32>} : memref<512xi32, #tpu.memory_space<vmem>>, vector<16xi32>,
      %add3A_522 = arith.constant 400 : i32
      %add3A_523 = vector.broadcast %add3A_522 : i32 to vector<16xi32>
      %add3A_524 = arith.addi %iota3A, %add3A_523 : vector<16xi32>
      %gather3A_525 = tpu.vector_load_idx %arg11[%add3A_524] : memref<1024xf32, #tpu.memory_space<vmem>>[vector<16xi32>], vector<16xf32>,
      %add3A_526 = arith.constant 512 : i32
      %add3A_527 = vector.broadcast %add3A_526 : i32 to vector<16xi32>
      %add3A_528 = arith.addi %add3A_524, %add3A_527 : vector<16xi32>
      %gather3A_529 = tpu.vector_load_idx %arg11[%add3A_528] : memref<1024xf32, #tpu.memory_space<vmem>>[vector<16xi32>], vector<16xf32>,
      %gather3A_530 = tpu.vector_load_idx %arg12[%add3A_524] : memref<1024xi32, #tpu.memory_space<vmem>>[vector<16xi32>], vector<16xi32>,
      %add3A_531 = arith.constant 512 : i32
      %add3A_532 = vector.broadcast %add3A_531 : i32 to vector<16xi32>
      %add3A_533 = arith.addi %add3A_524, %add3A_532 : vector<16xi32>
      %gather3A_534 = tpu.vector_load_idx %arg12[%add3A_533] : memref<1024xi32, #tpu.memory_space<vmem>>[vector<16xi32>], vector<16xi32>,
      %gt3A_535 = arith.cmpf ogt, %gather3A_529, %gather3A_525 : vector<16xf32>
      %eq3A_536 = arith.cmpf oeq, %gather3A_529, %gather3A_525 : vector<16xf32>
      %lt3A_537 = arith.cmpi slt, %gather3A_534, %gather3A_530 : vector<16xi32>
      %and3A_538 = arith.andi %eq3A_536, %lt3A_537 : vector<16xi1>
      %or3A_539 = arith.ori %gt3A_535, %and3A_538 : vector<16xi1>
      %select_n3A_540 = arith.select %or3A_539, %gather3A_534, %gather3A_530 : vector<16xi1>, vector<16xi32>
      %swap3A_541 = arith.constant 400 : index
      %swap3A_542 = tpu.vector_load %arg14[%swap3A_541] {strides = array<i32>} : memref<512xi32, #tpu.memory_space<vmem>>, vector<16xi32>,
      tpu.vector_store %arg14[%swap3A_541], %select_n3A_540 {strides = array<i32>} : memref<512xi32, #tpu.memory_space<vmem>>, vector<16xi32>,
      %add3A_543 = arith.constant 416 : i32
      %add3A_544 = vector.broadcast %add3A_543 : i32 to vector<16xi32>
      %add3A_545 = arith.addi %iota3A, %add3A_544 : vector<16xi32>
      %gather3A_546 = tpu.vector_load_idx %arg11[%add3A_545] : memref<1024xf32, #tpu.memory_space<vmem>>[vector<16xi32>], vector<16xf32>,
      %add3A_547 = arith.constant 512 : i32
      %add3A_548 = vector.broadcast %add3A_547 : i32 to vector<16xi32>
      %add3A_549 = arith.addi %add3A_545, %add3A_548 : vector<16xi32>
      %gather3A_550 = tpu.vector_load_idx %arg11[%add3A_549] : memref<1024xf32, #tpu.memory_space<vmem>>[vector<16xi32>], vector<16xf32>,
      %gather3A_551 = tpu.vector_load_idx %arg12[%add3A_545] : memref<1024xi32, #tpu.memory_space<vmem>>[vector<16xi32>], vector<16xi32>,
      %add3A_552 = arith.constant 512 : i32
      %add3A_553 = vector.broadcast %add3A_552 : i32 to vector<16xi32>
      %add3A_554 = arith.addi %add3A_545, %add3A_553 : vector<16xi32>
      %gather3A_555 = tpu.vector_load_idx %arg12[%add3A_554] : memref<1024xi32, #tpu.memory_space<vmem>>[vector<16xi32>], vector<16xi32>,
      %gt3A_556 = arith.cmpf ogt, %gather3A_550, %gather3A_546 : vector<16xf32>
      %eq3A_557 = arith.cmpf oeq, %gather3A_550, %gather3A_546 : vector<16xf32>
      %lt3A_558 = arith.cmpi slt, %gather3A_555, %gather3A_551 : vector<16xi32>
      %and3A_559 = arith.andi %eq3A_557, %lt3A_558 : vector<16xi1>
      %or3A_560 = arith.ori %gt3A_556, %and3A_559 : vector<16xi1>
      %select_n3A_561 = arith.select %or3A_560, %gather3A_555, %gather3A_551 : vector<16xi1>, vector<16xi32>
      %swap3A_562 = arith.constant 416 : index
      %swap3A_563 = tpu.vector_load %arg14[%swap3A_562] {strides = array<i32>} : memref<512xi32, #tpu.memory_space<vmem>>, vector<16xi32>,
      tpu.vector_store %arg14[%swap3A_562], %select_n3A_561 {strides = array<i32>} : memref<512xi32, #tpu.memory_space<vmem>>, vector<16xi32>,
      %add3A_564 = arith.constant 432 : i32
      %add3A_565 = vector.broadcast %add3A_564 : i32 to vector<16xi32>
      %add3A_566 = arith.addi %iota3A, %add3A_565 : vector<16xi32>
      %gather3A_567 = tpu.vector_load_idx %arg11[%add3A_566] : memref<1024xf32, #tpu.memory_space<vmem>>[vector<16xi32>], vector<16xf32>,
      %add3A_568 = arith.constant 512 : i32
      %add3A_569 = vector.broadcast %add3A_568 : i32 to vector<16xi32>
      %add3A_570 = arith.addi %add3A_566, %add3A_569 : vector<16xi32>
      %gather3A_571 = tpu.vector_load_idx %arg11[%add3A_570] : memref<1024xf32, #tpu.memory_space<vmem>>[vector<16xi32>], vector<16xf32>,
      %gather3A_572 = tpu.vector_load_idx %arg12[%add3A_566] : memref<1024xi32, #tpu.memory_space<vmem>>[vector<16xi32>], vector<16xi32>,
      %add3A_573 = arith.constant 512 : i32
      %add3A_574 = vector.broadcast %add3A_573 : i32 to vector<16xi32>
      %add3A_575 = arith.addi %add3A_566, %add3A_574 : vector<16xi32>
      %gather3A_576 = tpu.vector_load_idx %arg12[%add3A_575] : memref<1024xi32, #tpu.memory_space<vmem>>[vector<16xi32>], vector<16xi32>,
      %gt3A_577 = arith.cmpf ogt, %gather3A_571, %gather3A_567 : vector<16xf32>
      %eq3A_578 = arith.cmpf oeq, %gather3A_571, %gather3A_567 : vector<16xf32>
      %lt3A_579 = arith.cmpi slt, %gather3A_576, %gather3A_572 : vector<16xi32>
      %and3A_580 = arith.andi %eq3A_578, %lt3A_579 : vector<16xi1>
      %or3A_581 = arith.ori %gt3A_577, %and3A_580 : vector<16xi1>
      %select_n3A_582 = arith.select %or3A_581, %gather3A_576, %gather3A_572 : vector<16xi1>, vector<16xi32>
      %swap3A_583 = arith.constant 432 : index
      %swap3A_584 = tpu.vector_load %arg14[%swap3A_583] {strides = array<i32>} : memref<512xi32, #tpu.memory_space<vmem>>, vector<16xi32>,
      tpu.vector_store %arg14[%swap3A_583], %select_n3A_582 {strides = array<i32>} : memref<512xi32, #tpu.memory_space<vmem>>, vector<16xi32>,
      %add3A_585 = arith.constant 448 : i32
      %add3A_586 = vector.broadcast %add3A_585 : i32 to vector<16xi32>
      %add3A_587 = arith.addi %iota3A, %add3A_586 : vector<16xi32>
      %gather3A_588 = tpu.vector_load_idx %arg11[%add3A_587] : memref<1024xf32, #tpu.memory_space<vmem>>[vector<16xi32>], vector<16xf32>,
      %add3A_589 = arith.constant 512 : i32
      %add3A_590 = vector.broadcast %add3A_589 : i32 to vector<16xi32>
      %add3A_591 = arith.addi %add3A_587, %add3A_590 : vector<16xi32>
      %gather3A_592 = tpu.vector_load_idx %arg11[%add3A_591] : memref<1024xf32, #tpu.memory_space<vmem>>[vector<16xi32>], vector<16xf32>,
      %gather3A_593 = tpu.vector_load_idx %arg12[%add3A_587] : memref<1024xi32, #tpu.memory_space<vmem>>[vector<16xi32>], vector<16xi32>,
      %add3A_594 = arith.constant 512 : i32
      %add3A_595 = vector.broadcast %add3A_594 : i32 to vector<16xi32>
      %add3A_596 = arith.addi %add3A_587, %add3A_595 : vector<16xi32>
      %gather3A_597 = tpu.vector_load_idx %arg12[%add3A_596] : memref<1024xi32, #tpu.memory_space<vmem>>[vector<16xi32>], vector<16xi32>,
      %gt3A_598 = arith.cmpf ogt, %gather3A_592, %gather3A_588 : vector<16xf32>
      %eq3A_599 = arith.cmpf oeq, %gather3A_592, %gather3A_588 : vector<16xf32>
      %lt3A_600 = arith.cmpi slt, %gather3A_597, %gather3A_593 : vector<16xi32>
      %and3A_601 = arith.andi %eq3A_599, %lt3A_600 : vector<16xi1>
      %or3A_602 = arith.ori %gt3A_598, %and3A_601 : vector<16xi1>
      %select_n3A_603 = arith.select %or3A_602, %gather3A_597, %gather3A_593 : vector<16xi1>, vector<16xi32>
      %swap3A_604 = arith.constant 448 : index
      %swap3A_605 = tpu.vector_load %arg14[%swap3A_604] {strides = array<i32>} : memref<512xi32, #tpu.memory_space<vmem>>, vector<16xi32>,
      tpu.vector_store %arg14[%swap3A_604], %select_n3A_603 {strides = array<i32>} : memref<512xi32, #tpu.memory_space<vmem>>, vector<16xi32>,
      %add3A_606 = arith.constant 464 : i32
      %add3A_607 = vector.broadcast %add3A_606 : i32 to vector<16xi32>
      %add3A_608 = arith.addi %iota3A, %add3A_607 : vector<16xi32>
      %gather3A_609 = tpu.vector_load_idx %arg11[%add3A_608] : memref<1024xf32, #tpu.memory_space<vmem>>[vector<16xi32>], vector<16xf32>,
      %add3A_610 = arith.constant 512 : i32
      %add3A_611 = vector.broadcast %add3A_610 : i32 to vector<16xi32>
      %add3A_612 = arith.addi %add3A_608, %add3A_611 : vector<16xi32>
      %gather3A_613 = tpu.vector_load_idx %arg11[%add3A_612] : memref<1024xf32, #tpu.memory_space<vmem>>[vector<16xi32>], vector<16xf32>,
      %gather3A_614 = tpu.vector_load_idx %arg12[%add3A_608] : memref<1024xi32, #tpu.memory_space<vmem>>[vector<16xi32>], vector<16xi32>,
      %add3A_615 = arith.constant 512 : i32
      %add3A_616 = vector.broadcast %add3A_615 : i32 to vector<16xi32>
      %add3A_617 = arith.addi %add3A_608, %add3A_616 : vector<16xi32>
      %gather3A_618 = tpu.vector_load_idx %arg12[%add3A_617] : memref<1024xi32, #tpu.memory_space<vmem>>[vector<16xi32>], vector<16xi32>,
      %gt3A_619 = arith.cmpf ogt, %gather3A_613, %gather3A_609 : vector<16xf32>
      %eq3A_620 = arith.cmpf oeq, %gather3A_613, %gather3A_609 : vector<16xf32>
      %lt3A_621 = arith.cmpi slt, %gather3A_618, %gather3A_614 : vector<16xi32>
      %and3A_622 = arith.andi %eq3A_620, %lt3A_621 : vector<16xi1>
      %or3A_623 = arith.ori %gt3A_619, %and3A_622 : vector<16xi1>
      %select_n3A_624 = arith.select %or3A_623, %gather3A_618, %gather3A_614 : vector<16xi1>, vector<16xi32>
      %swap3A_625 = arith.constant 464 : index
      %swap3A_626 = tpu.vector_load %arg14[%swap3A_625] {strides = array<i32>} : memref<512xi32, #tpu.memory_space<vmem>>, vector<16xi32>,
      tpu.vector_store %arg14[%swap3A_625], %select_n3A_624 {strides = array<i32>} : memref<512xi32, #tpu.memory_space<vmem>>, vector<16xi32>,
      %add3A_627 = arith.constant 480 : i32
      %add3A_628 = vector.broadcast %add3A_627 : i32 to vector<16xi32>
      %add3A_629 = arith.addi %iota3A, %add3A_628 : vector<16xi32>
      %gather3A_630 = tpu.vector_load_idx %arg11[%add3A_629] : memref<1024xf32, #tpu.memory_space<vmem>>[vector<16xi32>], vector<16xf32>,
      %add3A_631 = arith.constant 512 : i32
      %add3A_632 = vector.broadcast %add3A_631 : i32 to vector<16xi32>
      %add3A_633 = arith.addi %add3A_629, %add3A_632 : vector<16xi32>
      %gather3A_634 = tpu.vector_load_idx %arg11[%add3A_633] : memref<1024xf32, #tpu.memory_space<vmem>>[vector<16xi32>], vector<16xf32>,
      %gather3A_635 = tpu.vector_load_idx %arg12[%add3A_629] : memref<1024xi32, #tpu.memory_space<vmem>>[vector<16xi32>], vector<16xi32>,
      %add3A_636 = arith.constant 512 : i32
      %add3A_637 = vector.broadcast %add3A_636 : i32 to vector<16xi32>
      %add3A_638 = arith.addi %add3A_629, %add3A_637 : vector<16xi32>
      %gather3A_639 = tpu.vector_load_idx %arg12[%add3A_638] : memref<1024xi32, #tpu.memory_space<vmem>>[vector<16xi32>], vector<16xi32>,
      %gt3A_640 = arith.cmpf ogt, %gather3A_634, %gather3A_630 : vector<16xf32>
      %eq3A_641 = arith.cmpf oeq, %gather3A_634, %gather3A_630 : vector<16xf32>
      %lt3A_642 = arith.cmpi slt, %gather3A_639, %gather3A_635 : vector<16xi32>
      %and3A_643 = arith.andi %eq3A_641, %lt3A_642 : vector<16xi1>
      %or3A_644 = arith.ori %gt3A_640, %and3A_643 : vector<16xi1>
      %select_n3A_645 = arith.select %or3A_644, %gather3A_639, %gather3A_635 : vector<16xi1>, vector<16xi32>
      %swap3A_646 = arith.constant 480 : index
      %swap3A_647 = tpu.vector_load %arg14[%swap3A_646] {strides = array<i32>} : memref<512xi32, #tpu.memory_space<vmem>>, vector<16xi32>,
      tpu.vector_store %arg14[%swap3A_646], %select_n3A_645 {strides = array<i32>} : memref<512xi32, #tpu.memory_space<vmem>>, vector<16xi32>,
      %add3A_648 = arith.constant 496 : i32
      %add3A_649 = vector.broadcast %add3A_648 : i32 to vector<16xi32>
      %add3A_650 = arith.addi %iota3A, %add3A_649 : vector<16xi32>
      %gather3A_651 = tpu.vector_load_idx %arg11[%add3A_650] : memref<1024xf32, #tpu.memory_space<vmem>>[vector<16xi32>], vector<16xf32>,
      %add3A_652 = arith.constant 512 : i32
      %add3A_653 = vector.broadcast %add3A_652 : i32 to vector<16xi32>
      %add3A_654 = arith.addi %add3A_650, %add3A_653 : vector<16xi32>
      %gather3A_655 = tpu.vector_load_idx %arg11[%add3A_654] : memref<1024xf32, #tpu.memory_space<vmem>>[vector<16xi32>], vector<16xf32>,
      %gather3A_656 = tpu.vector_load_idx %arg12[%add3A_650] : memref<1024xi32, #tpu.memory_space<vmem>>[vector<16xi32>], vector<16xi32>,
      %add3A_657 = arith.constant 512 : i32
      %add3A_658 = vector.broadcast %add3A_657 : i32 to vector<16xi32>
      %add3A_659 = arith.addi %add3A_650, %add3A_658 : vector<16xi32>
      %gather3A_660 = tpu.vector_load_idx %arg12[%add3A_659] : memref<1024xi32, #tpu.memory_space<vmem>>[vector<16xi32>], vector<16xi32>,
      %gt3A_661 = arith.cmpf ogt, %gather3A_655, %gather3A_651 : vector<16xf32>
      %eq3A_662 = arith.cmpf oeq, %gather3A_655, %gather3A_651 : vector<16xf32>
      %lt3A_663 = arith.cmpi slt, %gather3A_660, %gather3A_656 : vector<16xi32>
      %and3A_664 = arith.andi %eq3A_662, %lt3A_663 : vector<16xi1>
      %or3A_665 = arith.ori %gt3A_661, %and3A_664 : vector<16xi1>
      %select_n3A_666 = arith.select %or3A_665, %gather3A_660, %gather3A_656 : vector<16xi1>, vector<16xi32>
      %swap3A_667 = arith.constant 496 : index
      %swap3A_668 = tpu.vector_load %arg14[%swap3A_667] {strides = array<i32>} : memref<512xi32, #tpu.memory_space<vmem>>, vector<16xi32>,
      tpu.vector_store %arg14[%swap3A_667], %select_n3A_666 {strides = array<i32>} : memref<512xi32, #tpu.memory_space<vmem>>, vector<16xi32>,
      %get3A = arith.constant 0 : index
      %get3A_669 = tpu.vector_load %arg15[%get3A] {strides = array<i32>} : memref<64xi32, #tpu.memory_space<vmem>>, vector<16xi32>,
      %get3A_670 = arith.constant 0 : index
      %get3A_671 = tpu.vector_load %arg16[%get3A_670] {strides = array<i32>} : memref<64xi32, #tpu.memory_space<vmem>>, vector<16xi32>,
      %get3A_672 = arith.constant 0 : index
      %get3A_673 = tpu.vector_load %arg17[%get3A_672] {strides = array<i32>} : memref<64xi32, #tpu.memory_space<vmem>>, vector<16xi32>,
      %broadcast_in_dim3A = arith.constant true
      %broadcast_in_dim3A_674 = vector.broadcast %broadcast_in_dim3A : i1 to vector<16xi1>
      %masked_cumsum3A = tpu.scan <sum>, %get3A_669 masked %broadcast_in_dim3A_674 : vector<16xi32>, vector<16xi1> -> vector<16xi32>
      %sub3A = arith.subi %masked_cumsum3A, %get3A_669 : vector<16xi32>
      %add3A_675 = arith.constant 0 : i32
      %add3A_676 = vector.broadcast %add3A_675 : i32 to vector<16xi32>
      %add3A_677 = arith.addi %sub3A, %add3A_676 : vector<16xi32>
      %reduce_max3A = arith.constant true
      %reduce_max3A_678 = vector.broadcast %reduce_max3A : i1 to vector<16xi1>
      %reduce_max3A_679 = arith.constant -2147483648 : i32
      %reduce_max3A_680 = vector.broadcast %reduce_max3A_679 : i32 to vector<16xi32>
      %reduce_max3A_681 = arith.xori %masked_cumsum3A, %reduce_max3A_680 : vector<16xi32>
      %reduce_max3A_682 = tpu.scan <max>, %reduce_max3A_681 masked %reduce_max3A_678 : vector<16xi32>, vector<16xi1> -> vector<16xi32>
      %reduce_max3A_683 = arith.xori %reduce_max3A_682, %reduce_max3A_680 : vector<16xi32>
      %reduce_max3A_684 = vector.extract %reduce_max3A_683[15] : i32 from vector<16xi32>
      %add3A_685 = arith.constant 0 : i32
      %add3A_686 = arith.addi %add3A_685, %reduce_max3A_684 : i32
      %broadcast_in_dim3A_687 = arith.constant 8 : i32
      %broadcast_in_dim3A_688 = vector.broadcast %broadcast_in_dim3A_687 : i32 to vector<16xi32>
      %add3A_689 = arith.constant 0 : i32
      %add3A_690 = vector.broadcast %add3A_689 : i32 to vector<16xi32>
      %add3A_691 = arith.addi %add3A_677, %add3A_690 : vector<16xi32>
      %jit3A = arith.constant 0 : i64
      %jit3A_692 = arith.constant 511 : i64
      %convert_element_type3A_693 = arith.trunci %jit3A : i64 to i32
      %max3A = vector.broadcast %convert_element_type3A_693 : i32 to vector<16xi32>
      %max3A_694 = arith.maxsi %max3A, %add3A_691 : vector<16xi32>
      %convert_element_type3A_695 = arith.trunci %jit3A_692 : i64 to i32
      %min3A = vector.broadcast %convert_element_type3A_695 : i32 to vector<16xi32>
      %min3A_696 = arith.minsi %min3A, %max3A_694 : vector<16xi32>
      %gather3A_697 = tpu.vector_load_idx %arg14[%min3A_696] : memref<512xi32, #tpu.memory_space<vmem>>[vector<16xi32>], vector<16xi32>,
      %gather3A_698 = tpu.vector_load_idx %arg13[%min3A_696] : memref<512xi32, #tpu.memory_space<vmem>>[vector<16xi32>], vector<16xi32>,
      %eq3A_699 = arith.cmpi eq, %gather3A_697, %gather3A_698 : vector<16xi32>
      %broadcast_in_dim3A_700 = arith.constant 0 : i32
      %broadcast_in_dim3A_701 = vector.broadcast %broadcast_in_dim3A_700 : i32 to vector<16xi32>
      %lt3A_702 = arith.cmpi slt, %broadcast_in_dim3A_701, %get3A_671 : vector<16xi32>
      %and3A_703 = arith.andi %eq3A_699, %lt3A_702 : vector<16xi1>
      %broadcast_in_dim3A_704 = arith.constant 8 : i32
      %broadcast_in_dim3A_705 = vector.broadcast %broadcast_in_dim3A_704 : i32 to vector<16xi32>
      %broadcast_in_dim3A_706 = arith.constant 0 : i32
      %broadcast_in_dim3A_707 = vector.broadcast %broadcast_in_dim3A_706 : i32 to vector<16xi32>
      %select_n3A_708 = arith.select %and3A_703, %broadcast_in_dim3A_705, %broadcast_in_dim3A_707 : vector<16xi1>, vector<16xi32>
      %min3A_709 = arith.minsi %broadcast_in_dim3A_688, %select_n3A_708 : vector<16xi32>
      %add3A_710 = arith.constant 1 : i32
      %add3A_711 = vector.broadcast %add3A_710 : i32 to vector<16xi32>
      %add3A_712 = arith.addi %add3A_677, %add3A_711 : vector<16xi32>
      %jit3A_713 = arith.constant 0 : i64
      %jit3A_714 = arith.constant 511 : i64
      %convert_element_type3A_715 = arith.trunci %jit3A_713 : i64 to i32
      %max3A_716 = vector.broadcast %convert_element_type3A_715 : i32 to vector<16xi32>
      %max3A_717 = arith.maxsi %max3A_716, %add3A_712 : vector<16xi32>
      %convert_element_type3A_718 = arith.trunci %jit3A_714 : i64 to i32
      %min3A_719 = vector.broadcast %convert_element_type3A_718 : i32 to vector<16xi32>
      %min3A_720 = arith.minsi %min3A_719, %max3A_717 : vector<16xi32>
      %gather3A_721 = tpu.vector_load_idx %arg14[%min3A_720] : memref<512xi32, #tpu.memory_space<vmem>>[vector<16xi32>], vector<16xi32>,
      %gather3A_722 = tpu.vector_load_idx %arg13[%min3A_720] : memref<512xi32, #tpu.memory_space<vmem>>[vector<16xi32>], vector<16xi32>,
      %eq3A_723 = arith.cmpi eq, %gather3A_721, %gather3A_722 : vector<16xi32>
      %broadcast_in_dim3A_724 = arith.constant 1 : i32
      %broadcast_in_dim3A_725 = vector.broadcast %broadcast_in_dim3A_724 : i32 to vector<16xi32>
      %lt3A_726 = arith.cmpi slt, %broadcast_in_dim3A_725, %get3A_671 : vector<16xi32>
      %and3A_727 = arith.andi %eq3A_723, %lt3A_726 : vector<16xi1>
      %broadcast_in_dim3A_728 = arith.constant 8 : i32
      %broadcast_in_dim3A_729 = vector.broadcast %broadcast_in_dim3A_728 : i32 to vector<16xi32>
      %broadcast_in_dim3A_730 = arith.constant 1 : i32
      %broadcast_in_dim3A_731 = vector.broadcast %broadcast_in_dim3A_730 : i32 to vector<16xi32>
      %select_n3A_732 = arith.select %and3A_727, %broadcast_in_dim3A_729, %broadcast_in_dim3A_731 : vector<16xi1>, vector<16xi32>
      %min3A_733 = arith.minsi %min3A_709, %select_n3A_732 : vector<16xi32>
      %add3A_734 = arith.constant 2 : i32
      %add3A_735 = vector.broadcast %add3A_734 : i32 to vector<16xi32>
      %add3A_736 = arith.addi %add3A_677, %add3A_735 : vector<16xi32>
      %jit3A_737 = arith.constant 0 : i64
      %jit3A_738 = arith.constant 511 : i64
      %convert_element_type3A_739 = arith.trunci %jit3A_737 : i64 to i32
      %max3A_740 = vector.broadcast %convert_element_type3A_739 : i32 to vector<16xi32>
      %max3A_741 = arith.maxsi %max3A_740, %add3A_736 : vector<16xi32>
      %convert_element_type3A_742 = arith.trunci %jit3A_738 : i64 to i32
      %min3A_743 = vector.broadcast %convert_element_type3A_742 : i32 to vector<16xi32>
      %min3A_744 = arith.minsi %min3A_743, %max3A_741 : vector<16xi32>
      %gather3A_745 = tpu.vector_load_idx %arg14[%min3A_744] : memref<512xi32, #tpu.memory_space<vmem>>[vector<16xi32>], vector<16xi32>,
      %gather3A_746 = tpu.vector_load_idx %arg13[%min3A_744] : memref<512xi32, #tpu.memory_space<vmem>>[vector<16xi32>], vector<16xi32>,
      %eq3A_747 = arith.cmpi eq, %gather3A_745, %gather3A_746 : vector<16xi32>
      %broadcast_in_dim3A_748 = arith.constant 2 : i32
      %broadcast_in_dim3A_749 = vector.broadcast %broadcast_in_dim3A_748 : i32 to vector<16xi32>
      %lt3A_750 = arith.cmpi slt, %broadcast_in_dim3A_749, %get3A_671 : vector<16xi32>
      %and3A_751 = arith.andi %eq3A_747, %lt3A_750 : vector<16xi1>
      %broadcast_in_dim3A_752 = arith.constant 8 : i32
      %broadcast_in_dim3A_753 = vector.broadcast %broadcast_in_dim3A_752 : i32 to vector<16xi32>
      %broadcast_in_dim3A_754 = arith.constant 2 : i32
      %broadcast_in_dim3A_755 = vector.broadcast %broadcast_in_dim3A_754 : i32 to vector<16xi32>
      %select_n3A_756 = arith.select %and3A_751, %broadcast_in_dim3A_753, %broadcast_in_dim3A_755 : vector<16xi1>, vector<16xi32>
      %min3A_757 = arith.minsi %min3A_733, %select_n3A_756 : vector<16xi32>
      %add3A_758 = arith.constant 3 : i32
      %add3A_759 = vector.broadcast %add3A_758 : i32 to vector<16xi32>
      %add3A_760 = arith.addi %add3A_677, %add3A_759 : vector<16xi32>
      %jit3A_761 = arith.constant 0 : i64
      %jit3A_762 = arith.constant 511 : i64
      %convert_element_type3A_763 = arith.trunci %jit3A_761 : i64 to i32
      %max3A_764 = vector.broadcast %convert_element_type3A_763 : i32 to vector<16xi32>
      %max3A_765 = arith.maxsi %max3A_764, %add3A_760 : vector<16xi32>
      %convert_element_type3A_766 = arith.trunci %jit3A_762 : i64 to i32
      %min3A_767 = vector.broadcast %convert_element_type3A_766 : i32 to vector<16xi32>
      %min3A_768 = arith.minsi %min3A_767, %max3A_765 : vector<16xi32>
      %gather3A_769 = tpu.vector_load_idx %arg14[%min3A_768] : memref<512xi32, #tpu.memory_space<vmem>>[vector<16xi32>], vector<16xi32>,
      %gather3A_770 = tpu.vector_load_idx %arg13[%min3A_768] : memref<512xi32, #tpu.memory_space<vmem>>[vector<16xi32>], vector<16xi32>,
      %eq3A_771 = arith.cmpi eq, %gather3A_769, %gather3A_770 : vector<16xi32>
      %broadcast_in_dim3A_772 = arith.constant 3 : i32
      %broadcast_in_dim3A_773 = vector.broadcast %broadcast_in_dim3A_772 : i32 to vector<16xi32>
      %lt3A_774 = arith.cmpi slt, %broadcast_in_dim3A_773, %get3A_671 : vector<16xi32>
      %and3A_775 = arith.andi %eq3A_771, %lt3A_774 : vector<16xi1>
      %broadcast_in_dim3A_776 = arith.constant 8 : i32
      %broadcast_in_dim3A_777 = vector.broadcast %broadcast_in_dim3A_776 : i32 to vector<16xi32>
      %broadcast_in_dim3A_778 = arith.constant 3 : i32
      %broadcast_in_dim3A_779 = vector.broadcast %broadcast_in_dim3A_778 : i32 to vector<16xi32>
      %select_n3A_780 = arith.select %and3A_775, %broadcast_in_dim3A_777, %broadcast_in_dim3A_779 : vector<16xi1>, vector<16xi32>
      %min3A_781 = arith.minsi %min3A_757, %select_n3A_780 : vector<16xi32>
      %add3A_782 = arith.constant 4 : i32
      %add3A_783 = vector.broadcast %add3A_782 : i32 to vector<16xi32>
      %add3A_784 = arith.addi %add3A_677, %add3A_783 : vector<16xi32>
      %jit3A_785 = arith.constant 0 : i64
      %jit3A_786 = arith.constant 511 : i64
      %convert_element_type3A_787 = arith.trunci %jit3A_785 : i64 to i32
      %max3A_788 = vector.broadcast %convert_element_type3A_787 : i32 to vector<16xi32>
      %max3A_789 = arith.maxsi %max3A_788, %add3A_784 : vector<16xi32>
      %convert_element_type3A_790 = arith.trunci %jit3A_786 : i64 to i32
      %min3A_791 = vector.broadcast %convert_element_type3A_790 : i32 to vector<16xi32>
      %min3A_792 = arith.minsi %min3A_791, %max3A_789 : vector<16xi32>
      %gather3A_793 = tpu.vector_load_idx %arg14[%min3A_792] : memref<512xi32, #tpu.memory_space<vmem>>[vector<16xi32>], vector<16xi32>,
      %gather3A_794 = tpu.vector_load_idx %arg13[%min3A_792] : memref<512xi32, #tpu.memory_space<vmem>>[vector<16xi32>], vector<16xi32>,
      %eq3A_795 = arith.cmpi eq, %gather3A_793, %gather3A_794 : vector<16xi32>
      %broadcast_in_dim3A_796 = arith.constant 4 : i32
      %broadcast_in_dim3A_797 = vector.broadcast %broadcast_in_dim3A_796 : i32 to vector<16xi32>
      %lt3A_798 = arith.cmpi slt, %broadcast_in_dim3A_797, %get3A_671 : vector<16xi32>
      %and3A_799 = arith.andi %eq3A_795, %lt3A_798 : vector<16xi1>
      %broadcast_in_dim3A_800 = arith.constant 8 : i32
      %broadcast_in_dim3A_801 = vector.broadcast %broadcast_in_dim3A_800 : i32 to vector<16xi32>
      %broadcast_in_dim3A_802 = arith.constant 4 : i32
      %broadcast_in_dim3A_803 = vector.broadcast %broadcast_in_dim3A_802 : i32 to vector<16xi32>
      %select_n3A_804 = arith.select %and3A_799, %broadcast_in_dim3A_801, %broadcast_in_dim3A_803 : vector<16xi1>, vector<16xi32>
      %min3A_805 = arith.minsi %min3A_781, %select_n3A_804 : vector<16xi32>
      %add3A_806 = arith.constant 5 : i32
      %add3A_807 = vector.broadcast %add3A_806 : i32 to vector<16xi32>
      %add3A_808 = arith.addi %add3A_677, %add3A_807 : vector<16xi32>
      %jit3A_809 = arith.constant 0 : i64
      %jit3A_810 = arith.constant 511 : i64
      %convert_element_type3A_811 = arith.trunci %jit3A_809 : i64 to i32
      %max3A_812 = vector.broadcast %convert_element_type3A_811 : i32 to vector<16xi32>
      %max3A_813 = arith.maxsi %max3A_812, %add3A_808 : vector<16xi32>
      %convert_element_type3A_814 = arith.trunci %jit3A_810 : i64 to i32
      %min3A_815 = vector.broadcast %convert_element_type3A_814 : i32 to vector<16xi32>
      %min3A_816 = arith.minsi %min3A_815, %max3A_813 : vector<16xi32>
      %gather3A_817 = tpu.vector_load_idx %arg14[%min3A_816] : memref<512xi32, #tpu.memory_space<vmem>>[vector<16xi32>], vector<16xi32>,
      %gather3A_818 = tpu.vector_load_idx %arg13[%min3A_816] : memref<512xi32, #tpu.memory_space<vmem>>[vector<16xi32>], vector<16xi32>,
      %eq3A_819 = arith.cmpi eq, %gather3A_817, %gather3A_818 : vector<16xi32>
      %broadcast_in_dim3A_820 = arith.constant 5 : i32
      %broadcast_in_dim3A_821 = vector.broadcast %broadcast_in_dim3A_820 : i32 to vector<16xi32>
      %lt3A_822 = arith.cmpi slt, %broadcast_in_dim3A_821, %get3A_671 : vector<16xi32>
      %and3A_823 = arith.andi %eq3A_819, %lt3A_822 : vector<16xi1>
      %broadcast_in_dim3A_824 = arith.constant 8 : i32
      %broadcast_in_dim3A_825 = vector.broadcast %broadcast_in_dim3A_824 : i32 to vector<16xi32>
      %broadcast_in_dim3A_826 = arith.constant 5 : i32
      %broadcast_in_dim3A_827 = vector.broadcast %broadcast_in_dim3A_826 : i32 to vector<16xi32>
      %select_n3A_828 = arith.select %and3A_823, %broadcast_in_dim3A_825, %broadcast_in_dim3A_827 : vector<16xi1>, vector<16xi32>
      %min3A_829 = arith.minsi %min3A_805, %select_n3A_828 : vector<16xi32>
      %add3A_830 = arith.constant 6 : i32
      %add3A_831 = vector.broadcast %add3A_830 : i32 to vector<16xi32>
      %add3A_832 = arith.addi %add3A_677, %add3A_831 : vector<16xi32>
      %jit3A_833 = arith.constant 0 : i64
      %jit3A_834 = arith.constant 511 : i64
      %convert_element_type3A_835 = arith.trunci %jit3A_833 : i64 to i32
      %max3A_836 = vector.broadcast %convert_element_type3A_835 : i32 to vector<16xi32>
      %max3A_837 = arith.maxsi %max3A_836, %add3A_832 : vector<16xi32>
      %convert_element_type3A_838 = arith.trunci %jit3A_834 : i64 to i32
      %min3A_839 = vector.broadcast %convert_element_type3A_838 : i32 to vector<16xi32>
      %min3A_840 = arith.minsi %min3A_839, %max3A_837 : vector<16xi32>
      %gather3A_841 = tpu.vector_load_idx %arg14[%min3A_840] : memref<512xi32, #tpu.memory_space<vmem>>[vector<16xi32>], vector<16xi32>,
      %gather3A_842 = tpu.vector_load_idx %arg13[%min3A_840] : memref<512xi32, #tpu.memory_space<vmem>>[vector<16xi32>], vector<16xi32>,
      %eq3A_843 = arith.cmpi eq, %gather3A_841, %gather3A_842 : vector<16xi32>
      %broadcast_in_dim3A_844 = arith.constant 6 : i32
      %broadcast_in_dim3A_845 = vector.broadcast %broadcast_in_dim3A_844 : i32 to vector<16xi32>
      %lt3A_846 = arith.cmpi slt, %broadcast_in_dim3A_845, %get3A_671 : vector<16xi32>
      %and3A_847 = arith.andi %eq3A_843, %lt3A_846 : vector<16xi1>
      %broadcast_in_dim3A_848 = arith.constant 8 : i32
      %broadcast_in_dim3A_849 = vector.broadcast %broadcast_in_dim3A_848 : i32 to vector<16xi32>
      %broadcast_in_dim3A_850 = arith.constant 6 : i32
      %broadcast_in_dim3A_851 = vector.broadcast %broadcast_in_dim3A_850 : i32 to vector<16xi32>
      %select_n3A_852 = arith.select %and3A_847, %broadcast_in_dim3A_849, %broadcast_in_dim3A_851 : vector<16xi1>, vector<16xi32>
      %min3A_853 = arith.minsi %min3A_829, %select_n3A_852 : vector<16xi32>
      %add3A_854 = arith.constant 7 : i32
      %add3A_855 = vector.broadcast %add3A_854 : i32 to vector<16xi32>
      %add3A_856 = arith.addi %add3A_677, %add3A_855 : vector<16xi32>
      %jit3A_857 = arith.constant 0 : i64
      %jit3A_858 = arith.constant 511 : i64
      %convert_element_type3A_859 = arith.trunci %jit3A_857 : i64 to i32
      %max3A_860 = vector.broadcast %convert_element_type3A_859 : i32 to vector<16xi32>
      %max3A_861 = arith.maxsi %max3A_860, %add3A_856 : vector<16xi32>
      %convert_element_type3A_862 = arith.trunci %jit3A_858 : i64 to i32
      %min3A_863 = vector.broadcast %convert_element_type3A_862 : i32 to vector<16xi32>
      %min3A_864 = arith.minsi %min3A_863, %max3A_861 : vector<16xi32>
      %gather3A_865 = tpu.vector_load_idx %arg14[%min3A_864] : memref<512xi32, #tpu.memory_space<vmem>>[vector<16xi32>], vector<16xi32>,
      %gather3A_866 = tpu.vector_load_idx %arg13[%min3A_864] : memref<512xi32, #tpu.memory_space<vmem>>[vector<16xi32>], vector<16xi32>,
      %eq3A_867 = arith.cmpi eq, %gather3A_865, %gather3A_866 : vector<16xi32>
      %broadcast_in_dim3A_868 = arith.constant 7 : i32
      %broadcast_in_dim3A_869 = vector.broadcast %broadcast_in_dim3A_868 : i32 to vector<16xi32>
      %lt3A_870 = arith.cmpi slt, %broadcast_in_dim3A_869, %get3A_671 : vector<16xi32>
      %and3A_871 = arith.andi %eq3A_867, %lt3A_870 : vector<16xi1>
      %broadcast_in_dim3A_872 = arith.constant 8 : i32
      %broadcast_in_dim3A_873 = vector.broadcast %broadcast_in_dim3A_872 : i32 to vector<16xi32>
      %broadcast_in_dim3A_874 = arith.constant 7 : i32
      %broadcast_in_dim3A_875 = vector.broadcast %broadcast_in_dim3A_874 : i32 to vector<16xi32>
      %select_n3A_876 = arith.select %and3A_871, %broadcast_in_dim3A_873, %broadcast_in_dim3A_875 : vector<16xi1>, vector<16xi32>
      %min3A_877 = arith.minsi %min3A_853, %select_n3A_876 : vector<16xi32>
      %eq3A_878 = arith.cmpi eq, %min3A_877, %get3A_669 : vector<16xi32>
      %broadcast_in_dim3A_879 = arith.constant 1 : i32
      %broadcast_in_dim3A_880 = vector.broadcast %broadcast_in_dim3A_879 : i32 to vector<16xi32>
      %broadcast_in_dim3A_881 = arith.constant 0 : i32
      %broadcast_in_dim3A_882 = vector.broadcast %broadcast_in_dim3A_881 : i32 to vector<16xi32>
      %select_n3A_883 = arith.select %eq3A_878, %broadcast_in_dim3A_882, %broadcast_in_dim3A_880 : vector<16xi1>, vector<16xi32>
      %add3A_884 = arith.addi %min3A_877, %select_n3A_883 : vector<16xi32>
      %sub3A_885 = arith.subi %get3A_669, %min3A_877 : vector<16xi32>
      %swap3A_886 = arith.constant 0 : index
      %swap3A_887 = tpu.vector_load %arg19[%swap3A_886] {strides = array<i32>} : memref<64xi32, #tpu.memory_space<vmem>>, vector<16xi32>,
      tpu.vector_store %arg19[%swap3A_886], %sub3A_885 {strides = array<i32>} : memref<64xi32, #tpu.memory_space<vmem>>, vector<16xi32>,
      %sub3A_888 = arith.constant 1 : i32
      %sub3A_889 = vector.broadcast %sub3A_888 : i32 to vector<16xi32>
      %sub3A_890 = arith.subi %add3A_884, %sub3A_889 : vector<16xi32>
      %jit3A_891 = arith.constant 0 : i64
      %jit3A_892 = arith.constant 7 : i64
      %convert_element_type3A_893 = arith.trunci %jit3A_891 : i64 to i32
      %max3A_894 = vector.broadcast %convert_element_type3A_893 : i32 to vector<16xi32>
      %max3A_895 = arith.maxsi %max3A_894, %sub3A_890 : vector<16xi32>
      %convert_element_type3A_896 = arith.trunci %jit3A_892 : i64 to i32
      %min3A_897 = vector.broadcast %convert_element_type3A_896 : i32 to vector<16xi32>
      %min3A_898 = arith.minsi %min3A_897, %max3A_895 : vector<16xi32>
      %broadcast_in_dim3A_899 = arith.constant 0 : i32
      %broadcast_in_dim3A_900 = vector.broadcast %broadcast_in_dim3A_899 : i32 to vector<16xi32>
      %eq3A_901 = arith.cmpi eq, %min3A_898, %broadcast_in_dim3A_900 : vector<16xi32>
      %select_n3A_902 = arith.select %eq3A_901, %gather3A_697, %broadcast_in_dim3A_882 : vector<16xi1>, vector<16xi32>
      %broadcast_in_dim3A_903 = arith.constant 1 : i32
      %broadcast_in_dim3A_904 = vector.broadcast %broadcast_in_dim3A_903 : i32 to vector<16xi32>
      %eq3A_905 = arith.cmpi eq, %min3A_898, %broadcast_in_dim3A_904 : vector<16xi32>
      %select_n3A_906 = arith.select %eq3A_905, %gather3A_721, %select_n3A_902 : vector<16xi1>, vector<16xi32>
      %broadcast_in_dim3A_907 = arith.constant 2 : i32
      %broadcast_in_dim3A_908 = vector.broadcast %broadcast_in_dim3A_907 : i32 to vector<16xi32>
      %eq3A_909 = arith.cmpi eq, %min3A_898, %broadcast_in_dim3A_908 : vector<16xi32>
      %select_n3A_910 = arith.select %eq3A_909, %gather3A_745, %select_n3A_906 : vector<16xi1>, vector<16xi32>
      %broadcast_in_dim3A_911 = arith.constant 3 : i32
      %broadcast_in_dim3A_912 = vector.broadcast %broadcast_in_dim3A_911 : i32 to vector<16xi32>
      %eq3A_913 = arith.cmpi eq, %min3A_898, %broadcast_in_dim3A_912 : vector<16xi32>
      %select_n3A_914 = arith.select %eq3A_913, %gather3A_769, %select_n3A_910 : vector<16xi1>, vector<16xi32>
      %broadcast_in_dim3A_915 = arith.constant 4 : i32
      %broadcast_in_dim3A_916 = vector.broadcast %broadcast_in_dim3A_915 : i32 to vector<16xi32>
      %eq3A_917 = arith.cmpi eq, %min3A_898, %broadcast_in_dim3A_916 : vector<16xi32>
      %select_n3A_918 = arith.select %eq3A_917, %gather3A_793, %select_n3A_914 : vector<16xi1>, vector<16xi32>
      %broadcast_in_dim3A_919 = arith.constant 5 : i32
      %broadcast_in_dim3A_920 = vector.broadcast %broadcast_in_dim3A_919 : i32 to vector<16xi32>
      %eq3A_921 = arith.cmpi eq, %min3A_898, %broadcast_in_dim3A_920 : vector<16xi32>
      %select_n3A_922 = arith.select %eq3A_921, %gather3A_817, %select_n3A_918 : vector<16xi1>, vector<16xi32>
      %broadcast_in_dim3A_923 = arith.constant 6 : i32
      %broadcast_in_dim3A_924 = vector.broadcast %broadcast_in_dim3A_923 : i32 to vector<16xi32>
      %eq3A_925 = arith.cmpi eq, %min3A_898, %broadcast_in_dim3A_924 : vector<16xi32>
      %select_n3A_926 = arith.select %eq3A_925, %gather3A_841, %select_n3A_922 : vector<16xi1>, vector<16xi32>
      %broadcast_in_dim3A_927 = arith.constant 7 : i32
      %broadcast_in_dim3A_928 = vector.broadcast %broadcast_in_dim3A_927 : i32 to vector<16xi32>
      %eq3A_929 = arith.cmpi eq, %min3A_898, %broadcast_in_dim3A_928 : vector<16xi32>
      %select_n3A_930 = arith.select %eq3A_929, %gather3A_865, %select_n3A_926 : vector<16xi1>, vector<16xi32>
      %select_n3A_931 = arith.select %eq3A_878, %get3A_673, %select_n3A_930 : vector<16xi1>, vector<16xi32>
      %swap3A_932 = arith.constant 0 : index
      %swap3A_933 = tpu.vector_load %arg20[%swap3A_932] {strides = array<i32>} : memref<64xi32, #tpu.memory_space<vmem>>, vector<16xi32>,
      tpu.vector_store %arg20[%swap3A_932], %select_n3A_931 {strides = array<i32>} : memref<64xi32, #tpu.memory_space<vmem>>, vector<16xi32>,
      %add3A_934 = arith.constant 0 : i32
      %add3A_935 = vector.broadcast %add3A_934 : i32 to vector<16xi32>
      %add3A_936 = arith.addi %iota3A, %add3A_935 : vector<16xi32>
      %broadcast_in_dim3A_937 = arith.constant -1 : i32
      %broadcast_in_dim3A_938 = vector.broadcast %broadcast_in_dim3A_937 : i32 to vector<16xi32>
      %broadcast_in_dim3A_939 = arith.constant 0 : i32
      %broadcast_in_dim3A_940 = vector.broadcast %broadcast_in_dim3A_939 : i32 to vector<16xi32>
      %lt3A_941 = arith.cmpi slt, %broadcast_in_dim3A_940, %add3A_884 : vector<16xi32>
      %eq3A_942 = arith.cmpi eq, %get3A_669, %broadcast_in_dim3A_940 : vector<16xi32>
      %and3A_943 = arith.andi %eq3A_878, %eq3A_942 : vector<16xi1>
      %select_n3A_944 = arith.select %and3A_943, %get3A_673, %broadcast_in_dim3A_938 : vector<16xi1>, vector<16xi32>
      %select_n3A_945 = arith.select %lt3A_941, %gather3A_697, %select_n3A_944 : vector<16xi1>, vector<16xi32>
      tpu.vector_store_idx %arg18[%add3A_936, %broadcast_in_dim3A_940], %select_n3A_945 : memref<64x9xi32, #tpu.memory_space<vmem>>[vector<16xi32>, vector<16xi32>], vector<16xi32>,
      %broadcast_in_dim3A_946 = arith.constant 1 : i32
      %broadcast_in_dim3A_947 = vector.broadcast %broadcast_in_dim3A_946 : i32 to vector<16xi32>
      %lt3A_948 = arith.cmpi slt, %broadcast_in_dim3A_947, %add3A_884 : vector<16xi32>
      %eq3A_949 = arith.cmpi eq, %get3A_669, %broadcast_in_dim3A_947 : vector<16xi32>
      %and3A_950 = arith.andi %eq3A_878, %eq3A_949 : vector<16xi1>
      %select_n3A_951 = arith.select %and3A_950, %get3A_673, %broadcast_in_dim3A_938 : vector<16xi1>, vector<16xi32>
      %select_n3A_952 = arith.select %lt3A_948, %gather3A_721, %select_n3A_951 : vector<16xi1>, vector<16xi32>
      tpu.vector_store_idx %arg18[%add3A_936, %broadcast_in_dim3A_947], %select_n3A_952 : memref<64x9xi32, #tpu.memory_space<vmem>>[vector<16xi32>, vector<16xi32>], vector<16xi32>,
      %broadcast_in_dim3A_953 = arith.constant 2 : i32
      %broadcast_in_dim3A_954 = vector.broadcast %broadcast_in_dim3A_953 : i32 to vector<16xi32>
      %lt3A_955 = arith.cmpi slt, %broadcast_in_dim3A_954, %add3A_884 : vector<16xi32>
      %eq3A_956 = arith.cmpi eq, %get3A_669, %broadcast_in_dim3A_954 : vector<16xi32>
      %and3A_957 = arith.andi %eq3A_878, %eq3A_956 : vector<16xi1>
      %select_n3A_958 = arith.select %and3A_957, %get3A_673, %broadcast_in_dim3A_938 : vector<16xi1>, vector<16xi32>
      %select_n3A_959 = arith.select %lt3A_955, %gather3A_745, %select_n3A_958 : vector<16xi1>, vector<16xi32>
      tpu.vector_store_idx %arg18[%add3A_936, %broadcast_in_dim3A_954], %select_n3A_959 : memref<64x9xi32, #tpu.memory_space<vmem>>[vector<16xi32>, vector<16xi32>], vector<16xi32>,
      %broadcast_in_dim3A_960 = arith.constant 3 : i32
      %broadcast_in_dim3A_961 = vector.broadcast %broadcast_in_dim3A_960 : i32 to vector<16xi32>
      %lt3A_962 = arith.cmpi slt, %broadcast_in_dim3A_961, %add3A_884 : vector<16xi32>
      %eq3A_963 = arith.cmpi eq, %get3A_669, %broadcast_in_dim3A_961 : vector<16xi32>
      %and3A_964 = arith.andi %eq3A_878, %eq3A_963 : vector<16xi1>
      %select_n3A_965 = arith.select %and3A_964, %get3A_673, %broadcast_in_dim3A_938 : vector<16xi1>, vector<16xi32>
      %select_n3A_966 = arith.select %lt3A_962, %gather3A_769, %select_n3A_965 : vector<16xi1>, vector<16xi32>
      tpu.vector_store_idx %arg18[%add3A_936, %broadcast_in_dim3A_961], %select_n3A_966 : memref<64x9xi32, #tpu.memory_space<vmem>>[vector<16xi32>, vector<16xi32>], vector<16xi32>,
      %broadcast_in_dim3A_967 = arith.constant 4 : i32
      %broadcast_in_dim3A_968 = vector.broadcast %broadcast_in_dim3A_967 : i32 to vector<16xi32>
      %lt3A_969 = arith.cmpi slt, %broadcast_in_dim3A_968, %add3A_884 : vector<16xi32>
      %eq3A_970 = arith.cmpi eq, %get3A_669, %broadcast_in_dim3A_968 : vector<16xi32>
      %and3A_971 = arith.andi %eq3A_878, %eq3A_970 : vector<16xi1>
      %select_n3A_972 = arith.select %and3A_971, %get3A_673, %broadcast_in_dim3A_938 : vector<16xi1>, vector<16xi32>
      %select_n3A_973 = arith.select %lt3A_969, %gather3A_793, %select_n3A_972 : vector<16xi1>, vector<16xi32>
      tpu.vector_store_idx %arg18[%add3A_936, %broadcast_in_dim3A_968], %select_n3A_973 : memref<64x9xi32, #tpu.memory_space<vmem>>[vector<16xi32>, vector<16xi32>], vector<16xi32>,
      %broadcast_in_dim3A_974 = arith.constant 5 : i32
      %broadcast_in_dim3A_975 = vector.broadcast %broadcast_in_dim3A_974 : i32 to vector<16xi32>
      %lt3A_976 = arith.cmpi slt, %broadcast_in_dim3A_975, %add3A_884 : vector<16xi32>
      %eq3A_977 = arith.cmpi eq, %get3A_669, %broadcast_in_dim3A_975 : vector<16xi32>
      %and3A_978 = arith.andi %eq3A_878, %eq3A_977 : vector<16xi1>
      %select_n3A_979 = arith.select %and3A_978, %get3A_673, %broadcast_in_dim3A_938 : vector<16xi1>, vector<16xi32>
      %select_n3A_980 = arith.select %lt3A_976, %gather3A_817, %select_n3A_979 : vector<16xi1>, vector<16xi32>
      tpu.vector_store_idx %arg18[%add3A_936, %broadcast_in_dim3A_975], %select_n3A_980 : memref<64x9xi32, #tpu.memory_space<vmem>>[vector<16xi32>, vector<16xi32>], vector<16xi32>,
      %broadcast_in_dim3A_981 = arith.constant 6 : i32
      %broadcast_in_dim3A_982 = vector.broadcast %broadcast_in_dim3A_981 : i32 to vector<16xi32>
      %lt3A_983 = arith.cmpi slt, %broadcast_in_dim3A_982, %add3A_884 : vector<16xi32>
      %eq3A_984 = arith.cmpi eq, %get3A_669, %broadcast_in_dim3A_982 : vector<16xi32>
      %and3A_985 = arith.andi %eq3A_878, %eq3A_984 : vector<16xi1>
      %select_n3A_986 = arith.select %and3A_985, %get3A_673, %broadcast_in_dim3A_938 : vector<16xi1>, vector<16xi32>
      %select_n3A_987 = arith.select %lt3A_983, %gather3A_841, %select_n3A_986 : vector<16xi1>, vector<16xi32>
      tpu.vector_store_idx %arg18[%add3A_936, %broadcast_in_dim3A_982], %select_n3A_987 : memref<64x9xi32, #tpu.memory_space<vmem>>[vector<16xi32>, vector<16xi32>], vector<16xi32>,
      %broadcast_in_dim3A_988 = arith.constant 7 : i32
      %broadcast_in_dim3A_989 = vector.broadcast %broadcast_in_dim3A_988 : i32 to vector<16xi32>
      %lt3A_990 = arith.cmpi slt, %broadcast_in_dim3A_989, %add3A_884 : vector<16xi32>
      %eq3A_991 = arith.cmpi eq, %get3A_669, %broadcast_in_dim3A_989 : vector<16xi32>
      %and3A_992 = arith.andi %eq3A_878, %eq3A_991 : vector<16xi1>
      %select_n3A_993 = arith.select %and3A_992, %get3A_673, %broadcast_in_dim3A_938 : vector<16xi1>, vector<16xi32>
      %select_n3A_994 = arith.select %lt3A_990, %gather3A_865, %select_n3A_993 : vector<16xi1>, vector<16xi32>
      tpu.vector_store_idx %arg18[%add3A_936, %broadcast_in_dim3A_989], %select_n3A_994 : memref<64x9xi32, #tpu.memory_space<vmem>>[vector<16xi32>, vector<16xi32>], vector<16xi32>,
      %broadcast_in_dim3A_995 = arith.constant 8 : i32
      %broadcast_in_dim3A_996 = vector.broadcast %broadcast_in_dim3A_995 : i32 to vector<16xi32>
      %eq3A_997 = arith.cmpi eq, %get3A_669, %broadcast_in_dim3A_996 : vector<16xi32>
      %and3A_998 = arith.andi %eq3A_878, %eq3A_997 : vector<16xi1>
      %select_n3A_999 = arith.select %and3A_998, %get3A_673, %broadcast_in_dim3A_938 : vector<16xi1>, vector<16xi32>
      tpu.vector_store_idx %arg18[%add3A_936, %broadcast_in_dim3A_996], %select_n3A_999 : memref<64x9xi32, #tpu.memory_space<vmem>>[vector<16xi32>, vector<16xi32>], vector<16xi32>,
      %get3A_1000 = arith.constant 16 : index
      %get3A_1001 = tpu.vector_load %arg15[%get3A_1000] {strides = array<i32>} : memref<64xi32, #tpu.memory_space<vmem>>, vector<16xi32>,
      %get3A_1002 = arith.constant 16 : index
      %get3A_1003 = tpu.vector_load %arg16[%get3A_1002] {strides = array<i32>} : memref<64xi32, #tpu.memory_space<vmem>>, vector<16xi32>,
      %get3A_1004 = arith.constant 16 : index
      %get3A_1005 = tpu.vector_load %arg17[%get3A_1004] {strides = array<i32>} : memref<64xi32, #tpu.memory_space<vmem>>, vector<16xi32>,
      %broadcast_in_dim3A_1006 = arith.constant true
      %broadcast_in_dim3A_1007 = vector.broadcast %broadcast_in_dim3A_1006 : i1 to vector<16xi1>
      %masked_cumsum3A_1008 = tpu.scan <sum>, %get3A_1001 masked %broadcast_in_dim3A_1007 : vector<16xi32>, vector<16xi1> -> vector<16xi32>
      %sub3A_1009 = arith.subi %masked_cumsum3A_1008, %get3A_1001 : vector<16xi32>
      %add3A_1010 = vector.broadcast %add3A_686 : i32 to vector<16xi32>
      %add3A_1011 = arith.addi %sub3A_1009, %add3A_1010 : vector<16xi32>
      %reduce_max3A_1012 = arith.constant true
      %reduce_max3A_1013 = vector.broadcast %reduce_max3A_1012 : i1 to vector<16xi1>
      %reduce_max3A_1014 = arith.constant -2147483648 : i32
      %reduce_max3A_1015 = vector.broadcast %reduce_max3A_1014 : i32 to vector<16xi32>
      %reduce_max3A_1016 = arith.xori %masked_cumsum3A_1008, %reduce_max3A_1015 : vector<16xi32>
      %reduce_max3A_1017 = tpu.scan <max>, %reduce_max3A_1016 masked %reduce_max3A_1013 : vector<16xi32>, vector<16xi1> -> vector<16xi32>
      %reduce_max3A_1018 = arith.xori %reduce_max3A_1017, %reduce_max3A_1015 : vector<16xi32>
      %reduce_max3A_1019 = vector.extract %reduce_max3A_1018[15] : i32 from vector<16xi32>
      %add3A_1020 = arith.addi %add3A_686, %reduce_max3A_1019 : i32
      %broadcast_in_dim3A_1021 = arith.constant 8 : i32
      %broadcast_in_dim3A_1022 = vector.broadcast %broadcast_in_dim3A_1021 : i32 to vector<16xi32>
      %add3A_1023 = arith.constant 0 : i32
      %add3A_1024 = vector.broadcast %add3A_1023 : i32 to vector<16xi32>
      %add3A_1025 = arith.addi %add3A_1011, %add3A_1024 : vector<16xi32>
      %jit3A_1026 = arith.constant 0 : i64
      %jit3A_1027 = arith.constant 511 : i64
      %convert_element_type3A_1028 = arith.trunci %jit3A_1026 : i64 to i32
      %max3A_1029 = vector.broadcast %convert_element_type3A_1028 : i32 to vector<16xi32>
      %max3A_1030 = arith.maxsi %max3A_1029, %add3A_1025 : vector<16xi32>
      %convert_element_type3A_1031 = arith.trunci %jit3A_1027 : i64 to i32
      %min3A_1032 = vector.broadcast %convert_element_type3A_1031 : i32 to vector<16xi32>
      %min3A_1033 = arith.minsi %min3A_1032, %max3A_1030 : vector<16xi32>
      %gather3A_1034 = tpu.vector_load_idx %arg14[%min3A_1033] : memref<512xi32, #tpu.memory_space<vmem>>[vector<16xi32>], vector<16xi32>,
      %gather3A_1035 = tpu.vector_load_idx %arg13[%min3A_1033] : memref<512xi32, #tpu.memory_space<vmem>>[vector<16xi32>], vector<16xi32>,
      %eq3A_1036 = arith.cmpi eq, %gather3A_1034, %gather3A_1035 : vector<16xi32>
      %broadcast_in_dim3A_1037 = arith.constant 0 : i32
      %broadcast_in_dim3A_1038 = vector.broadcast %broadcast_in_dim3A_1037 : i32 to vector<16xi32>
      %lt3A_1039 = arith.cmpi slt, %broadcast_in_dim3A_1038, %get3A_1003 : vector<16xi32>
      %and3A_1040 = arith.andi %eq3A_1036, %lt3A_1039 : vector<16xi1>
      %broadcast_in_dim3A_1041 = arith.constant 8 : i32
      %broadcast_in_dim3A_1042 = vector.broadcast %broadcast_in_dim3A_1041 : i32 to vector<16xi32>
      %broadcast_in_dim3A_1043 = arith.constant 0 : i32
      %broadcast_in_dim3A_1044 = vector.broadcast %broadcast_in_dim3A_1043 : i32 to vector<16xi32>
      %select_n3A_1045 = arith.select %and3A_1040, %broadcast_in_dim3A_1042, %broadcast_in_dim3A_1044 : vector<16xi1>, vector<16xi32>
      %min3A_1046 = arith.minsi %broadcast_in_dim3A_1022, %select_n3A_1045 : vector<16xi32>
      %add3A_1047 = arith.constant 1 : i32
      %add3A_1048 = vector.broadcast %add3A_1047 : i32 to vector<16xi32>
      %add3A_1049 = arith.addi %add3A_1011, %add3A_1048 : vector<16xi32>
      %jit3A_1050 = arith.constant 0 : i64
      %jit3A_1051 = arith.constant 511 : i64
      %convert_element_type3A_1052 = arith.trunci %jit3A_1050 : i64 to i32
      %max3A_1053 = vector.broadcast %convert_element_type3A_1052 : i32 to vector<16xi32>
      %max3A_1054 = arith.maxsi %max3A_1053, %add3A_1049 : vector<16xi32>
      %convert_element_type3A_1055 = arith.trunci %jit3A_1051 : i64 to i32
      %min3A_1056 = vector.broadcast %convert_element_type3A_1055 : i32 to vector<16xi32>
      %min3A_1057 = arith.minsi %min3A_1056, %max3A_1054 : vector<16xi32>
      %gather3A_1058 = tpu.vector_load_idx %arg14[%min3A_1057] : memref<512xi32, #tpu.memory_space<vmem>>[vector<16xi32>], vector<16xi32>,
      %gather3A_1059 = tpu.vector_load_idx %arg13[%min3A_1057] : memref<512xi32, #tpu.memory_space<vmem>>[vector<16xi32>], vector<16xi32>,
      %eq3A_1060 = arith.cmpi eq, %gather3A_1058, %gather3A_1059 : vector<16xi32>
      %broadcast_in_dim3A_1061 = arith.constant 1 : i32
      %broadcast_in_dim3A_1062 = vector.broadcast %broadcast_in_dim3A_1061 : i32 to vector<16xi32>
      %lt3A_1063 = arith.cmpi slt, %broadcast_in_dim3A_1062, %get3A_1003 : vector<16xi32>
      %and3A_1064 = arith.andi %eq3A_1060, %lt3A_1063 : vector<16xi1>
      %broadcast_in_dim3A_1065 = arith.constant 8 : i32
      %broadcast_in_dim3A_1066 = vector.broadcast %broadcast_in_dim3A_1065 : i32 to vector<16xi32>
      %broadcast_in_dim3A_1067 = arith.constant 1 : i32
      %broadcast_in_dim3A_1068 = vector.broadcast %broadcast_in_dim3A_1067 : i32 to vector<16xi32>
      %select_n3A_1069 = arith.select %and3A_1064, %broadcast_in_dim3A_1066, %broadcast_in_dim3A_1068 : vector<16xi1>, vector<16xi32>
      %min3A_1070 = arith.minsi %min3A_1046, %select_n3A_1069 : vector<16xi32>
      %add3A_1071 = arith.constant 2 : i32
      %add3A_1072 = vector.broadcast %add3A_1071 : i32 to vector<16xi32>
      %add3A_1073 = arith.addi %add3A_1011, %add3A_1072 : vector<16xi32>
      %jit3A_1074 = arith.constant 0 : i64
      %jit3A_1075 = arith.constant 511 : i64
      %convert_element_type3A_1076 = arith.trunci %jit3A_1074 : i64 to i32
      %max3A_1077 = vector.broadcast %convert_element_type3A_1076 : i32 to vector<16xi32>
      %max3A_1078 = arith.maxsi %max3A_1077, %add3A_1073 : vector<16xi32>
      %convert_element_type3A_1079 = arith.trunci %jit3A_1075 : i64 to i32
      %min3A_1080 = vector.broadcast %convert_element_type3A_1079 : i32 to vector<16xi32>
      %min3A_1081 = arith.minsi %min3A_1080, %max3A_1078 : vector<16xi32>
      %gather3A_1082 = tpu.vector_load_idx %arg14[%min3A_1081] : memref<512xi32, #tpu.memory_space<vmem>>[vector<16xi32>], vector<16xi32>,
      %gather3A_1083 = tpu.vector_load_idx %arg13[%min3A_1081] : memref<512xi32, #tpu.memory_space<vmem>>[vector<16xi32>], vector<16xi32>,
      %eq3A_1084 = arith.cmpi eq, %gather3A_1082, %gather3A_1083 : vector<16xi32>
      %broadcast_in_dim3A_1085 = arith.constant 2 : i32
      %broadcast_in_dim3A_1086 = vector.broadcast %broadcast_in_dim3A_1085 : i32 to vector<16xi32>
      %lt3A_1087 = arith.cmpi slt, %broadcast_in_dim3A_1086, %get3A_1003 : vector<16xi32>
      %and3A_1088 = arith.andi %eq3A_1084, %lt3A_1087 : vector<16xi1>
      %broadcast_in_dim3A_1089 = arith.constant 8 : i32
      %broadcast_in_dim3A_1090 = vector.broadcast %broadcast_in_dim3A_1089 : i32 to vector<16xi32>
      %broadcast_in_dim3A_1091 = arith.constant 2 : i32
      %broadcast_in_dim3A_1092 = vector.broadcast %broadcast_in_dim3A_1091 : i32 to vector<16xi32>
      %select_n3A_1093 = arith.select %and3A_1088, %broadcast_in_dim3A_1090, %broadcast_in_dim3A_1092 : vector<16xi1>, vector<16xi32>
      %min3A_1094 = arith.minsi %min3A_1070, %select_n3A_1093 : vector<16xi32>
      %add3A_1095 = arith.constant 3 : i32
      %add3A_1096 = vector.broadcast %add3A_1095 : i32 to vector<16xi32>
      %add3A_1097 = arith.addi %add3A_1011, %add3A_1096 : vector<16xi32>
      %jit3A_1098 = arith.constant 0 : i64
      %jit3A_1099 = arith.constant 511 : i64
      %convert_element_type3A_1100 = arith.trunci %jit3A_1098 : i64 to i32
      %max3A_1101 = vector.broadcast %convert_element_type3A_1100 : i32 to vector<16xi32>
      %max3A_1102 = arith.maxsi %max3A_1101, %add3A_1097 : vector<16xi32>
      %convert_element_type3A_1103 = arith.trunci %jit3A_1099 : i64 to i32
      %min3A_1104 = vector.broadcast %convert_element_type3A_1103 : i32 to vector<16xi32>
      %min3A_1105 = arith.minsi %min3A_1104, %max3A_1102 : vector<16xi32>
      %gather3A_1106 = tpu.vector_load_idx %arg14[%min3A_1105] : memref<512xi32, #tpu.memory_space<vmem>>[vector<16xi32>], vector<16xi32>,
      %gather3A_1107 = tpu.vector_load_idx %arg13[%min3A_1105] : memref<512xi32, #tpu.memory_space<vmem>>[vector<16xi32>], vector<16xi32>,
      %eq3A_1108 = arith.cmpi eq, %gather3A_1106, %gather3A_1107 : vector<16xi32>
      %broadcast_in_dim3A_1109 = arith.constant 3 : i32
      %broadcast_in_dim3A_1110 = vector.broadcast %broadcast_in_dim3A_1109 : i32 to vector<16xi32>
      %lt3A_1111 = arith.cmpi slt, %broadcast_in_dim3A_1110, %get3A_1003 : vector<16xi32>
      %and3A_1112 = arith.andi %eq3A_1108, %lt3A_1111 : vector<16xi1>
      %broadcast_in_dim3A_1113 = arith.constant 8 : i32
      %broadcast_in_dim3A_1114 = vector.broadcast %broadcast_in_dim3A_1113 : i32 to vector<16xi32>
      %broadcast_in_dim3A_1115 = arith.constant 3 : i32
      %broadcast_in_dim3A_1116 = vector.broadcast %broadcast_in_dim3A_1115 : i32 to vector<16xi32>
      %select_n3A_1117 = arith.select %and3A_1112, %broadcast_in_dim3A_1114, %broadcast_in_dim3A_1116 : vector<16xi1>, vector<16xi32>
      %min3A_1118 = arith.minsi %min3A_1094, %select_n3A_1117 : vector<16xi32>
      %add3A_1119 = arith.constant 4 : i32
      %add3A_1120 = vector.broadcast %add3A_1119 : i32 to vector<16xi32>
      %add3A_1121 = arith.addi %add3A_1011, %add3A_1120 : vector<16xi32>
      %jit3A_1122 = arith.constant 0 : i64
      %jit3A_1123 = arith.constant 511 : i64
      %convert_element_type3A_1124 = arith.trunci %jit3A_1122 : i64 to i32
      %max3A_1125 = vector.broadcast %convert_element_type3A_1124 : i32 to vector<16xi32>
      %max3A_1126 = arith.maxsi %max3A_1125, %add3A_1121 : vector<16xi32>
      %convert_element_type3A_1127 = arith.trunci %jit3A_1123 : i64 to i32
      %min3A_1128 = vector.broadcast %convert_element_type3A_1127 : i32 to vector<16xi32>
      %min3A_1129 = arith.minsi %min3A_1128, %max3A_1126 : vector<16xi32>
      %gather3A_1130 = tpu.vector_load_idx %arg14[%min3A_1129] : memref<512xi32, #tpu.memory_space<vmem>>[vector<16xi32>], vector<16xi32>,
      %gather3A_1131 = tpu.vector_load_idx %arg13[%min3A_1129] : memref<512xi32, #tpu.memory_space<vmem>>[vector<16xi32>], vector<16xi32>,
      %eq3A_1132 = arith.cmpi eq, %gather3A_1130, %gather3A_1131 : vector<16xi32>
      %broadcast_in_dim3A_1133 = arith.constant 4 : i32
      %broadcast_in_dim3A_1134 = vector.broadcast %broadcast_in_dim3A_1133 : i32 to vector<16xi32>
      %lt3A_1135 = arith.cmpi slt, %broadcast_in_dim3A_1134, %get3A_1003 : vector<16xi32>
      %and3A_1136 = arith.andi %eq3A_1132, %lt3A_1135 : vector<16xi1>
      %broadcast_in_dim3A_1137 = arith.constant 8 : i32
      %broadcast_in_dim3A_1138 = vector.broadcast %broadcast_in_dim3A_1137 : i32 to vector<16xi32>
      %broadcast_in_dim3A_1139 = arith.constant 4 : i32
      %broadcast_in_dim3A_1140 = vector.broadcast %broadcast_in_dim3A_1139 : i32 to vector<16xi32>
      %select_n3A_1141 = arith.select %and3A_1136, %broadcast_in_dim3A_1138, %broadcast_in_dim3A_1140 : vector<16xi1>, vector<16xi32>
      %min3A_1142 = arith.minsi %min3A_1118, %select_n3A_1141 : vector<16xi32>
      %add3A_1143 = arith.constant 5 : i32
      %add3A_1144 = vector.broadcast %add3A_1143 : i32 to vector<16xi32>
      %add3A_1145 = arith.addi %add3A_1011, %add3A_1144 : vector<16xi32>
      %jit3A_1146 = arith.constant 0 : i64
      %jit3A_1147 = arith.constant 511 : i64
      %convert_element_type3A_1148 = arith.trunci %jit3A_1146 : i64 to i32
      %max3A_1149 = vector.broadcast %convert_element_type3A_1148 : i32 to vector<16xi32>
      %max3A_1150 = arith.maxsi %max3A_1149, %add3A_1145 : vector<16xi32>
      %convert_element_type3A_1151 = arith.trunci %jit3A_1147 : i64 to i32
      %min3A_1152 = vector.broadcast %convert_element_type3A_1151 : i32 to vector<16xi32>
      %min3A_1153 = arith.minsi %min3A_1152, %max3A_1150 : vector<16xi32>
      %gather3A_1154 = tpu.vector_load_idx %arg14[%min3A_1153] : memref<512xi32, #tpu.memory_space<vmem>>[vector<16xi32>], vector<16xi32>,
      %gather3A_1155 = tpu.vector_load_idx %arg13[%min3A_1153] : memref<512xi32, #tpu.memory_space<vmem>>[vector<16xi32>], vector<16xi32>,
      %eq3A_1156 = arith.cmpi eq, %gather3A_1154, %gather3A_1155 : vector<16xi32>
      %broadcast_in_dim3A_1157 = arith.constant 5 : i32
      %broadcast_in_dim3A_1158 = vector.broadcast %broadcast_in_dim3A_1157 : i32 to vector<16xi32>
      %lt3A_1159 = arith.cmpi slt, %broadcast_in_dim3A_1158, %get3A_1003 : vector<16xi32>
      %and3A_1160 = arith.andi %eq3A_1156, %lt3A_1159 : vector<16xi1>
      %broadcast_in_dim3A_1161 = arith.constant 8 : i32
      %broadcast_in_dim3A_1162 = vector.broadcast %broadcast_in_dim3A_1161 : i32 to vector<16xi32>
      %broadcast_in_dim3A_1163 = arith.constant 5 : i32
      %broadcast_in_dim3A_1164 = vector.broadcast %broadcast_in_dim3A_1163 : i32 to vector<16xi32>
      %select_n3A_1165 = arith.select %and3A_1160, %broadcast_in_dim3A_1162, %broadcast_in_dim3A_1164 : vector<16xi1>, vector<16xi32>
      %min3A_1166 = arith.minsi %min3A_1142, %select_n3A_1165 : vector<16xi32>
      %add3A_1167 = arith.constant 6 : i32
      %add3A_1168 = vector.broadcast %add3A_1167 : i32 to vector<16xi32>
      %add3A_1169 = arith.addi %add3A_1011, %add3A_1168 : vector<16xi32>
      %jit3A_1170 = arith.constant 0 : i64
      %jit3A_1171 = arith.constant 511 : i64
      %convert_element_type3A_1172 = arith.trunci %jit3A_1170 : i64 to i32
      %max3A_1173 = vector.broadcast %convert_element_type3A_1172 : i32 to vector<16xi32>
      %max3A_1174 = arith.maxsi %max3A_1173, %add3A_1169 : vector<16xi32>
      %convert_element_type3A_1175 = arith.trunci %jit3A_1171 : i64 to i32
      %min3A_1176 = vector.broadcast %convert_element_type3A_1175 : i32 to vector<16xi32>
      %min3A_1177 = arith.minsi %min3A_1176, %max3A_1174 : vector<16xi32>
      %gather3A_1178 = tpu.vector_load_idx %arg14[%min3A_1177] : memref<512xi32, #tpu.memory_space<vmem>>[vector<16xi32>], vector<16xi32>,
      %gather3A_1179 = tpu.vector_load_idx %arg13[%min3A_1177] : memref<512xi32, #tpu.memory_space<vmem>>[vector<16xi32>], vector<16xi32>,
      %eq3A_1180 = arith.cmpi eq, %gather3A_1178, %gather3A_1179 : vector<16xi32>
      %broadcast_in_dim3A_1181 = arith.constant 6 : i32
      %broadcast_in_dim3A_1182 = vector.broadcast %broadcast_in_dim3A_1181 : i32 to vector<16xi32>
      %lt3A_1183 = arith.cmpi slt, %broadcast_in_dim3A_1182, %get3A_1003 : vector<16xi32>
      %and3A_1184 = arith.andi %eq3A_1180, %lt3A_1183 : vector<16xi1>
      %broadcast_in_dim3A_1185 = arith.constant 8 : i32
      %broadcast_in_dim3A_1186 = vector.broadcast %broadcast_in_dim3A_1185 : i32 to vector<16xi32>
      %broadcast_in_dim3A_1187 = arith.constant 6 : i32
      %broadcast_in_dim3A_1188 = vector.broadcast %broadcast_in_dim3A_1187 : i32 to vector<16xi32>
      %select_n3A_1189 = arith.select %and3A_1184, %broadcast_in_dim3A_1186, %broadcast_in_dim3A_1188 : vector<16xi1>, vector<16xi32>
      %min3A_1190 = arith.minsi %min3A_1166, %select_n3A_1189 : vector<16xi32>
      %add3A_1191 = arith.constant 7 : i32
      %add3A_1192 = vector.broadcast %add3A_1191 : i32 to vector<16xi32>
      %add3A_1193 = arith.addi %add3A_1011, %add3A_1192 : vector<16xi32>
      %jit3A_1194 = arith.constant 0 : i64
      %jit3A_1195 = arith.constant 511 : i64
      %convert_element_type3A_1196 = arith.trunci %jit3A_1194 : i64 to i32
      %max3A_1197 = vector.broadcast %convert_element_type3A_1196 : i32 to vector<16xi32>
      %max3A_1198 = arith.maxsi %max3A_1197, %add3A_1193 : vector<16xi32>
      %convert_element_type3A_1199 = arith.trunci %jit3A_1195 : i64 to i32
      %min3A_1200 = vector.broadcast %convert_element_type3A_1199 : i32 to vector<16xi32>
      %min3A_1201 = arith.minsi %min3A_1200, %max3A_1198 : vector<16xi32>
      %gather3A_1202 = tpu.vector_load_idx %arg14[%min3A_1201] : memref<512xi32, #tpu.memory_space<vmem>>[vector<16xi32>], vector<16xi32>,
      %gather3A_1203 = tpu.vector_load_idx %arg13[%min3A_1201] : memref<512xi32, #tpu.memory_space<vmem>>[vector<16xi32>], vector<16xi32>,
      %eq3A_1204 = arith.cmpi eq, %gather3A_1202, %gather3A_1203 : vector<16xi32>
      %broadcast_in_dim3A_1205 = arith.constant 7 : i32
      %broadcast_in_dim3A_1206 = vector.broadcast %broadcast_in_dim3A_1205 : i32 to vector<16xi32>
      %lt3A_1207 = arith.cmpi slt, %broadcast_in_dim3A_1206, %get3A_1003 : vector<16xi32>
      %and3A_1208 = arith.andi %eq3A_1204, %lt3A_1207 : vector<16xi1>
      %broadcast_in_dim3A_1209 = arith.constant 8 : i32
      %broadcast_in_dim3A_1210 = vector.broadcast %broadcast_in_dim3A_1209 : i32 to vector<16xi32>
      %broadcast_in_dim3A_1211 = arith.constant 7 : i32
      %broadcast_in_dim3A_1212 = vector.broadcast %broadcast_in_dim3A_1211 : i32 to vector<16xi32>
      %select_n3A_1213 = arith.select %and3A_1208, %broadcast_in_dim3A_1210, %broadcast_in_dim3A_1212 : vector<16xi1>, vector<16xi32>
      %min3A_1214 = arith.minsi %min3A_1190, %select_n3A_1213 : vector<16xi32>
      %eq3A_1215 = arith.cmpi eq, %min3A_1214, %get3A_1001 : vector<16xi32>
      %broadcast_in_dim3A_1216 = arith.constant 1 : i32
      %broadcast_in_dim3A_1217 = vector.broadcast %broadcast_in_dim3A_1216 : i32 to vector<16xi32>
      %broadcast_in_dim3A_1218 = arith.constant 0 : i32
      %broadcast_in_dim3A_1219 = vector.broadcast %broadcast_in_dim3A_1218 : i32 to vector<16xi32>
      %select_n3A_1220 = arith.select %eq3A_1215, %broadcast_in_dim3A_1219, %broadcast_in_dim3A_1217 : vector<16xi1>, vector<16xi32>
      %add3A_1221 = arith.addi %min3A_1214, %select_n3A_1220 : vector<16xi32>
      %sub3A_1222 = arith.subi %get3A_1001, %min3A_1214 : vector<16xi32>
      %swap3A_1223 = arith.constant 16 : index
      %swap3A_1224 = tpu.vector_load %arg19[%swap3A_1223] {strides = array<i32>} : memref<64xi32, #tpu.memory_space<vmem>>, vector<16xi32>,
      tpu.vector_store %arg19[%swap3A_1223], %sub3A_1222 {strides = array<i32>} : memref<64xi32, #tpu.memory_space<vmem>>, vector<16xi32>,
      %sub3A_1225 = arith.constant 1 : i32
      %sub3A_1226 = vector.broadcast %sub3A_1225 : i32 to vector<16xi32>
      %sub3A_1227 = arith.subi %add3A_1221, %sub3A_1226 : vector<16xi32>
      %jit3A_1228 = arith.constant 0 : i64
      %jit3A_1229 = arith.constant 7 : i64
      %convert_element_type3A_1230 = arith.trunci %jit3A_1228 : i64 to i32
      %max3A_1231 = vector.broadcast %convert_element_type3A_1230 : i32 to vector<16xi32>
      %max3A_1232 = arith.maxsi %max3A_1231, %sub3A_1227 : vector<16xi32>
      %convert_element_type3A_1233 = arith.trunci %jit3A_1229 : i64 to i32
      %min3A_1234 = vector.broadcast %convert_element_type3A_1233 : i32 to vector<16xi32>
      %min3A_1235 = arith.minsi %min3A_1234, %max3A_1232 : vector<16xi32>
      %broadcast_in_dim3A_1236 = arith.constant 0 : i32
      %broadcast_in_dim3A_1237 = vector.broadcast %broadcast_in_dim3A_1236 : i32 to vector<16xi32>
      %eq3A_1238 = arith.cmpi eq, %min3A_1235, %broadcast_in_dim3A_1237 : vector<16xi32>
      %select_n3A_1239 = arith.select %eq3A_1238, %gather3A_1034, %broadcast_in_dim3A_1219 : vector<16xi1>, vector<16xi32>
      %broadcast_in_dim3A_1240 = arith.constant 1 : i32
      %broadcast_in_dim3A_1241 = vector.broadcast %broadcast_in_dim3A_1240 : i32 to vector<16xi32>
      %eq3A_1242 = arith.cmpi eq, %min3A_1235, %broadcast_in_dim3A_1241 : vector<16xi32>
      %select_n3A_1243 = arith.select %eq3A_1242, %gather3A_1058, %select_n3A_1239 : vector<16xi1>, vector<16xi32>
      %broadcast_in_dim3A_1244 = arith.constant 2 : i32
      %broadcast_in_dim3A_1245 = vector.broadcast %broadcast_in_dim3A_1244 : i32 to vector<16xi32>
      %eq3A_1246 = arith.cmpi eq, %min3A_1235, %broadcast_in_dim3A_1245 : vector<16xi32>
      %select_n3A_1247 = arith.select %eq3A_1246, %gather3A_1082, %select_n3A_1243 : vector<16xi1>, vector<16xi32>
      %broadcast_in_dim3A_1248 = arith.constant 3 : i32
      %broadcast_in_dim3A_1249 = vector.broadcast %broadcast_in_dim3A_1248 : i32 to vector<16xi32>
      %eq3A_1250 = arith.cmpi eq, %min3A_1235, %broadcast_in_dim3A_1249 : vector<16xi32>
      %select_n3A_1251 = arith.select %eq3A_1250, %gather3A_1106, %select_n3A_1247 : vector<16xi1>, vector<16xi32>
      %broadcast_in_dim3A_1252 = arith.constant 4 : i32
      %broadcast_in_dim3A_1253 = vector.broadcast %broadcast_in_dim3A_1252 : i32 to vector<16xi32>
      %eq3A_1254 = arith.cmpi eq, %min3A_1235, %broadcast_in_dim3A_1253 : vector<16xi32>
      %select_n3A_1255 = arith.select %eq3A_1254, %gather3A_1130, %select_n3A_1251 : vector<16xi1>, vector<16xi32>
      %broadcast_in_dim3A_1256 = arith.constant 5 : i32
      %broadcast_in_dim3A_1257 = vector.broadcast %broadcast_in_dim3A_1256 : i32 to vector<16xi32>
      %eq3A_1258 = arith.cmpi eq, %min3A_1235, %broadcast_in_dim3A_1257 : vector<16xi32>
      %select_n3A_1259 = arith.select %eq3A_1258, %gather3A_1154, %select_n3A_1255 : vector<16xi1>, vector<16xi32>
      %broadcast_in_dim3A_1260 = arith.constant 6 : i32
      %broadcast_in_dim3A_1261 = vector.broadcast %broadcast_in_dim3A_1260 : i32 to vector<16xi32>
      %eq3A_1262 = arith.cmpi eq, %min3A_1235, %broadcast_in_dim3A_1261 : vector<16xi32>
      %select_n3A_1263 = arith.select %eq3A_1262, %gather3A_1178, %select_n3A_1259 : vector<16xi1>, vector<16xi32>
      %broadcast_in_dim3A_1264 = arith.constant 7 : i32
      %broadcast_in_dim3A_1265 = vector.broadcast %broadcast_in_dim3A_1264 : i32 to vector<16xi32>
      %eq3A_1266 = arith.cmpi eq, %min3A_1235, %broadcast_in_dim3A_1265 : vector<16xi32>
      %select_n3A_1267 = arith.select %eq3A_1266, %gather3A_1202, %select_n3A_1263 : vector<16xi1>, vector<16xi32>
      %select_n3A_1268 = arith.select %eq3A_1215, %get3A_1005, %select_n3A_1267 : vector<16xi1>, vector<16xi32>
      %swap3A_1269 = arith.constant 16 : index
      %swap3A_1270 = tpu.vector_load %arg20[%swap3A_1269] {strides = array<i32>} : memref<64xi32, #tpu.memory_space<vmem>>, vector<16xi32>,
      tpu.vector_store %arg20[%swap3A_1269], %select_n3A_1268 {strides = array<i32>} : memref<64xi32, #tpu.memory_space<vmem>>, vector<16xi32>,
      %add3A_1271 = arith.constant 16 : i32
      %add3A_1272 = vector.broadcast %add3A_1271 : i32 to vector<16xi32>
      %add3A_1273 = arith.addi %iota3A, %add3A_1272 : vector<16xi32>
      %broadcast_in_dim3A_1274 = arith.constant -1 : i32
      %broadcast_in_dim3A_1275 = vector.broadcast %broadcast_in_dim3A_1274 : i32 to vector<16xi32>
      %broadcast_in_dim3A_1276 = arith.constant 0 : i32
      %broadcast_in_dim3A_1277 = vector.broadcast %broadcast_in_dim3A_1276 : i32 to vector<16xi32>
      %lt3A_1278 = arith.cmpi slt, %broadcast_in_dim3A_1277, %add3A_1221 : vector<16xi32>
      %eq3A_1279 = arith.cmpi eq, %get3A_1001, %broadcast_in_dim3A_1277 : vector<16xi32>
      %and3A_1280 = arith.andi %eq3A_1215, %eq3A_1279 : vector<16xi1>
      %select_n3A_1281 = arith.select %and3A_1280, %get3A_1005, %broadcast_in_dim3A_1275 : vector<16xi1>, vector<16xi32>
      %select_n3A_1282 = arith.select %lt3A_1278, %gather3A_1034, %select_n3A_1281 : vector<16xi1>, vector<16xi32>
      tpu.vector_store_idx %arg18[%add3A_1273, %broadcast_in_dim3A_1277], %select_n3A_1282 : memref<64x9xi32, #tpu.memory_space<vmem>>[vector<16xi32>, vector<16xi32>], vector<16xi32>,
      %broadcast_in_dim3A_1283 = arith.constant 1 : i32
      %broadcast_in_dim3A_1284 = vector.broadcast %broadcast_in_dim3A_1283 : i32 to vector<16xi32>
      %lt3A_1285 = arith.cmpi slt, %broadcast_in_dim3A_1284, %add3A_1221 : vector<16xi32>
      %eq3A_1286 = arith.cmpi eq, %get3A_1001, %broadcast_in_dim3A_1284 : vector<16xi32>
      %and3A_1287 = arith.andi %eq3A_1215, %eq3A_1286 : vector<16xi1>
      %select_n3A_1288 = arith.select %and3A_1287, %get3A_1005, %broadcast_in_dim3A_1275 : vector<16xi1>, vector<16xi32>
      %select_n3A_1289 = arith.select %lt3A_1285, %gather3A_1058, %select_n3A_1288 : vector<16xi1>, vector<16xi32>
      tpu.vector_store_idx %arg18[%add3A_1273, %broadcast_in_dim3A_1284], %select_n3A_1289 : memref<64x9xi32, #tpu.memory_space<vmem>>[vector<16xi32>, vector<16xi32>], vector<16xi32>,
      %broadcast_in_dim3A_1290 = arith.constant 2 : i32
      %broadcast_in_dim3A_1291 = vector.broadcast %broadcast_in_dim3A_1290 : i32 to vector<16xi32>
      %lt3A_1292 = arith.cmpi slt, %broadcast_in_dim3A_1291, %add3A_1221 : vector<16xi32>
      %eq3A_1293 = arith.cmpi eq, %get3A_1001, %broadcast_in_dim3A_1291 : vector<16xi32>
      %and3A_1294 = arith.andi %eq3A_1215, %eq3A_1293 : vector<16xi1>
      %select_n3A_1295 = arith.select %and3A_1294, %get3A_1005, %broadcast_in_dim3A_1275 : vector<16xi1>, vector<16xi32>
      %select_n3A_1296 = arith.select %lt3A_1292, %gather3A_1082, %select_n3A_1295 : vector<16xi1>, vector<16xi32>
      tpu.vector_store_idx %arg18[%add3A_1273, %broadcast_in_dim3A_1291], %select_n3A_1296 : memref<64x9xi32, #tpu.memory_space<vmem>>[vector<16xi32>, vector<16xi32>], vector<16xi32>,
      %broadcast_in_dim3A_1297 = arith.constant 3 : i32
      %broadcast_in_dim3A_1298 = vector.broadcast %broadcast_in_dim3A_1297 : i32 to vector<16xi32>
      %lt3A_1299 = arith.cmpi slt, %broadcast_in_dim3A_1298, %add3A_1221 : vector<16xi32>
      %eq3A_1300 = arith.cmpi eq, %get3A_1001, %broadcast_in_dim3A_1298 : vector<16xi32>
      %and3A_1301 = arith.andi %eq3A_1215, %eq3A_1300 : vector<16xi1>
      %select_n3A_1302 = arith.select %and3A_1301, %get3A_1005, %broadcast_in_dim3A_1275 : vector<16xi1>, vector<16xi32>
      %select_n3A_1303 = arith.select %lt3A_1299, %gather3A_1106, %select_n3A_1302 : vector<16xi1>, vector<16xi32>
      tpu.vector_store_idx %arg18[%add3A_1273, %broadcast_in_dim3A_1298], %select_n3A_1303 : memref<64x9xi32, #tpu.memory_space<vmem>>[vector<16xi32>, vector<16xi32>], vector<16xi32>,
      %broadcast_in_dim3A_1304 = arith.constant 4 : i32
      %broadcast_in_dim3A_1305 = vector.broadcast %broadcast_in_dim3A_1304 : i32 to vector<16xi32>
      %lt3A_1306 = arith.cmpi slt, %broadcast_in_dim3A_1305, %add3A_1221 : vector<16xi32>
      %eq3A_1307 = arith.cmpi eq, %get3A_1001, %broadcast_in_dim3A_1305 : vector<16xi32>
      %and3A_1308 = arith.andi %eq3A_1215, %eq3A_1307 : vector<16xi1>
      %select_n3A_1309 = arith.select %and3A_1308, %get3A_1005, %broadcast_in_dim3A_1275 : vector<16xi1>, vector<16xi32>
      %select_n3A_1310 = arith.select %lt3A_1306, %gather3A_1130, %select_n3A_1309 : vector<16xi1>, vector<16xi32>
      tpu.vector_store_idx %arg18[%add3A_1273, %broadcast_in_dim3A_1305], %select_n3A_1310 : memref<64x9xi32, #tpu.memory_space<vmem>>[vector<16xi32>, vector<16xi32>], vector<16xi32>,
      %broadcast_in_dim3A_1311 = arith.constant 5 : i32
      %broadcast_in_dim3A_1312 = vector.broadcast %broadcast_in_dim3A_1311 : i32 to vector<16xi32>
      %lt3A_1313 = arith.cmpi slt, %broadcast_in_dim3A_1312, %add3A_1221 : vector<16xi32>
      %eq3A_1314 = arith.cmpi eq, %get3A_1001, %broadcast_in_dim3A_1312 : vector<16xi32>
      %and3A_1315 = arith.andi %eq3A_1215, %eq3A_1314 : vector<16xi1>
      %select_n3A_1316 = arith.select %and3A_1315, %get3A_1005, %broadcast_in_dim3A_1275 : vector<16xi1>, vector<16xi32>
      %select_n3A_1317 = arith.select %lt3A_1313, %gather3A_1154, %select_n3A_1316 : vector<16xi1>, vector<16xi32>
      tpu.vector_store_idx %arg18[%add3A_1273, %broadcast_in_dim3A_1312], %select_n3A_1317 : memref<64x9xi32, #tpu.memory_space<vmem>>[vector<16xi32>, vector<16xi32>], vector<16xi32>,
      %broadcast_in_dim3A_1318 = arith.constant 6 : i32
      %broadcast_in_dim3A_1319 = vector.broadcast %broadcast_in_dim3A_1318 : i32 to vector<16xi32>
      %lt3A_1320 = arith.cmpi slt, %broadcast_in_dim3A_1319, %add3A_1221 : vector<16xi32>
      %eq3A_1321 = arith.cmpi eq, %get3A_1001, %broadcast_in_dim3A_1319 : vector<16xi32>
      %and3A_1322 = arith.andi %eq3A_1215, %eq3A_1321 : vector<16xi1>
      %select_n3A_1323 = arith.select %and3A_1322, %get3A_1005, %broadcast_in_dim3A_1275 : vector<16xi1>, vector<16xi32>
      %select_n3A_1324 = arith.select %lt3A_1320, %gather3A_1178, %select_n3A_1323 : vector<16xi1>, vector<16xi32>
      tpu.vector_store_idx %arg18[%add3A_1273, %broadcast_in_dim3A_1319], %select_n3A_1324 : memref<64x9xi32, #tpu.memory_space<vmem>>[vector<16xi32>, vector<16xi32>], vector<16xi32>,
      %broadcast_in_dim3A_1325 = arith.constant 7 : i32
      %broadcast_in_dim3A_1326 = vector.broadcast %broadcast_in_dim3A_1325 : i32 to vector<16xi32>
      %lt3A_1327 = arith.cmpi slt, %broadcast_in_dim3A_1326, %add3A_1221 : vector<16xi32>
      %eq3A_1328 = arith.cmpi eq, %get3A_1001, %broadcast_in_dim3A_1326 : vector<16xi32>
      %and3A_1329 = arith.andi %eq3A_1215, %eq3A_1328 : vector<16xi1>
      %select_n3A_1330 = arith.select %and3A_1329, %get3A_1005, %broadcast_in_dim3A_1275 : vector<16xi1>, vector<16xi32>
      %select_n3A_1331 = arith.select %lt3A_1327, %gather3A_1202, %select_n3A_1330 : vector<16xi1>, vector<16xi32>
      tpu.vector_store_idx %arg18[%add3A_1273, %broadcast_in_dim3A_1326], %select_n3A_1331 : memref<64x9xi32, #tpu.memory_space<vmem>>[vector<16xi32>, vector<16xi32>], vector<16xi32>,
      %broadcast_in_dim3A_1332 = arith.constant 8 : i32
      %broadcast_in_dim3A_1333 = vector.broadcast %broadcast_in_dim3A_1332 : i32 to vector<16xi32>
      %eq3A_1334 = arith.cmpi eq, %get3A_1001, %broadcast_in_dim3A_1333 : vector<16xi32>
      %and3A_1335 = arith.andi %eq3A_1215, %eq3A_1334 : vector<16xi1>
      %select_n3A_1336 = arith.select %and3A_1335, %get3A_1005, %broadcast_in_dim3A_1275 : vector<16xi1>, vector<16xi32>
      tpu.vector_store_idx %arg18[%add3A_1273, %broadcast_in_dim3A_1333], %select_n3A_1336 : memref<64x9xi32, #tpu.memory_space<vmem>>[vector<16xi32>, vector<16xi32>], vector<16xi32>,
      %get3A_1337 = arith.constant 32 : index
      %get3A_1338 = tpu.vector_load %arg15[%get3A_1337] {strides = array<i32>} : memref<64xi32, #tpu.memory_space<vmem>>, vector<16xi32>,
      %get3A_1339 = arith.constant 32 : index
      %get3A_1340 = tpu.vector_load %arg16[%get3A_1339] {strides = array<i32>} : memref<64xi32, #tpu.memory_space<vmem>>, vector<16xi32>,
      %get3A_1341 = arith.constant 32 : index
      %get3A_1342 = tpu.vector_load %arg17[%get3A_1341] {strides = array<i32>} : memref<64xi32, #tpu.memory_space<vmem>>, vector<16xi32>,
      %broadcast_in_dim3A_1343 = arith.constant true
      %broadcast_in_dim3A_1344 = vector.broadcast %broadcast_in_dim3A_1343 : i1 to vector<16xi1>
      %masked_cumsum3A_1345 = tpu.scan <sum>, %get3A_1338 masked %broadcast_in_dim3A_1344 : vector<16xi32>, vector<16xi1> -> vector<16xi32>
      %sub3A_1346 = arith.subi %masked_cumsum3A_1345, %get3A_1338 : vector<16xi32>
      %add3A_1347 = vector.broadcast %add3A_1020 : i32 to vector<16xi32>
      %add3A_1348 = arith.addi %sub3A_1346, %add3A_1347 : vector<16xi32>
      %reduce_max3A_1349 = arith.constant true
      %reduce_max3A_1350 = vector.broadcast %reduce_max3A_1349 : i1 to vector<16xi1>
      %reduce_max3A_1351 = arith.constant -2147483648 : i32
      %reduce_max3A_1352 = vector.broadcast %reduce_max3A_1351 : i32 to vector<16xi32>
      %reduce_max3A_1353 = arith.xori %masked_cumsum3A_1345, %reduce_max3A_1352 : vector<16xi32>
      %reduce_max3A_1354 = tpu.scan <max>, %reduce_max3A_1353 masked %reduce_max3A_1350 : vector<16xi32>, vector<16xi1> -> vector<16xi32>
      %reduce_max3A_1355 = arith.xori %reduce_max3A_1354, %reduce_max3A_1352 : vector<16xi32>
      %reduce_max3A_1356 = vector.extract %reduce_max3A_1355[15] : i32 from vector<16xi32>
      %add3A_1357 = arith.addi %add3A_1020, %reduce_max3A_1356 : i32
      %broadcast_in_dim3A_1358 = arith.constant 8 : i32
      %broadcast_in_dim3A_1359 = vector.broadcast %broadcast_in_dim3A_1358 : i32 to vector<16xi32>
      %add3A_1360 = arith.constant 0 : i32
      %add3A_1361 = vector.broadcast %add3A_1360 : i32 to vector<16xi32>
      %add3A_1362 = arith.addi %add3A_1348, %add3A_1361 : vector<16xi32>
      %jit3A_1363 = arith.constant 0 : i64
      %jit3A_1364 = arith.constant 511 : i64
      %convert_element_type3A_1365 = arith.trunci %jit3A_1363 : i64 to i32
      %max3A_1366 = vector.broadcast %convert_element_type3A_1365 : i32 to vector<16xi32>
      %max3A_1367 = arith.maxsi %max3A_1366, %add3A_1362 : vector<16xi32>
      %convert_element_type3A_1368 = arith.trunci %jit3A_1364 : i64 to i32
      %min3A_1369 = vector.broadcast %convert_element_type3A_1368 : i32 to vector<16xi32>
      %min3A_1370 = arith.minsi %min3A_1369, %max3A_1367 : vector<16xi32>
      %gather3A_1371 = tpu.vector_load_idx %arg14[%min3A_1370] : memref<512xi32, #tpu.memory_space<vmem>>[vector<16xi32>], vector<16xi32>,
      %gather3A_1372 = tpu.vector_load_idx %arg13[%min3A_1370] : memref<512xi32, #tpu.memory_space<vmem>>[vector<16xi32>], vector<16xi32>,
      %eq3A_1373 = arith.cmpi eq, %gather3A_1371, %gather3A_1372 : vector<16xi32>
      %broadcast_in_dim3A_1374 = arith.constant 0 : i32
      %broadcast_in_dim3A_1375 = vector.broadcast %broadcast_in_dim3A_1374 : i32 to vector<16xi32>
      %lt3A_1376 = arith.cmpi slt, %broadcast_in_dim3A_1375, %get3A_1340 : vector<16xi32>
      %and3A_1377 = arith.andi %eq3A_1373, %lt3A_1376 : vector<16xi1>
      %broadcast_in_dim3A_1378 = arith.constant 8 : i32
      %broadcast_in_dim3A_1379 = vector.broadcast %broadcast_in_dim3A_1378 : i32 to vector<16xi32>
      %broadcast_in_dim3A_1380 = arith.constant 0 : i32
      %broadcast_in_dim3A_1381 = vector.broadcast %broadcast_in_dim3A_1380 : i32 to vector<16xi32>
      %select_n3A_1382 = arith.select %and3A_1377, %broadcast_in_dim3A_1379, %broadcast_in_dim3A_1381 : vector<16xi1>, vector<16xi32>
      %min3A_1383 = arith.minsi %broadcast_in_dim3A_1359, %select_n3A_1382 : vector<16xi32>
      %add3A_1384 = arith.constant 1 : i32
      %add3A_1385 = vector.broadcast %add3A_1384 : i32 to vector<16xi32>
      %add3A_1386 = arith.addi %add3A_1348, %add3A_1385 : vector<16xi32>
      %jit3A_1387 = arith.constant 0 : i64
      %jit3A_1388 = arith.constant 511 : i64
      %convert_element_type3A_1389 = arith.trunci %jit3A_1387 : i64 to i32
      %max3A_1390 = vector.broadcast %convert_element_type3A_1389 : i32 to vector<16xi32>
      %max3A_1391 = arith.maxsi %max3A_1390, %add3A_1386 : vector<16xi32>
      %convert_element_type3A_1392 = arith.trunci %jit3A_1388 : i64 to i32
      %min3A_1393 = vector.broadcast %convert_element_type3A_1392 : i32 to vector<16xi32>
      %min3A_1394 = arith.minsi %min3A_1393, %max3A_1391 : vector<16xi32>
      %gather3A_1395 = tpu.vector_load_idx %arg14[%min3A_1394] : memref<512xi32, #tpu.memory_space<vmem>>[vector<16xi32>], vector<16xi32>,
      %gather3A_1396 = tpu.vector_load_idx %arg13[%min3A_1394] : memref<512xi32, #tpu.memory_space<vmem>>[vector<16xi32>], vector<16xi32>,
      %eq3A_1397 = arith.cmpi eq, %gather3A_1395, %gather3A_1396 : vector<16xi32>
      %broadcast_in_dim3A_1398 = arith.constant 1 : i32
      %broadcast_in_dim3A_1399 = vector.broadcast %broadcast_in_dim3A_1398 : i32 to vector<16xi32>
      %lt3A_1400 = arith.cmpi slt, %broadcast_in_dim3A_1399, %get3A_1340 : vector<16xi32>
      %and3A_1401 = arith.andi %eq3A_1397, %lt3A_1400 : vector<16xi1>
      %broadcast_in_dim3A_1402 = arith.constant 8 : i32
      %broadcast_in_dim3A_1403 = vector.broadcast %broadcast_in_dim3A_1402 : i32 to vector<16xi32>
      %broadcast_in_dim3A_1404 = arith.constant 1 : i32
      %broadcast_in_dim3A_1405 = vector.broadcast %broadcast_in_dim3A_1404 : i32 to vector<16xi32>
      %select_n3A_1406 = arith.select %and3A_1401, %broadcast_in_dim3A_1403, %broadcast_in_dim3A_1405 : vector<16xi1>, vector<16xi32>
      %min3A_1407 = arith.minsi %min3A_1383, %select_n3A_1406 : vector<16xi32>
      %add3A_1408 = arith.constant 2 : i32
      %add3A_1409 = vector.broadcast %add3A_1408 : i32 to vector<16xi32>
      %add3A_1410 = arith.addi %add3A_1348, %add3A_1409 : vector<16xi32>
      %jit3A_1411 = arith.constant 0 : i64
      %jit3A_1412 = arith.constant 511 : i64
      %convert_element_type3A_1413 = arith.trunci %jit3A_1411 : i64 to i32
      %max3A_1414 = vector.broadcast %convert_element_type3A_1413 : i32 to vector<16xi32>
      %max3A_1415 = arith.maxsi %max3A_1414, %add3A_1410 : vector<16xi32>
      %convert_element_type3A_1416 = arith.trunci %jit3A_1412 : i64 to i32
      %min3A_1417 = vector.broadcast %convert_element_type3A_1416 : i32 to vector<16xi32>
      %min3A_1418 = arith.minsi %min3A_1417, %max3A_1415 : vector<16xi32>
      %gather3A_1419 = tpu.vector_load_idx %arg14[%min3A_1418] : memref<512xi32, #tpu.memory_space<vmem>>[vector<16xi32>], vector<16xi32>,
      %gather3A_1420 = tpu.vector_load_idx %arg13[%min3A_1418] : memref<512xi32, #tpu.memory_space<vmem>>[vector<16xi32>], vector<16xi32>,
      %eq3A_1421 = arith.cmpi eq, %gather3A_1419, %gather3A_1420 : vector<16xi32>
      %broadcast_in_dim3A_1422 = arith.constant 2 : i32
      %broadcast_in_dim3A_1423 = vector.broadcast %broadcast_in_dim3A_1422 : i32 to vector<16xi32>
      %lt3A_1424 = arith.cmpi slt, %broadcast_in_dim3A_1423, %get3A_1340 : vector<16xi32>
      %and3A_1425 = arith.andi %eq3A_1421, %lt3A_1424 : vector<16xi1>
      %broadcast_in_dim3A_1426 = arith.constant 8 : i32
      %broadcast_in_dim3A_1427 = vector.broadcast %broadcast_in_dim3A_1426 : i32 to vector<16xi32>
      %broadcast_in_dim3A_1428 = arith.constant 2 : i32
      %broadcast_in_dim3A_1429 = vector.broadcast %broadcast_in_dim3A_1428 : i32 to vector<16xi32>
      %select_n3A_1430 = arith.select %and3A_1425, %broadcast_in_dim3A_1427, %broadcast_in_dim3A_1429 : vector<16xi1>, vector<16xi32>
      %min3A_1431 = arith.minsi %min3A_1407, %select_n3A_1430 : vector<16xi32>
      %add3A_1432 = arith.constant 3 : i32
      %add3A_1433 = vector.broadcast %add3A_1432 : i32 to vector<16xi32>
      %add3A_1434 = arith.addi %add3A_1348, %add3A_1433 : vector<16xi32>
      %jit3A_1435 = arith.constant 0 : i64
      %jit3A_1436 = arith.constant 511 : i64
      %convert_element_type3A_1437 = arith.trunci %jit3A_1435 : i64 to i32
      %max3A_1438 = vector.broadcast %convert_element_type3A_1437 : i32 to vector<16xi32>
      %max3A_1439 = arith.maxsi %max3A_1438, %add3A_1434 : vector<16xi32>
      %convert_element_type3A_1440 = arith.trunci %jit3A_1436 : i64 to i32
      %min3A_1441 = vector.broadcast %convert_element_type3A_1440 : i32 to vector<16xi32>
      %min3A_1442 = arith.minsi %min3A_1441, %max3A_1439 : vector<16xi32>
      %gather3A_1443 = tpu.vector_load_idx %arg14[%min3A_1442] : memref<512xi32, #tpu.memory_space<vmem>>[vector<16xi32>], vector<16xi32>,
      %gather3A_1444 = tpu.vector_load_idx %arg13[%min3A_1442] : memref<512xi32, #tpu.memory_space<vmem>>[vector<16xi32>], vector<16xi32>,
      %eq3A_1445 = arith.cmpi eq, %gather3A_1443, %gather3A_1444 : vector<16xi32>
      %broadcast_in_dim3A_1446 = arith.constant 3 : i32
      %broadcast_in_dim3A_1447 = vector.broadcast %broadcast_in_dim3A_1446 : i32 to vector<16xi32>
      %lt3A_1448 = arith.cmpi slt, %broadcast_in_dim3A_1447, %get3A_1340 : vector<16xi32>
      %and3A_1449 = arith.andi %eq3A_1445, %lt3A_1448 : vector<16xi1>
      %broadcast_in_dim3A_1450 = arith.constant 8 : i32
      %broadcast_in_dim3A_1451 = vector.broadcast %broadcast_in_dim3A_1450 : i32 to vector<16xi32>
      %broadcast_in_dim3A_1452 = arith.constant 3 : i32
      %broadcast_in_dim3A_1453 = vector.broadcast %broadcast_in_dim3A_1452 : i32 to vector<16xi32>
      %select_n3A_1454 = arith.select %and3A_1449, %broadcast_in_dim3A_1451, %broadcast_in_dim3A_1453 : vector<16xi1>, vector<16xi32>
      %min3A_1455 = arith.minsi %min3A_1431, %select_n3A_1454 : vector<16xi32>
      %add3A_1456 = arith.constant 4 : i32
      %add3A_1457 = vector.broadcast %add3A_1456 : i32 to vector<16xi32>
      %add3A_1458 = arith.addi %add3A_1348, %add3A_1457 : vector<16xi32>
      %jit3A_1459 = arith.constant 0 : i64
      %jit3A_1460 = arith.constant 511 : i64
      %convert_element_type3A_1461 = arith.trunci %jit3A_1459 : i64 to i32
      %max3A_1462 = vector.broadcast %convert_element_type3A_1461 : i32 to vector<16xi32>
      %max3A_1463 = arith.maxsi %max3A_1462, %add3A_1458 : vector<16xi32>
      %convert_element_type3A_1464 = arith.trunci %jit3A_1460 : i64 to i32
      %min3A_1465 = vector.broadcast %convert_element_type3A_1464 : i32 to vector<16xi32>
      %min3A_1466 = arith.minsi %min3A_1465, %max3A_1463 : vector<16xi32>
      %gather3A_1467 = tpu.vector_load_idx %arg14[%min3A_1466] : memref<512xi32, #tpu.memory_space<vmem>>[vector<16xi32>], vector<16xi32>,
      %gather3A_1468 = tpu.vector_load_idx %arg13[%min3A_1466] : memref<512xi32, #tpu.memory_space<vmem>>[vector<16xi32>], vector<16xi32>,
      %eq3A_1469 = arith.cmpi eq, %gather3A_1467, %gather3A_1468 : vector<16xi32>
      %broadcast_in_dim3A_1470 = arith.constant 4 : i32
      %broadcast_in_dim3A_1471 = vector.broadcast %broadcast_in_dim3A_1470 : i32 to vector<16xi32>
      %lt3A_1472 = arith.cmpi slt, %broadcast_in_dim3A_1471, %get3A_1340 : vector<16xi32>
      %and3A_1473 = arith.andi %eq3A_1469, %lt3A_1472 : vector<16xi1>
      %broadcast_in_dim3A_1474 = arith.constant 8 : i32
      %broadcast_in_dim3A_1475 = vector.broadcast %broadcast_in_dim3A_1474 : i32 to vector<16xi32>
      %broadcast_in_dim3A_1476 = arith.constant 4 : i32
      %broadcast_in_dim3A_1477 = vector.broadcast %broadcast_in_dim3A_1476 : i32 to vector<16xi32>
      %select_n3A_1478 = arith.select %and3A_1473, %broadcast_in_dim3A_1475, %broadcast_in_dim3A_1477 : vector<16xi1>, vector<16xi32>
      %min3A_1479 = arith.minsi %min3A_1455, %select_n3A_1478 : vector<16xi32>
      %add3A_1480 = arith.constant 5 : i32
      %add3A_1481 = vector.broadcast %add3A_1480 : i32 to vector<16xi32>
      %add3A_1482 = arith.addi %add3A_1348, %add3A_1481 : vector<16xi32>
      %jit3A_1483 = arith.constant 0 : i64
      %jit3A_1484 = arith.constant 511 : i64
      %convert_element_type3A_1485 = arith.trunci %jit3A_1483 : i64 to i32
      %max3A_1486 = vector.broadcast %convert_element_type3A_1485 : i32 to vector<16xi32>
      %max3A_1487 = arith.maxsi %max3A_1486, %add3A_1482 : vector<16xi32>
      %convert_element_type3A_1488 = arith.trunci %jit3A_1484 : i64 to i32
      %min3A_1489 = vector.broadcast %convert_element_type3A_1488 : i32 to vector<16xi32>
      %min3A_1490 = arith.minsi %min3A_1489, %max3A_1487 : vector<16xi32>
      %gather3A_1491 = tpu.vector_load_idx %arg14[%min3A_1490] : memref<512xi32, #tpu.memory_space<vmem>>[vector<16xi32>], vector<16xi32>,
      %gather3A_1492 = tpu.vector_load_idx %arg13[%min3A_1490] : memref<512xi32, #tpu.memory_space<vmem>>[vector<16xi32>], vector<16xi32>,
      %eq3A_1493 = arith.cmpi eq, %gather3A_1491, %gather3A_1492 : vector<16xi32>
      %broadcast_in_dim3A_1494 = arith.constant 5 : i32
      %broadcast_in_dim3A_1495 = vector.broadcast %broadcast_in_dim3A_1494 : i32 to vector<16xi32>
      %lt3A_1496 = arith.cmpi slt, %broadcast_in_dim3A_1495, %get3A_1340 : vector<16xi32>
      %and3A_1497 = arith.andi %eq3A_1493, %lt3A_1496 : vector<16xi1>
      %broadcast_in_dim3A_1498 = arith.constant 8 : i32
      %broadcast_in_dim3A_1499 = vector.broadcast %broadcast_in_dim3A_1498 : i32 to vector<16xi32>
      %broadcast_in_dim3A_1500 = arith.constant 5 : i32
      %broadcast_in_dim3A_1501 = vector.broadcast %broadcast_in_dim3A_1500 : i32 to vector<16xi32>
      %select_n3A_1502 = arith.select %and3A_1497, %broadcast_in_dim3A_1499, %broadcast_in_dim3A_1501 : vector<16xi1>, vector<16xi32>
      %min3A_1503 = arith.minsi %min3A_1479, %select_n3A_1502 : vector<16xi32>
      %add3A_1504 = arith.constant 6 : i32
      %add3A_1505 = vector.broadcast %add3A_1504 : i32 to vector<16xi32>
      %add3A_1506 = arith.addi %add3A_1348, %add3A_1505 : vector<16xi32>
      %jit3A_1507 = arith.constant 0 : i64
      %jit3A_1508 = arith.constant 511 : i64
      %convert_element_type3A_1509 = arith.trunci %jit3A_1507 : i64 to i32
      %max3A_1510 = vector.broadcast %convert_element_type3A_1509 : i32 to vector<16xi32>
      %max3A_1511 = arith.maxsi %max3A_1510, %add3A_1506 : vector<16xi32>
      %convert_element_type3A_1512 = arith.trunci %jit3A_1508 : i64 to i32
      %min3A_1513 = vector.broadcast %convert_element_type3A_1512 : i32 to vector<16xi32>
      %min3A_1514 = arith.minsi %min3A_1513, %max3A_1511 : vector<16xi32>
      %gather3A_1515 = tpu.vector_load_idx %arg14[%min3A_1514] : memref<512xi32, #tpu.memory_space<vmem>>[vector<16xi32>], vector<16xi32>,
      %gather3A_1516 = tpu.vector_load_idx %arg13[%min3A_1514] : memref<512xi32, #tpu.memory_space<vmem>>[vector<16xi32>], vector<16xi32>,
      %eq3A_1517 = arith.cmpi eq, %gather3A_1515, %gather3A_1516 : vector<16xi32>
      %broadcast_in_dim3A_1518 = arith.constant 6 : i32
      %broadcast_in_dim3A_1519 = vector.broadcast %broadcast_in_dim3A_1518 : i32 to vector<16xi32>
      %lt3A_1520 = arith.cmpi slt, %broadcast_in_dim3A_1519, %get3A_1340 : vector<16xi32>
      %and3A_1521 = arith.andi %eq3A_1517, %lt3A_1520 : vector<16xi1>
      %broadcast_in_dim3A_1522 = arith.constant 8 : i32
      %broadcast_in_dim3A_1523 = vector.broadcast %broadcast_in_dim3A_1522 : i32 to vector<16xi32>
      %broadcast_in_dim3A_1524 = arith.constant 6 : i32
      %broadcast_in_dim3A_1525 = vector.broadcast %broadcast_in_dim3A_1524 : i32 to vector<16xi32>
      %select_n3A_1526 = arith.select %and3A_1521, %broadcast_in_dim3A_1523, %broadcast_in_dim3A_1525 : vector<16xi1>, vector<16xi32>
      %min3A_1527 = arith.minsi %min3A_1503, %select_n3A_1526 : vector<16xi32>
      %add3A_1528 = arith.constant 7 : i32
      %add3A_1529 = vector.broadcast %add3A_1528 : i32 to vector<16xi32>
      %add3A_1530 = arith.addi %add3A_1348, %add3A_1529 : vector<16xi32>
      %jit3A_1531 = arith.constant 0 : i64
      %jit3A_1532 = arith.constant 511 : i64
      %convert_element_type3A_1533 = arith.trunci %jit3A_1531 : i64 to i32
      %max3A_1534 = vector.broadcast %convert_element_type3A_1533 : i32 to vector<16xi32>
      %max3A_1535 = arith.maxsi %max3A_1534, %add3A_1530 : vector<16xi32>
      %convert_element_type3A_1536 = arith.trunci %jit3A_1532 : i64 to i32
      %min3A_1537 = vector.broadcast %convert_element_type3A_1536 : i32 to vector<16xi32>
      %min3A_1538 = arith.minsi %min3A_1537, %max3A_1535 : vector<16xi32>
      %gather3A_1539 = tpu.vector_load_idx %arg14[%min3A_1538] : memref<512xi32, #tpu.memory_space<vmem>>[vector<16xi32>], vector<16xi32>,
      %gather3A_1540 = tpu.vector_load_idx %arg13[%min3A_1538] : memref<512xi32, #tpu.memory_space<vmem>>[vector<16xi32>], vector<16xi32>,
      %eq3A_1541 = arith.cmpi eq, %gather3A_1539, %gather3A_1540 : vector<16xi32>
      %broadcast_in_dim3A_1542 = arith.constant 7 : i32
      %broadcast_in_dim3A_1543 = vector.broadcast %broadcast_in_dim3A_1542 : i32 to vector<16xi32>
      %lt3A_1544 = arith.cmpi slt, %broadcast_in_dim3A_1543, %get3A_1340 : vector<16xi32>
      %and3A_1545 = arith.andi %eq3A_1541, %lt3A_1544 : vector<16xi1>
      %broadcast_in_dim3A_1546 = arith.constant 8 : i32
      %broadcast_in_dim3A_1547 = vector.broadcast %broadcast_in_dim3A_1546 : i32 to vector<16xi32>
      %broadcast_in_dim3A_1548 = arith.constant 7 : i32
      %broadcast_in_dim3A_1549 = vector.broadcast %broadcast_in_dim3A_1548 : i32 to vector<16xi32>
      %select_n3A_1550 = arith.select %and3A_1545, %broadcast_in_dim3A_1547, %broadcast_in_dim3A_1549 : vector<16xi1>, vector<16xi32>
      %min3A_1551 = arith.minsi %min3A_1527, %select_n3A_1550 : vector<16xi32>
      %eq3A_1552 = arith.cmpi eq, %min3A_1551, %get3A_1338 : vector<16xi32>
      %broadcast_in_dim3A_1553 = arith.constant 1 : i32
      %broadcast_in_dim3A_1554 = vector.broadcast %broadcast_in_dim3A_1553 : i32 to vector<16xi32>
      %broadcast_in_dim3A_1555 = arith.constant 0 : i32
      %broadcast_in_dim3A_1556 = vector.broadcast %broadcast_in_dim3A_1555 : i32 to vector<16xi32>
      %select_n3A_1557 = arith.select %eq3A_1552, %broadcast_in_dim3A_1556, %broadcast_in_dim3A_1554 : vector<16xi1>, vector<16xi32>
      %add3A_1558 = arith.addi %min3A_1551, %select_n3A_1557 : vector<16xi32>
      %sub3A_1559 = arith.subi %get3A_1338, %min3A_1551 : vector<16xi32>
      %swap3A_1560 = arith.constant 32 : index
      %swap3A_1561 = tpu.vector_load %arg19[%swap3A_1560] {strides = array<i32>} : memref<64xi32, #tpu.memory_space<vmem>>, vector<16xi32>,
      tpu.vector_store %arg19[%swap3A_1560], %sub3A_1559 {strides = array<i32>} : memref<64xi32, #tpu.memory_space<vmem>>, vector<16xi32>,
      %sub3A_1562 = arith.constant 1 : i32
      %sub3A_1563 = vector.broadcast %sub3A_1562 : i32 to vector<16xi32>
      %sub3A_1564 = arith.subi %add3A_1558, %sub3A_1563 : vector<16xi32>
      %jit3A_1565 = arith.constant 0 : i64
      %jit3A_1566 = arith.constant 7 : i64
      %convert_element_type3A_1567 = arith.trunci %jit3A_1565 : i64 to i32
      %max3A_1568 = vector.broadcast %convert_element_type3A_1567 : i32 to vector<16xi32>
      %max3A_1569 = arith.maxsi %max3A_1568, %sub3A_1564 : vector<16xi32>
      %convert_element_type3A_1570 = arith.trunci %jit3A_1566 : i64 to i32
      %min3A_1571 = vector.broadcast %convert_element_type3A_1570 : i32 to vector<16xi32>
      %min3A_1572 = arith.minsi %min3A_1571, %max3A_1569 : vector<16xi32>
      %broadcast_in_dim3A_1573 = arith.constant 0 : i32
      %broadcast_in_dim3A_1574 = vector.broadcast %broadcast_in_dim3A_1573 : i32 to vector<16xi32>
      %eq3A_1575 = arith.cmpi eq, %min3A_1572, %broadcast_in_dim3A_1574 : vector<16xi32>
      %select_n3A_1576 = arith.select %eq3A_1575, %gather3A_1371, %broadcast_in_dim3A_1556 : vector<16xi1>, vector<16xi32>
      %broadcast_in_dim3A_1577 = arith.constant 1 : i32
      %broadcast_in_dim3A_1578 = vector.broadcast %broadcast_in_dim3A_1577 : i32 to vector<16xi32>
      %eq3A_1579 = arith.cmpi eq, %min3A_1572, %broadcast_in_dim3A_1578 : vector<16xi32>
      %select_n3A_1580 = arith.select %eq3A_1579, %gather3A_1395, %select_n3A_1576 : vector<16xi1>, vector<16xi32>
      %broadcast_in_dim3A_1581 = arith.constant 2 : i32
      %broadcast_in_dim3A_1582 = vector.broadcast %broadcast_in_dim3A_1581 : i32 to vector<16xi32>
      %eq3A_1583 = arith.cmpi eq, %min3A_1572, %broadcast_in_dim3A_1582 : vector<16xi32>
      %select_n3A_1584 = arith.select %eq3A_1583, %gather3A_1419, %select_n3A_1580 : vector<16xi1>, vector<16xi32>
      %broadcast_in_dim3A_1585 = arith.constant 3 : i32
      %broadcast_in_dim3A_1586 = vector.broadcast %broadcast_in_dim3A_1585 : i32 to vector<16xi32>
      %eq3A_1587 = arith.cmpi eq, %min3A_1572, %broadcast_in_dim3A_1586 : vector<16xi32>
      %select_n3A_1588 = arith.select %eq3A_1587, %gather3A_1443, %select_n3A_1584 : vector<16xi1>, vector<16xi32>
      %broadcast_in_dim3A_1589 = arith.constant 4 : i32
      %broadcast_in_dim3A_1590 = vector.broadcast %broadcast_in_dim3A_1589 : i32 to vector<16xi32>
      %eq3A_1591 = arith.cmpi eq, %min3A_1572, %broadcast_in_dim3A_1590 : vector<16xi32>
      %select_n3A_1592 = arith.select %eq3A_1591, %gather3A_1467, %select_n3A_1588 : vector<16xi1>, vector<16xi32>
      %broadcast_in_dim3A_1593 = arith.constant 5 : i32
      %broadcast_in_dim3A_1594 = vector.broadcast %broadcast_in_dim3A_1593 : i32 to vector<16xi32>
      %eq3A_1595 = arith.cmpi eq, %min3A_1572, %broadcast_in_dim3A_1594 : vector<16xi32>
      %select_n3A_1596 = arith.select %eq3A_1595, %gather3A_1491, %select_n3A_1592 : vector<16xi1>, vector<16xi32>
      %broadcast_in_dim3A_1597 = arith.constant 6 : i32
      %broadcast_in_dim3A_1598 = vector.broadcast %broadcast_in_dim3A_1597 : i32 to vector<16xi32>
      %eq3A_1599 = arith.cmpi eq, %min3A_1572, %broadcast_in_dim3A_1598 : vector<16xi32>
      %select_n3A_1600 = arith.select %eq3A_1599, %gather3A_1515, %select_n3A_1596 : vector<16xi1>, vector<16xi32>
      %broadcast_in_dim3A_1601 = arith.constant 7 : i32
      %broadcast_in_dim3A_1602 = vector.broadcast %broadcast_in_dim3A_1601 : i32 to vector<16xi32>
      %eq3A_1603 = arith.cmpi eq, %min3A_1572, %broadcast_in_dim3A_1602 : vector<16xi32>
      %select_n3A_1604 = arith.select %eq3A_1603, %gather3A_1539, %select_n3A_1600 : vector<16xi1>, vector<16xi32>
      %select_n3A_1605 = arith.select %eq3A_1552, %get3A_1342, %select_n3A_1604 : vector<16xi1>, vector<16xi32>
      %swap3A_1606 = arith.constant 32 : index
      %swap3A_1607 = tpu.vector_load %arg20[%swap3A_1606] {strides = array<i32>} : memref<64xi32, #tpu.memory_space<vmem>>, vector<16xi32>,
      tpu.vector_store %arg20[%swap3A_1606], %select_n3A_1605 {strides = array<i32>} : memref<64xi32, #tpu.memory_space<vmem>>, vector<16xi32>,
      %add3A_1608 = arith.constant 32 : i32
      %add3A_1609 = vector.broadcast %add3A_1608 : i32 to vector<16xi32>
      %add3A_1610 = arith.addi %iota3A, %add3A_1609 : vector<16xi32>
      %broadcast_in_dim3A_1611 = arith.constant -1 : i32
      %broadcast_in_dim3A_1612 = vector.broadcast %broadcast_in_dim3A_1611 : i32 to vector<16xi32>
      %broadcast_in_dim3A_1613 = arith.constant 0 : i32
      %broadcast_in_dim3A_1614 = vector.broadcast %broadcast_in_dim3A_1613 : i32 to vector<16xi32>
      %lt3A_1615 = arith.cmpi slt, %broadcast_in_dim3A_1614, %add3A_1558 : vector<16xi32>
      %eq3A_1616 = arith.cmpi eq, %get3A_1338, %broadcast_in_dim3A_1614 : vector<16xi32>
      %and3A_1617 = arith.andi %eq3A_1552, %eq3A_1616 : vector<16xi1>
      %select_n3A_1618 = arith.select %and3A_1617, %get3A_1342, %broadcast_in_dim3A_1612 : vector<16xi1>, vector<16xi32>
      %select_n3A_1619 = arith.select %lt3A_1615, %gather3A_1371, %select_n3A_1618 : vector<16xi1>, vector<16xi32>
      tpu.vector_store_idx %arg18[%add3A_1610, %broadcast_in_dim3A_1614], %select_n3A_1619 : memref<64x9xi32, #tpu.memory_space<vmem>>[vector<16xi32>, vector<16xi32>], vector<16xi32>,
      %broadcast_in_dim3A_1620 = arith.constant 1 : i32
      %broadcast_in_dim3A_1621 = vector.broadcast %broadcast_in_dim3A_1620 : i32 to vector<16xi32>
      %lt3A_1622 = arith.cmpi slt, %broadcast_in_dim3A_1621, %add3A_1558 : vector<16xi32>
      %eq3A_1623 = arith.cmpi eq, %get3A_1338, %broadcast_in_dim3A_1621 : vector<16xi32>
      %and3A_1624 = arith.andi %eq3A_1552, %eq3A_1623 : vector<16xi1>
      %select_n3A_1625 = arith.select %and3A_1624, %get3A_1342, %broadcast_in_dim3A_1612 : vector<16xi1>, vector<16xi32>
      %select_n3A_1626 = arith.select %lt3A_1622, %gather3A_1395, %select_n3A_1625 : vector<16xi1>, vector<16xi32>
      tpu.vector_store_idx %arg18[%add3A_1610, %broadcast_in_dim3A_1621], %select_n3A_1626 : memref<64x9xi32, #tpu.memory_space<vmem>>[vector<16xi32>, vector<16xi32>], vector<16xi32>,
      %broadcast_in_dim3A_1627 = arith.constant 2 : i32
      %broadcast_in_dim3A_1628 = vector.broadcast %broadcast_in_dim3A_1627 : i32 to vector<16xi32>
      %lt3A_1629 = arith.cmpi slt, %broadcast_in_dim3A_1628, %add3A_1558 : vector<16xi32>
      %eq3A_1630 = arith.cmpi eq, %get3A_1338, %broadcast_in_dim3A_1628 : vector<16xi32>
      %and3A_1631 = arith.andi %eq3A_1552, %eq3A_1630 : vector<16xi1>
      %select_n3A_1632 = arith.select %and3A_1631, %get3A_1342, %broadcast_in_dim3A_1612 : vector<16xi1>, vector<16xi32>
      %select_n3A_1633 = arith.select %lt3A_1629, %gather3A_1419, %select_n3A_1632 : vector<16xi1>, vector<16xi32>
      tpu.vector_store_idx %arg18[%add3A_1610, %broadcast_in_dim3A_1628], %select_n3A_1633 : memref<64x9xi32, #tpu.memory_space<vmem>>[vector<16xi32>, vector<16xi32>], vector<16xi32>,
      %broadcast_in_dim3A_1634 = arith.constant 3 : i32
      %broadcast_in_dim3A_1635 = vector.broadcast %broadcast_in_dim3A_1634 : i32 to vector<16xi32>
      %lt3A_1636 = arith.cmpi slt, %broadcast_in_dim3A_1635, %add3A_1558 : vector<16xi32>
      %eq3A_1637 = arith.cmpi eq, %get3A_1338, %broadcast_in_dim3A_1635 : vector<16xi32>
      %and3A_1638 = arith.andi %eq3A_1552, %eq3A_1637 : vector<16xi1>
      %select_n3A_1639 = arith.select %and3A_1638, %get3A_1342, %broadcast_in_dim3A_1612 : vector<16xi1>, vector<16xi32>
      %select_n3A_1640 = arith.select %lt3A_1636, %gather3A_1443, %select_n3A_1639 : vector<16xi1>, vector<16xi32>
      tpu.vector_store_idx %arg18[%add3A_1610, %broadcast_in_dim3A_1635], %select_n3A_1640 : memref<64x9xi32, #tpu.memory_space<vmem>>[vector<16xi32>, vector<16xi32>], vector<16xi32>,
      %broadcast_in_dim3A_1641 = arith.constant 4 : i32
      %broadcast_in_dim3A_1642 = vector.broadcast %broadcast_in_dim3A_1641 : i32 to vector<16xi32>
      %lt3A_1643 = arith.cmpi slt, %broadcast_in_dim3A_1642, %add3A_1558 : vector<16xi32>
      %eq3A_1644 = arith.cmpi eq, %get3A_1338, %broadcast_in_dim3A_1642 : vector<16xi32>
      %and3A_1645 = arith.andi %eq3A_1552, %eq3A_1644 : vector<16xi1>
      %select_n3A_1646 = arith.select %and3A_1645, %get3A_1342, %broadcast_in_dim3A_1612 : vector<16xi1>, vector<16xi32>
      %select_n3A_1647 = arith.select %lt3A_1643, %gather3A_1467, %select_n3A_1646 : vector<16xi1>, vector<16xi32>
      tpu.vector_store_idx %arg18[%add3A_1610, %broadcast_in_dim3A_1642], %select_n3A_1647 : memref<64x9xi32, #tpu.memory_space<vmem>>[vector<16xi32>, vector<16xi32>], vector<16xi32>,
      %broadcast_in_dim3A_1648 = arith.constant 5 : i32
      %broadcast_in_dim3A_1649 = vector.broadcast %broadcast_in_dim3A_1648 : i32 to vector<16xi32>
      %lt3A_1650 = arith.cmpi slt, %broadcast_in_dim3A_1649, %add3A_1558 : vector<16xi32>
      %eq3A_1651 = arith.cmpi eq, %get3A_1338, %broadcast_in_dim3A_1649 : vector<16xi32>
      %and3A_1652 = arith.andi %eq3A_1552, %eq3A_1651 : vector<16xi1>
      %select_n3A_1653 = arith.select %and3A_1652, %get3A_1342, %broadcast_in_dim3A_1612 : vector<16xi1>, vector<16xi32>
      %select_n3A_1654 = arith.select %lt3A_1650, %gather3A_1491, %select_n3A_1653 : vector<16xi1>, vector<16xi32>
      tpu.vector_store_idx %arg18[%add3A_1610, %broadcast_in_dim3A_1649], %select_n3A_1654 : memref<64x9xi32, #tpu.memory_space<vmem>>[vector<16xi32>, vector<16xi32>], vector<16xi32>,
      %broadcast_in_dim3A_1655 = arith.constant 6 : i32
      %broadcast_in_dim3A_1656 = vector.broadcast %broadcast_in_dim3A_1655 : i32 to vector<16xi32>
      %lt3A_1657 = arith.cmpi slt, %broadcast_in_dim3A_1656, %add3A_1558 : vector<16xi32>
      %eq3A_1658 = arith.cmpi eq, %get3A_1338, %broadcast_in_dim3A_1656 : vector<16xi32>
      %and3A_1659 = arith.andi %eq3A_1552, %eq3A_1658 : vector<16xi1>
      %select_n3A_1660 = arith.select %and3A_1659, %get3A_1342, %broadcast_in_dim3A_1612 : vector<16xi1>, vector<16xi32>
      %select_n3A_1661 = arith.select %lt3A_1657, %gather3A_1515, %select_n3A_1660 : vector<16xi1>, vector<16xi32>
      tpu.vector_store_idx %arg18[%add3A_1610, %broadcast_in_dim3A_1656], %select_n3A_1661 : memref<64x9xi32, #tpu.memory_space<vmem>>[vector<16xi32>, vector<16xi32>], vector<16xi32>,
      %broadcast_in_dim3A_1662 = arith.constant 7 : i32
      %broadcast_in_dim3A_1663 = vector.broadcast %broadcast_in_dim3A_1662 : i32 to vector<16xi32>
      %lt3A_1664 = arith.cmpi slt, %broadcast_in_dim3A_1663, %add3A_1558 : vector<16xi32>
      %eq3A_1665 = arith.cmpi eq, %get3A_1338, %broadcast_in_dim3A_1663 : vector<16xi32>
      %and3A_1666 = arith.andi %eq3A_1552, %eq3A_1665 : vector<16xi1>
      %select_n3A_1667 = arith.select %and3A_1666, %get3A_1342, %broadcast_in_dim3A_1612 : vector<16xi1>, vector<16xi32>
      %select_n3A_1668 = arith.select %lt3A_1664, %gather3A_1539, %select_n3A_1667 : vector<16xi1>, vector<16xi32>
      tpu.vector_store_idx %arg18[%add3A_1610, %broadcast_in_dim3A_1663], %select_n3A_1668 : memref<64x9xi32, #tpu.memory_space<vmem>>[vector<16xi32>, vector<16xi32>], vector<16xi32>,
      %broadcast_in_dim3A_1669 = arith.constant 8 : i32
      %broadcast_in_dim3A_1670 = vector.broadcast %broadcast_in_dim3A_1669 : i32 to vector<16xi32>
      %eq3A_1671 = arith.cmpi eq, %get3A_1338, %broadcast_in_dim3A_1670 : vector<16xi32>
      %and3A_1672 = arith.andi %eq3A_1552, %eq3A_1671 : vector<16xi1>
      %select_n3A_1673 = arith.select %and3A_1672, %get3A_1342, %broadcast_in_dim3A_1612 : vector<16xi1>, vector<16xi32>
      tpu.vector_store_idx %arg18[%add3A_1610, %broadcast_in_dim3A_1670], %select_n3A_1673 : memref<64x9xi32, #tpu.memory_space<vmem>>[vector<16xi32>, vector<16xi32>], vector<16xi32>,
      %get3A_1674 = arith.constant 48 : index
      %get3A_1675 = tpu.vector_load %arg15[%get3A_1674] {strides = array<i32>} : memref<64xi32, #tpu.memory_space<vmem>>, vector<16xi32>,
      %get3A_1676 = arith.constant 48 : index
      %get3A_1677 = tpu.vector_load %arg16[%get3A_1676] {strides = array<i32>} : memref<64xi32, #tpu.memory_space<vmem>>, vector<16xi32>,
      %get3A_1678 = arith.constant 48 : index
      %get3A_1679 = tpu.vector_load %arg17[%get3A_1678] {strides = array<i32>} : memref<64xi32, #tpu.memory_space<vmem>>, vector<16xi32>,
      %broadcast_in_dim3A_1680 = arith.constant true
      %broadcast_in_dim3A_1681 = vector.broadcast %broadcast_in_dim3A_1680 : i1 to vector<16xi1>
      %masked_cumsum3A_1682 = tpu.scan <sum>, %get3A_1675 masked %broadcast_in_dim3A_1681 : vector<16xi32>, vector<16xi1> -> vector<16xi32>
      %sub3A_1683 = arith.subi %masked_cumsum3A_1682, %get3A_1675 : vector<16xi32>
      %add3A_1684 = vector.broadcast %add3A_1357 : i32 to vector<16xi32>
      %add3A_1685 = arith.addi %sub3A_1683, %add3A_1684 : vector<16xi32>
      %reduce_max3A_1686 = arith.constant true
      %reduce_max3A_1687 = vector.broadcast %reduce_max3A_1686 : i1 to vector<16xi1>
      %reduce_max3A_1688 = arith.constant -2147483648 : i32
      %reduce_max3A_1689 = vector.broadcast %reduce_max3A_1688 : i32 to vector<16xi32>
      %reduce_max3A_1690 = arith.xori %masked_cumsum3A_1682, %reduce_max3A_1689 : vector<16xi32>
      %reduce_max3A_1691 = tpu.scan <max>, %reduce_max3A_1690 masked %reduce_max3A_1687 : vector<16xi32>, vector<16xi1> -> vector<16xi32>
      %reduce_max3A_1692 = arith.xori %reduce_max3A_1691, %reduce_max3A_1689 : vector<16xi32>
      %reduce_max3A_1693 = vector.extract %reduce_max3A_1692[15] : i32 from vector<16xi32>
      %add3A_1694 = arith.addi %add3A_1357, %reduce_max3A_1693 : i32
      %broadcast_in_dim3A_1695 = arith.constant 8 : i32
      %broadcast_in_dim3A_1696 = vector.broadcast %broadcast_in_dim3A_1695 : i32 to vector<16xi32>
      %add3A_1697 = arith.constant 0 : i32
      %add3A_1698 = vector.broadcast %add3A_1697 : i32 to vector<16xi32>
      %add3A_1699 = arith.addi %add3A_1685, %add3A_1698 : vector<16xi32>
      %jit3A_1700 = arith.constant 0 : i64
      %jit3A_1701 = arith.constant 511 : i64
      %convert_element_type3A_1702 = arith.trunci %jit3A_1700 : i64 to i32
      %max3A_1703 = vector.broadcast %convert_element_type3A_1702 : i32 to vector<16xi32>
      %max3A_1704 = arith.maxsi %max3A_1703, %add3A_1699 : vector<16xi32>
      %convert_element_type3A_1705 = arith.trunci %jit3A_1701 : i64 to i32
      %min3A_1706 = vector.broadcast %convert_element_type3A_1705 : i32 to vector<16xi32>
      %min3A_1707 = arith.minsi %min3A_1706, %max3A_1704 : vector<16xi32>
      %gather3A_1708 = tpu.vector_load_idx %arg14[%min3A_1707] : memref<512xi32, #tpu.memory_space<vmem>>[vector<16xi32>], vector<16xi32>,
      %gather3A_1709 = tpu.vector_load_idx %arg13[%min3A_1707] : memref<512xi32, #tpu.memory_space<vmem>>[vector<16xi32>], vector<16xi32>,
      %eq3A_1710 = arith.cmpi eq, %gather3A_1708, %gather3A_1709 : vector<16xi32>
      %broadcast_in_dim3A_1711 = arith.constant 0 : i32
      %broadcast_in_dim3A_1712 = vector.broadcast %broadcast_in_dim3A_1711 : i32 to vector<16xi32>
      %lt3A_1713 = arith.cmpi slt, %broadcast_in_dim3A_1712, %get3A_1677 : vector<16xi32>
      %and3A_1714 = arith.andi %eq3A_1710, %lt3A_1713 : vector<16xi1>
      %broadcast_in_dim3A_1715 = arith.constant 8 : i32
      %broadcast_in_dim3A_1716 = vector.broadcast %broadcast_in_dim3A_1715 : i32 to vector<16xi32>
      %broadcast_in_dim3A_1717 = arith.constant 0 : i32
      %broadcast_in_dim3A_1718 = vector.broadcast %broadcast_in_dim3A_1717 : i32 to vector<16xi32>
      %select_n3A_1719 = arith.select %and3A_1714, %broadcast_in_dim3A_1716, %broadcast_in_dim3A_1718 : vector<16xi1>, vector<16xi32>
      %min3A_1720 = arith.minsi %broadcast_in_dim3A_1696, %select_n3A_1719 : vector<16xi32>
      %add3A_1721 = arith.constant 1 : i32
      %add3A_1722 = vector.broadcast %add3A_1721 : i32 to vector<16xi32>
      %add3A_1723 = arith.addi %add3A_1685, %add3A_1722 : vector<16xi32>
      %jit3A_1724 = arith.constant 0 : i64
      %jit3A_1725 = arith.constant 511 : i64
      %convert_element_type3A_1726 = arith.trunci %jit3A_1724 : i64 to i32
      %max3A_1727 = vector.broadcast %convert_element_type3A_1726 : i32 to vector<16xi32>
      %max3A_1728 = arith.maxsi %max3A_1727, %add3A_1723 : vector<16xi32>
      %convert_element_type3A_1729 = arith.trunci %jit3A_1725 : i64 to i32
      %min3A_1730 = vector.broadcast %convert_element_type3A_1729 : i32 to vector<16xi32>
      %min3A_1731 = arith.minsi %min3A_1730, %max3A_1728 : vector<16xi32>
      %gather3A_1732 = tpu.vector_load_idx %arg14[%min3A_1731] : memref<512xi32, #tpu.memory_space<vmem>>[vector<16xi32>], vector<16xi32>,
      %gather3A_1733 = tpu.vector_load_idx %arg13[%min3A_1731] : memref<512xi32, #tpu.memory_space<vmem>>[vector<16xi32>], vector<16xi32>,
      %eq3A_1734 = arith.cmpi eq, %gather3A_1732, %gather3A_1733 : vector<16xi32>
      %broadcast_in_dim3A_1735 = arith.constant 1 : i32
      %broadcast_in_dim3A_1736 = vector.broadcast %broadcast_in_dim3A_1735 : i32 to vector<16xi32>
      %lt3A_1737 = arith.cmpi slt, %broadcast_in_dim3A_1736, %get3A_1677 : vector<16xi32>
      %and3A_1738 = arith.andi %eq3A_1734, %lt3A_1737 : vector<16xi1>
      %broadcast_in_dim3A_1739 = arith.constant 8 : i32
      %broadcast_in_dim3A_1740 = vector.broadcast %broadcast_in_dim3A_1739 : i32 to vector<16xi32>
      %broadcast_in_dim3A_1741 = arith.constant 1 : i32
      %broadcast_in_dim3A_1742 = vector.broadcast %broadcast_in_dim3A_1741 : i32 to vector<16xi32>
      %select_n3A_1743 = arith.select %and3A_1738, %broadcast_in_dim3A_1740, %broadcast_in_dim3A_1742 : vector<16xi1>, vector<16xi32>
      %min3A_1744 = arith.minsi %min3A_1720, %select_n3A_1743 : vector<16xi32>
      %add3A_1745 = arith.constant 2 : i32
      %add3A_1746 = vector.broadcast %add3A_1745 : i32 to vector<16xi32>
      %add3A_1747 = arith.addi %add3A_1685, %add3A_1746 : vector<16xi32>
      %jit3A_1748 = arith.constant 0 : i64
      %jit3A_1749 = arith.constant 511 : i64
      %convert_element_type3A_1750 = arith.trunci %jit3A_1748 : i64 to i32
      %max3A_1751 = vector.broadcast %convert_element_type3A_1750 : i32 to vector<16xi32>
      %max3A_1752 = arith.maxsi %max3A_1751, %add3A_1747 : vector<16xi32>
      %convert_element_type3A_1753 = arith.trunci %jit3A_1749 : i64 to i32
      %min3A_1754 = vector.broadcast %convert_element_type3A_1753 : i32 to vector<16xi32>
      %min3A_1755 = arith.minsi %min3A_1754, %max3A_1752 : vector<16xi32>
      %gather3A_1756 = tpu.vector_load_idx %arg14[%min3A_1755] : memref<512xi32, #tpu.memory_space<vmem>>[vector<16xi32>], vector<16xi32>,
      %gather3A_1757 = tpu.vector_load_idx %arg13[%min3A_1755] : memref<512xi32, #tpu.memory_space<vmem>>[vector<16xi32>], vector<16xi32>,
      %eq3A_1758 = arith.cmpi eq, %gather3A_1756, %gather3A_1757 : vector<16xi32>
      %broadcast_in_dim3A_1759 = arith.constant 2 : i32
      %broadcast_in_dim3A_1760 = vector.broadcast %broadcast_in_dim3A_1759 : i32 to vector<16xi32>
      %lt3A_1761 = arith.cmpi slt, %broadcast_in_dim3A_1760, %get3A_1677 : vector<16xi32>
      %and3A_1762 = arith.andi %eq3A_1758, %lt3A_1761 : vector<16xi1>
      %broadcast_in_dim3A_1763 = arith.constant 8 : i32
      %broadcast_in_dim3A_1764 = vector.broadcast %broadcast_in_dim3A_1763 : i32 to vector<16xi32>
      %broadcast_in_dim3A_1765 = arith.constant 2 : i32
      %broadcast_in_dim3A_1766 = vector.broadcast %broadcast_in_dim3A_1765 : i32 to vector<16xi32>
      %select_n3A_1767 = arith.select %and3A_1762, %broadcast_in_dim3A_1764, %broadcast_in_dim3A_1766 : vector<16xi1>, vector<16xi32>
      %min3A_1768 = arith.minsi %min3A_1744, %select_n3A_1767 : vector<16xi32>
      %add3A_1769 = arith.constant 3 : i32
      %add3A_1770 = vector.broadcast %add3A_1769 : i32 to vector<16xi32>
      %add3A_1771 = arith.addi %add3A_1685, %add3A_1770 : vector<16xi32>
      %jit3A_1772 = arith.constant 0 : i64
      %jit3A_1773 = arith.constant 511 : i64
      %convert_element_type3A_1774 = arith.trunci %jit3A_1772 : i64 to i32
      %max3A_1775 = vector.broadcast %convert_element_type3A_1774 : i32 to vector<16xi32>
      %max3A_1776 = arith.maxsi %max3A_1775, %add3A_1771 : vector<16xi32>
      %convert_element_type3A_1777 = arith.trunci %jit3A_1773 : i64 to i32
      %min3A_1778 = vector.broadcast %convert_element_type3A_1777 : i32 to vector<16xi32>
      %min3A_1779 = arith.minsi %min3A_1778, %max3A_1776 : vector<16xi32>
      %gather3A_1780 = tpu.vector_load_idx %arg14[%min3A_1779] : memref<512xi32, #tpu.memory_space<vmem>>[vector<16xi32>], vector<16xi32>,
      %gather3A_1781 = tpu.vector_load_idx %arg13[%min3A_1779] : memref<512xi32, #tpu.memory_space<vmem>>[vector<16xi32>], vector<16xi32>,
      %eq3A_1782 = arith.cmpi eq, %gather3A_1780, %gather3A_1781 : vector<16xi32>
      %broadcast_in_dim3A_1783 = arith.constant 3 : i32
      %broadcast_in_dim3A_1784 = vector.broadcast %broadcast_in_dim3A_1783 : i32 to vector<16xi32>
      %lt3A_1785 = arith.cmpi slt, %broadcast_in_dim3A_1784, %get3A_1677 : vector<16xi32>
      %and3A_1786 = arith.andi %eq3A_1782, %lt3A_1785 : vector<16xi1>
      %broadcast_in_dim3A_1787 = arith.constant 8 : i32
      %broadcast_in_dim3A_1788 = vector.broadcast %broadcast_in_dim3A_1787 : i32 to vector<16xi32>
      %broadcast_in_dim3A_1789 = arith.constant 3 : i32
      %broadcast_in_dim3A_1790 = vector.broadcast %broadcast_in_dim3A_1789 : i32 to vector<16xi32>
      %select_n3A_1791 = arith.select %and3A_1786, %broadcast_in_dim3A_1788, %broadcast_in_dim3A_1790 : vector<16xi1>, vector<16xi32>
      %min3A_1792 = arith.minsi %min3A_1768, %select_n3A_1791 : vector<16xi32>
      %add3A_1793 = arith.constant 4 : i32
      %add3A_1794 = vector.broadcast %add3A_1793 : i32 to vector<16xi32>
      %add3A_1795 = arith.addi %add3A_1685, %add3A_1794 : vector<16xi32>
      %jit3A_1796 = arith.constant 0 : i64
      %jit3A_1797 = arith.constant 511 : i64
      %convert_element_type3A_1798 = arith.trunci %jit3A_1796 : i64 to i32
      %max3A_1799 = vector.broadcast %convert_element_type3A_1798 : i32 to vector<16xi32>
      %max3A_1800 = arith.maxsi %max3A_1799, %add3A_1795 : vector<16xi32>
      %convert_element_type3A_1801 = arith.trunci %jit3A_1797 : i64 to i32
      %min3A_1802 = vector.broadcast %convert_element_type3A_1801 : i32 to vector<16xi32>
      %min3A_1803 = arith.minsi %min3A_1802, %max3A_1800 : vector<16xi32>
      %gather3A_1804 = tpu.vector_load_idx %arg14[%min3A_1803] : memref<512xi32, #tpu.memory_space<vmem>>[vector<16xi32>], vector<16xi32>,
      %gather3A_1805 = tpu.vector_load_idx %arg13[%min3A_1803] : memref<512xi32, #tpu.memory_space<vmem>>[vector<16xi32>], vector<16xi32>,
      %eq3A_1806 = arith.cmpi eq, %gather3A_1804, %gather3A_1805 : vector<16xi32>
      %broadcast_in_dim3A_1807 = arith.constant 4 : i32
      %broadcast_in_dim3A_1808 = vector.broadcast %broadcast_in_dim3A_1807 : i32 to vector<16xi32>
      %lt3A_1809 = arith.cmpi slt, %broadcast_in_dim3A_1808, %get3A_1677 : vector<16xi32>
      %and3A_1810 = arith.andi %eq3A_1806, %lt3A_1809 : vector<16xi1>
      %broadcast_in_dim3A_1811 = arith.constant 8 : i32
      %broadcast_in_dim3A_1812 = vector.broadcast %broadcast_in_dim3A_1811 : i32 to vector<16xi32>
      %broadcast_in_dim3A_1813 = arith.constant 4 : i32
      %broadcast_in_dim3A_1814 = vector.broadcast %broadcast_in_dim3A_1813 : i32 to vector<16xi32>
      %select_n3A_1815 = arith.select %and3A_1810, %broadcast_in_dim3A_1812, %broadcast_in_dim3A_1814 : vector<16xi1>, vector<16xi32>
      %min3A_1816 = arith.minsi %min3A_1792, %select_n3A_1815 : vector<16xi32>
      %add3A_1817 = arith.constant 5 : i32
      %add3A_1818 = vector.broadcast %add3A_1817 : i32 to vector<16xi32>
      %add3A_1819 = arith.addi %add3A_1685, %add3A_1818 : vector<16xi32>
      %jit3A_1820 = arith.constant 0 : i64
      %jit3A_1821 = arith.constant 511 : i64
      %convert_element_type3A_1822 = arith.trunci %jit3A_1820 : i64 to i32
      %max3A_1823 = vector.broadcast %convert_element_type3A_1822 : i32 to vector<16xi32>
      %max3A_1824 = arith.maxsi %max3A_1823, %add3A_1819 : vector<16xi32>
      %convert_element_type3A_1825 = arith.trunci %jit3A_1821 : i64 to i32
      %min3A_1826 = vector.broadcast %convert_element_type3A_1825 : i32 to vector<16xi32>
      %min3A_1827 = arith.minsi %min3A_1826, %max3A_1824 : vector<16xi32>
      %gather3A_1828 = tpu.vector_load_idx %arg14[%min3A_1827] : memref<512xi32, #tpu.memory_space<vmem>>[vector<16xi32>], vector<16xi32>,
      %gather3A_1829 = tpu.vector_load_idx %arg13[%min3A_1827] : memref<512xi32, #tpu.memory_space<vmem>>[vector<16xi32>], vector<16xi32>,
      %eq3A_1830 = arith.cmpi eq, %gather3A_1828, %gather3A_1829 : vector<16xi32>
      %broadcast_in_dim3A_1831 = arith.constant 5 : i32
      %broadcast_in_dim3A_1832 = vector.broadcast %broadcast_in_dim3A_1831 : i32 to vector<16xi32>
      %lt3A_1833 = arith.cmpi slt, %broadcast_in_dim3A_1832, %get3A_1677 : vector<16xi32>
      %and3A_1834 = arith.andi %eq3A_1830, %lt3A_1833 : vector<16xi1>
      %broadcast_in_dim3A_1835 = arith.constant 8 : i32
      %broadcast_in_dim3A_1836 = vector.broadcast %broadcast_in_dim3A_1835 : i32 to vector<16xi32>
      %broadcast_in_dim3A_1837 = arith.constant 5 : i32
      %broadcast_in_dim3A_1838 = vector.broadcast %broadcast_in_dim3A_1837 : i32 to vector<16xi32>
      %select_n3A_1839 = arith.select %and3A_1834, %broadcast_in_dim3A_1836, %broadcast_in_dim3A_1838 : vector<16xi1>, vector<16xi32>
      %min3A_1840 = arith.minsi %min3A_1816, %select_n3A_1839 : vector<16xi32>
      %add3A_1841 = arith.constant 6 : i32
      %add3A_1842 = vector.broadcast %add3A_1841 : i32 to vector<16xi32>
      %add3A_1843 = arith.addi %add3A_1685, %add3A_1842 : vector<16xi32>
      %jit3A_1844 = arith.constant 0 : i64
      %jit3A_1845 = arith.constant 511 : i64
      %convert_element_type3A_1846 = arith.trunci %jit3A_1844 : i64 to i32
      %max3A_1847 = vector.broadcast %convert_element_type3A_1846 : i32 to vector<16xi32>
      %max3A_1848 = arith.maxsi %max3A_1847, %add3A_1843 : vector<16xi32>
      %convert_element_type3A_1849 = arith.trunci %jit3A_1845 : i64 to i32
      %min3A_1850 = vector.broadcast %convert_element_type3A_1849 : i32 to vector<16xi32>
      %min3A_1851 = arith.minsi %min3A_1850, %max3A_1848 : vector<16xi32>
      %gather3A_1852 = tpu.vector_load_idx %arg14[%min3A_1851] : memref<512xi32, #tpu.memory_space<vmem>>[vector<16xi32>], vector<16xi32>,
      %gather3A_1853 = tpu.vector_load_idx %arg13[%min3A_1851] : memref<512xi32, #tpu.memory_space<vmem>>[vector<16xi32>], vector<16xi32>,
      %eq3A_1854 = arith.cmpi eq, %gather3A_1852, %gather3A_1853 : vector<16xi32>
      %broadcast_in_dim3A_1855 = arith.constant 6 : i32
      %broadcast_in_dim3A_1856 = vector.broadcast %broadcast_in_dim3A_1855 : i32 to vector<16xi32>
      %lt3A_1857 = arith.cmpi slt, %broadcast_in_dim3A_1856, %get3A_1677 : vector<16xi32>
      %and3A_1858 = arith.andi %eq3A_1854, %lt3A_1857 : vector<16xi1>
      %broadcast_in_dim3A_1859 = arith.constant 8 : i32
      %broadcast_in_dim3A_1860 = vector.broadcast %broadcast_in_dim3A_1859 : i32 to vector<16xi32>
      %broadcast_in_dim3A_1861 = arith.constant 6 : i32
      %broadcast_in_dim3A_1862 = vector.broadcast %broadcast_in_dim3A_1861 : i32 to vector<16xi32>
      %select_n3A_1863 = arith.select %and3A_1858, %broadcast_in_dim3A_1860, %broadcast_in_dim3A_1862 : vector<16xi1>, vector<16xi32>
      %min3A_1864 = arith.minsi %min3A_1840, %select_n3A_1863 : vector<16xi32>
      %add3A_1865 = arith.constant 7 : i32
      %add3A_1866 = vector.broadcast %add3A_1865 : i32 to vector<16xi32>
      %add3A_1867 = arith.addi %add3A_1685, %add3A_1866 : vector<16xi32>
      %jit3A_1868 = arith.constant 0 : i64
      %jit3A_1869 = arith.constant 511 : i64
      %convert_element_type3A_1870 = arith.trunci %jit3A_1868 : i64 to i32
      %max3A_1871 = vector.broadcast %convert_element_type3A_1870 : i32 to vector<16xi32>
      %max3A_1872 = arith.maxsi %max3A_1871, %add3A_1867 : vector<16xi32>
      %convert_element_type3A_1873 = arith.trunci %jit3A_1869 : i64 to i32
      %min3A_1874 = vector.broadcast %convert_element_type3A_1873 : i32 to vector<16xi32>
      %min3A_1875 = arith.minsi %min3A_1874, %max3A_1872 : vector<16xi32>
      %gather3A_1876 = tpu.vector_load_idx %arg14[%min3A_1875] : memref<512xi32, #tpu.memory_space<vmem>>[vector<16xi32>], vector<16xi32>,
      %gather3A_1877 = tpu.vector_load_idx %arg13[%min3A_1875] : memref<512xi32, #tpu.memory_space<vmem>>[vector<16xi32>], vector<16xi32>,
      %eq3A_1878 = arith.cmpi eq, %gather3A_1876, %gather3A_1877 : vector<16xi32>
      %broadcast_in_dim3A_1879 = arith.constant 7 : i32
      %broadcast_in_dim3A_1880 = vector.broadcast %broadcast_in_dim3A_1879 : i32 to vector<16xi32>
      %lt3A_1881 = arith.cmpi slt, %broadcast_in_dim3A_1880, %get3A_1677 : vector<16xi32>
      %and3A_1882 = arith.andi %eq3A_1878, %lt3A_1881 : vector<16xi1>
      %broadcast_in_dim3A_1883 = arith.constant 8 : i32
      %broadcast_in_dim3A_1884 = vector.broadcast %broadcast_in_dim3A_1883 : i32 to vector<16xi32>
      %broadcast_in_dim3A_1885 = arith.constant 7 : i32
      %broadcast_in_dim3A_1886 = vector.broadcast %broadcast_in_dim3A_1885 : i32 to vector<16xi32>
      %select_n3A_1887 = arith.select %and3A_1882, %broadcast_in_dim3A_1884, %broadcast_in_dim3A_1886 : vector<16xi1>, vector<16xi32>
      %min3A_1888 = arith.minsi %min3A_1864, %select_n3A_1887 : vector<16xi32>
      %eq3A_1889 = arith.cmpi eq, %min3A_1888, %get3A_1675 : vector<16xi32>
      %broadcast_in_dim3A_1890 = arith.constant 1 : i32
      %broadcast_in_dim3A_1891 = vector.broadcast %broadcast_in_dim3A_1890 : i32 to vector<16xi32>
      %broadcast_in_dim3A_1892 = arith.constant 0 : i32
      %broadcast_in_dim3A_1893 = vector.broadcast %broadcast_in_dim3A_1892 : i32 to vector<16xi32>
      %select_n3A_1894 = arith.select %eq3A_1889, %broadcast_in_dim3A_1893, %broadcast_in_dim3A_1891 : vector<16xi1>, vector<16xi32>
      %add3A_1895 = arith.addi %min3A_1888, %select_n3A_1894 : vector<16xi32>
      %sub3A_1896 = arith.subi %get3A_1675, %min3A_1888 : vector<16xi32>
      %swap3A_1897 = arith.constant 48 : index
      %swap3A_1898 = tpu.vector_load %arg19[%swap3A_1897] {strides = array<i32>} : memref<64xi32, #tpu.memory_space<vmem>>, vector<16xi32>,
      tpu.vector_store %arg19[%swap3A_1897], %sub3A_1896 {strides = array<i32>} : memref<64xi32, #tpu.memory_space<vmem>>, vector<16xi32>,
      %sub3A_1899 = arith.constant 1 : i32
      %sub3A_1900 = vector.broadcast %sub3A_1899 : i32 to vector<16xi32>
      %sub3A_1901 = arith.subi %add3A_1895, %sub3A_1900 : vector<16xi32>
      %jit3A_1902 = arith.constant 0 : i64
      %jit3A_1903 = arith.constant 7 : i64
      %convert_element_type3A_1904 = arith.trunci %jit3A_1902 : i64 to i32
      %max3A_1905 = vector.broadcast %convert_element_type3A_1904 : i32 to vector<16xi32>
      %max3A_1906 = arith.maxsi %max3A_1905, %sub3A_1901 : vector<16xi32>
      %convert_element_type3A_1907 = arith.trunci %jit3A_1903 : i64 to i32
      %min3A_1908 = vector.broadcast %convert_element_type3A_1907 : i32 to vector<16xi32>
      %min3A_1909 = arith.minsi %min3A_1908, %max3A_1906 : vector<16xi32>
      %broadcast_in_dim3A_1910 = arith.constant 0 : i32
      %broadcast_in_dim3A_1911 = vector.broadcast %broadcast_in_dim3A_1910 : i32 to vector<16xi32>
      %eq3A_1912 = arith.cmpi eq, %min3A_1909, %broadcast_in_dim3A_1911 : vector<16xi32>
      %select_n3A_1913 = arith.select %eq3A_1912, %gather3A_1708, %broadcast_in_dim3A_1893 : vector<16xi1>, vector<16xi32>
      %broadcast_in_dim3A_1914 = arith.constant 1 : i32
      %broadcast_in_dim3A_1915 = vector.broadcast %broadcast_in_dim3A_1914 : i32 to vector<16xi32>
      %eq3A_1916 = arith.cmpi eq, %min3A_1909, %broadcast_in_dim3A_1915 : vector<16xi32>
      %select_n3A_1917 = arith.select %eq3A_1916, %gather3A_1732, %select_n3A_1913 : vector<16xi1>, vector<16xi32>
      %broadcast_in_dim3A_1918 = arith.constant 2 : i32
      %broadcast_in_dim3A_1919 = vector.broadcast %broadcast_in_dim3A_1918 : i32 to vector<16xi32>
      %eq3A_1920 = arith.cmpi eq, %min3A_1909, %broadcast_in_dim3A_1919 : vector<16xi32>
      %select_n3A_1921 = arith.select %eq3A_1920, %gather3A_1756, %select_n3A_1917 : vector<16xi1>, vector<16xi32>
      %broadcast_in_dim3A_1922 = arith.constant 3 : i32
      %broadcast_in_dim3A_1923 = vector.broadcast %broadcast_in_dim3A_1922 : i32 to vector<16xi32>
      %eq3A_1924 = arith.cmpi eq, %min3A_1909, %broadcast_in_dim3A_1923 : vector<16xi32>
      %select_n3A_1925 = arith.select %eq3A_1924, %gather3A_1780, %select_n3A_1921 : vector<16xi1>, vector<16xi32>
      %broadcast_in_dim3A_1926 = arith.constant 4 : i32
      %broadcast_in_dim3A_1927 = vector.broadcast %broadcast_in_dim3A_1926 : i32 to vector<16xi32>
      %eq3A_1928 = arith.cmpi eq, %min3A_1909, %broadcast_in_dim3A_1927 : vector<16xi32>
      %select_n3A_1929 = arith.select %eq3A_1928, %gather3A_1804, %select_n3A_1925 : vector<16xi1>, vector<16xi32>
      %broadcast_in_dim3A_1930 = arith.constant 5 : i32
      %broadcast_in_dim3A_1931 = vector.broadcast %broadcast_in_dim3A_1930 : i32 to vector<16xi32>
      %eq3A_1932 = arith.cmpi eq, %min3A_1909, %broadcast_in_dim3A_1931 : vector<16xi32>
      %select_n3A_1933 = arith.select %eq3A_1932, %gather3A_1828, %select_n3A_1929 : vector<16xi1>, vector<16xi32>
      %broadcast_in_dim3A_1934 = arith.constant 6 : i32
      %broadcast_in_dim3A_1935 = vector.broadcast %broadcast_in_dim3A_1934 : i32 to vector<16xi32>
      %eq3A_1936 = arith.cmpi eq, %min3A_1909, %broadcast_in_dim3A_1935 : vector<16xi32>
      %select_n3A_1937 = arith.select %eq3A_1936, %gather3A_1852, %select_n3A_1933 : vector<16xi1>, vector<16xi32>
      %broadcast_in_dim3A_1938 = arith.constant 7 : i32
      %broadcast_in_dim3A_1939 = vector.broadcast %broadcast_in_dim3A_1938 : i32 to vector<16xi32>
      %eq3A_1940 = arith.cmpi eq, %min3A_1909, %broadcast_in_dim3A_1939 : vector<16xi32>
      %select_n3A_1941 = arith.select %eq3A_1940, %gather3A_1876, %select_n3A_1937 : vector<16xi1>, vector<16xi32>
      %select_n3A_1942 = arith.select %eq3A_1889, %get3A_1679, %select_n3A_1941 : vector<16xi1>, vector<16xi32>
      %swap3A_1943 = arith.constant 48 : index
      %swap3A_1944 = tpu.vector_load %arg20[%swap3A_1943] {strides = array<i32>} : memref<64xi32, #tpu.memory_space<vmem>>, vector<16xi32>,
      tpu.vector_store %arg20[%swap3A_1943], %select_n3A_1942 {strides = array<i32>} : memref<64xi32, #tpu.memory_space<vmem>>, vector<16xi32>,
      %add3A_1945 = arith.constant 48 : i32
      %add3A_1946 = vector.broadcast %add3A_1945 : i32 to vector<16xi32>
      %add3A_1947 = arith.addi %iota3A, %add3A_1946 : vector<16xi32>
      %broadcast_in_dim3A_1948 = arith.constant -1 : i32
      %broadcast_in_dim3A_1949 = vector.broadcast %broadcast_in_dim3A_1948 : i32 to vector<16xi32>
      %broadcast_in_dim3A_1950 = arith.constant 0 : i32
      %broadcast_in_dim3A_1951 = vector.broadcast %broadcast_in_dim3A_1950 : i32 to vector<16xi32>
      %lt3A_1952 = arith.cmpi slt, %broadcast_in_dim3A_1951, %add3A_1895 : vector<16xi32>
      %eq3A_1953 = arith.cmpi eq, %get3A_1675, %broadcast_in_dim3A_1951 : vector<16xi32>
      %and3A_1954 = arith.andi %eq3A_1889, %eq3A_1953 : vector<16xi1>
      %select_n3A_1955 = arith.select %and3A_1954, %get3A_1679, %broadcast_in_dim3A_1949 : vector<16xi1>, vector<16xi32>
      %select_n3A_1956 = arith.select %lt3A_1952, %gather3A_1708, %select_n3A_1955 : vector<16xi1>, vector<16xi32>
      tpu.vector_store_idx %arg18[%add3A_1947, %broadcast_in_dim3A_1951], %select_n3A_1956 : memref<64x9xi32, #tpu.memory_space<vmem>>[vector<16xi32>, vector<16xi32>], vector<16xi32>,
      %broadcast_in_dim3A_1957 = arith.constant 1 : i32
      %broadcast_in_dim3A_1958 = vector.broadcast %broadcast_in_dim3A_1957 : i32 to vector<16xi32>
      %lt3A_1959 = arith.cmpi slt, %broadcast_in_dim3A_1958, %add3A_1895 : vector<16xi32>
      %eq3A_1960 = arith.cmpi eq, %get3A_1675, %broadcast_in_dim3A_1958 : vector<16xi32>
      %and3A_1961 = arith.andi %eq3A_1889, %eq3A_1960 : vector<16xi1>
      %select_n3A_1962 = arith.select %and3A_1961, %get3A_1679, %broadcast_in_dim3A_1949 : vector<16xi1>, vector<16xi32>
      %select_n3A_1963 = arith.select %lt3A_1959, %gather3A_1732, %select_n3A_1962 : vector<16xi1>, vector<16xi32>
      tpu.vector_store_idx %arg18[%add3A_1947, %broadcast_in_dim3A_1958], %select_n3A_1963 : memref<64x9xi32, #tpu.memory_space<vmem>>[vector<16xi32>, vector<16xi32>], vector<16xi32>,
      %broadcast_in_dim3A_1964 = arith.constant 2 : i32
      %broadcast_in_dim3A_1965 = vector.broadcast %broadcast_in_dim3A_1964 : i32 to vector<16xi32>
      %lt3A_1966 = arith.cmpi slt, %broadcast_in_dim3A_1965, %add3A_1895 : vector<16xi32>
      %eq3A_1967 = arith.cmpi eq, %get3A_1675, %broadcast_in_dim3A_1965 : vector<16xi32>
      %and3A_1968 = arith.andi %eq3A_1889, %eq3A_1967 : vector<16xi1>
      %select_n3A_1969 = arith.select %and3A_1968, %get3A_1679, %broadcast_in_dim3A_1949 : vector<16xi1>, vector<16xi32>
      %select_n3A_1970 = arith.select %lt3A_1966, %gather3A_1756, %select_n3A_1969 : vector<16xi1>, vector<16xi32>
      tpu.vector_store_idx %arg18[%add3A_1947, %broadcast_in_dim3A_1965], %select_n3A_1970 : memref<64x9xi32, #tpu.memory_space<vmem>>[vector<16xi32>, vector<16xi32>], vector<16xi32>,
      %broadcast_in_dim3A_1971 = arith.constant 3 : i32
      %broadcast_in_dim3A_1972 = vector.broadcast %broadcast_in_dim3A_1971 : i32 to vector<16xi32>
      %lt3A_1973 = arith.cmpi slt, %broadcast_in_dim3A_1972, %add3A_1895 : vector<16xi32>
      %eq3A_1974 = arith.cmpi eq, %get3A_1675, %broadcast_in_dim3A_1972 : vector<16xi32>
      %and3A_1975 = arith.andi %eq3A_1889, %eq3A_1974 : vector<16xi1>
      %select_n3A_1976 = arith.select %and3A_1975, %get3A_1679, %broadcast_in_dim3A_1949 : vector<16xi1>, vector<16xi32>
      %select_n3A_1977 = arith.select %lt3A_1973, %gather3A_1780, %select_n3A_1976 : vector<16xi1>, vector<16xi32>
      tpu.vector_store_idx %arg18[%add3A_1947, %broadcast_in_dim3A_1972], %select_n3A_1977 : memref<64x9xi32, #tpu.memory_space<vmem>>[vector<16xi32>, vector<16xi32>], vector<16xi32>,
      %broadcast_in_dim3A_1978 = arith.constant 4 : i32
      %broadcast_in_dim3A_1979 = vector.broadcast %broadcast_in_dim3A_1978 : i32 to vector<16xi32>
      %lt3A_1980 = arith.cmpi slt, %broadcast_in_dim3A_1979, %add3A_1895 : vector<16xi32>
      %eq3A_1981 = arith.cmpi eq, %get3A_1675, %broadcast_in_dim3A_1979 : vector<16xi32>
      %and3A_1982 = arith.andi %eq3A_1889, %eq3A_1981 : vector<16xi1>
      %select_n3A_1983 = arith.select %and3A_1982, %get3A_1679, %broadcast_in_dim3A_1949 : vector<16xi1>, vector<16xi32>
      %select_n3A_1984 = arith.select %lt3A_1980, %gather3A_1804, %select_n3A_1983 : vector<16xi1>, vector<16xi32>
      tpu.vector_store_idx %arg18[%add3A_1947, %broadcast_in_dim3A_1979], %select_n3A_1984 : memref<64x9xi32, #tpu.memory_space<vmem>>[vector<16xi32>, vector<16xi32>], vector<16xi32>,
      %broadcast_in_dim3A_1985 = arith.constant 5 : i32
      %broadcast_in_dim3A_1986 = vector.broadcast %broadcast_in_dim3A_1985 : i32 to vector<16xi32>
      %lt3A_1987 = arith.cmpi slt, %broadcast_in_dim3A_1986, %add3A_1895 : vector<16xi32>
      %eq3A_1988 = arith.cmpi eq, %get3A_1675, %broadcast_in_dim3A_1986 : vector<16xi32>
      %and3A_1989 = arith.andi %eq3A_1889, %eq3A_1988 : vector<16xi1>
      %select_n3A_1990 = arith.select %and3A_1989, %get3A_1679, %broadcast_in_dim3A_1949 : vector<16xi1>, vector<16xi32>
      %select_n3A_1991 = arith.select %lt3A_1987, %gather3A_1828, %select_n3A_1990 : vector<16xi1>, vector<16xi32>
      tpu.vector_store_idx %arg18[%add3A_1947, %broadcast_in_dim3A_1986], %select_n3A_1991 : memref<64x9xi32, #tpu.memory_space<vmem>>[vector<16xi32>, vector<16xi32>], vector<16xi32>,
      %broadcast_in_dim3A_1992 = arith.constant 6 : i32
      %broadcast_in_dim3A_1993 = vector.broadcast %broadcast_in_dim3A_1992 : i32 to vector<16xi32>
      %lt3A_1994 = arith.cmpi slt, %broadcast_in_dim3A_1993, %add3A_1895 : vector<16xi32>
      %eq3A_1995 = arith.cmpi eq, %get3A_1675, %broadcast_in_dim3A_1993 : vector<16xi32>
      %and3A_1996 = arith.andi %eq3A_1889, %eq3A_1995 : vector<16xi1>
      %select_n3A_1997 = arith.select %and3A_1996, %get3A_1679, %broadcast_in_dim3A_1949 : vector<16xi1>, vector<16xi32>
      %select_n3A_1998 = arith.select %lt3A_1994, %gather3A_1852, %select_n3A_1997 : vector<16xi1>, vector<16xi32>
      tpu.vector_store_idx %arg18[%add3A_1947, %broadcast_in_dim3A_1993], %select_n3A_1998 : memref<64x9xi32, #tpu.memory_space<vmem>>[vector<16xi32>, vector<16xi32>], vector<16xi32>,
      %broadcast_in_dim3A_1999 = arith.constant 7 : i32
      %broadcast_in_dim3A_2000 = vector.broadcast %broadcast_in_dim3A_1999 : i32 to vector<16xi32>
      %lt3A_2001 = arith.cmpi slt, %broadcast_in_dim3A_2000, %add3A_1895 : vector<16xi32>
      %eq3A_2002 = arith.cmpi eq, %get3A_1675, %broadcast_in_dim3A_2000 : vector<16xi32>
      %and3A_2003 = arith.andi %eq3A_1889, %eq3A_2002 : vector<16xi1>
      %select_n3A_2004 = arith.select %and3A_2003, %get3A_1679, %broadcast_in_dim3A_1949 : vector<16xi1>, vector<16xi32>
      %select_n3A_2005 = arith.select %lt3A_2001, %gather3A_1876, %select_n3A_2004 : vector<16xi1>, vector<16xi32>
      tpu.vector_store_idx %arg18[%add3A_1947, %broadcast_in_dim3A_2000], %select_n3A_2005 : memref<64x9xi32, #tpu.memory_space<vmem>>[vector<16xi32>, vector<16xi32>], vector<16xi32>,
      %broadcast_in_dim3A_2006 = arith.constant 8 : i32
      %broadcast_in_dim3A_2007 = vector.broadcast %broadcast_in_dim3A_2006 : i32 to vector<16xi32>
      %eq3A_2008 = arith.cmpi eq, %get3A_1675, %broadcast_in_dim3A_2007 : vector<16xi32>
      %and3A_2009 = arith.andi %eq3A_1889, %eq3A_2008 : vector<16xi1>
      %select_n3A_2010 = arith.select %and3A_2009, %get3A_1679, %broadcast_in_dim3A_1949 : vector<16xi1>, vector<16xi32>
      tpu.vector_store_idx %arg18[%add3A_1947, %broadcast_in_dim3A_2007], %select_n3A_2010 : memref<64x9xi32, #tpu.memory_space<vmem>>[vector<16xi32>, vector<16xi32>], vector<16xi32>,
      "tpu.region"() ({
        %run_scoped3A = tpu.sem_alloc : memref<!tpu.dma_semaphore, #tpu.memory_space<semaphore_mem>>
        tpu.enqueue_dma source(%arg18 : memref<64x9xi32, #tpu.memory_space<vmem>>) target(%arg8 : memref<64x9xi32, #tpu.memory_space<hbm>>) target_semaphore(%run_scoped3A : memref<!tpu.dma_semaphore, #tpu.memory_space<semaphore_mem>>)
        tpu.wait_dma2 semaphore(%run_scoped3A : memref<!tpu.dma_semaphore, #tpu.memory_space<semaphore_mem>>) src(%arg18 : memref<64x9xi32, #tpu.memory_space<vmem>>) dst(%arg8 : memref<64x9xi32, #tpu.memory_space<hbm>>)
        tpu.yield
      }) : () -> ()
      "tpu.region"() ({
        %run_scoped3A = tpu.sem_alloc : memref<!tpu.dma_semaphore, #tpu.memory_space<semaphore_mem>>
        tpu.enqueue_dma source(%arg19 : memref<64xi32, #tpu.memory_space<vmem>>) target(%arg9 : memref<64xi32, #tpu.memory_space<hbm>>) target_semaphore(%run_scoped3A : memref<!tpu.dma_semaphore, #tpu.memory_space<semaphore_mem>>)
        tpu.wait_dma2 semaphore(%run_scoped3A : memref<!tpu.dma_semaphore, #tpu.memory_space<semaphore_mem>>) src(%arg19 : memref<64xi32, #tpu.memory_space<vmem>>) dst(%arg9 : memref<64xi32, #tpu.memory_space<hbm>>)
        tpu.yield
      }) : () -> ()
      "tpu.region"() ({
        %run_scoped3A = tpu.sem_alloc : memref<!tpu.dma_semaphore, #tpu.memory_space<semaphore_mem>>
        tpu.enqueue_dma source(%arg20 : memref<64xi32, #tpu.memory_space<vmem>>) target(%arg10 : memref<64xi32, #tpu.memory_space<hbm>>) target_semaphore(%run_scoped3A : memref<!tpu.dma_semaphore, #tpu.memory_space<semaphore_mem>>)
        tpu.wait_dma2 semaphore(%run_scoped3A : memref<!tpu.dma_semaphore, #tpu.memory_space<semaphore_mem>>) src(%arg20 : memref<64xi32, #tpu.memory_space<vmem>>) dst(%arg10 : memref<64xi32, #tpu.memory_space<hbm>>)
        tpu.yield
      }) : () -> ()
    } else {
    }
    return
  }
}

module attributes {stable_mosaic.version = 14 : i64} {
  func.func @k(%arg0: i32, %arg1: memref<100000x512xf32, #tpu.memory_space<any>>, %arg2: memref<2x512xf32, #tpu.memory_space<any>>, %arg3: memref<2x512xi32, #tpu.memory_space<any>>, %arg4: memref<6x1024x512xf32, #tpu.memory_space<vmem>>, %arg5: memref<1x512xf32, #tpu.memory_space<vmem>>, %arg6: memref<1x512xf32, #tpu.memory_space<vmem>>, %arg7: memref<1x512xi32, #tpu.memory_space<vmem>>, %arg8: memref<6x!tpu.dma_semaphore, #tpu.memory_space<semaphore_mem>>) attributes {dimension_semantics = [#tpu.dimension_semantics<parallel>], iteration_bounds = array<i64: 2>, scalar_prefetch = 0 : i64, scratch_operands = 5 : i64, tpu.core_type = #tpu.core_type<tc>, window_params = [{}, {}, {}]} {
    %mul3A = arith.constant 49 : i32
    %mul3A_0 = arith.muli %arg0, %mul3A : i32
    %eq3A = arith.constant 0 : i32
    %eq3A_1 = arith.cmpi eq, %arg0, %eq3A : i32
    %jit3A = arith.constant 49 : i32
    %jit3A_2 = arith.constant 49 : i32
    %select_n3A = arith.select %eq3A_1, %jit3A, %jit3A_2 : i32
    %lt3A = arith.constant 0 : i32
    %lt3A_3 = arith.cmpi slt, %lt3A, %select_n3A : i32
    %convert_element_type3A = arith.extui %lt3A_3 : i1 to i32
    %cond3A = arith.constant 0 : i32
    %cond3A_4 = arith.cmpi ne, %convert_element_type3A, %cond3A : i32
    scf.if %cond3A_4 {
      %add3A = arith.constant 0 : i32
      %add3A_53 = arith.addi %mul3A_0, %add3A : i32
      %mul3A_54 = arith.constant 1024 : i32
      %mul3A_55 = arith.muli %add3A_53, %mul3A_54 : i32
      %min3A = arith.constant 98976 : i32
      %min3A_56 = arith.minsi %mul3A_55, %min3A : i32
      %dma_start3A = arith.constant 0 : i32
      %dma_start3A_57 = arith.constant 0 : i32
      %dma_start3A_58 = tpu.memref_slice %arg8[%dma_start3A_57] : memref<6x!tpu.dma_semaphore, #tpu.memory_space<semaphore_mem>> -> memref<1x!tpu.dma_semaphore, #tpu.memory_space<semaphore_mem>>
      %dma_start3A_59 = tpu.memref_squeeze %dma_start3A_58 : memref<1x!tpu.dma_semaphore, #tpu.memory_space<semaphore_mem>> -> memref<!tpu.dma_semaphore, #tpu.memory_space<semaphore_mem>>
      %dma_start3A_60 = arith.constant 0 : i32
      %dma_start3A_61 = arith.constant 0 : i32
      %dma_start3A_62 = tpu.memref_slice %arg4[%dma_start3A, %dma_start3A_60, %dma_start3A_61] : memref<6x1024x512xf32, #tpu.memory_space<vmem>> -> memref<1x1024x512xf32, #tpu.memory_space<vmem>>
      %dma_start3A_63 = tpu.memref_squeeze %dma_start3A_62 : memref<1x1024x512xf32, #tpu.memory_space<vmem>> -> memref<1024x512xf32, #tpu.memory_space<vmem>>
      %dma_start3A_64 = arith.constant 0 : i32
      %dma_start3A_65 = tpu.memref_slice %arg1[%min3A_56, %dma_start3A_64] : memref<100000x512xf32, #tpu.memory_space<any>> -> memref<1024x512xf32, #tpu.memory_space<any>>
      tpu.enqueue_dma source(%dma_start3A_65 : memref<1024x512xf32, #tpu.memory_space<any>>) target(%dma_start3A_63 : memref<1024x512xf32, #tpu.memory_space<vmem>>) target_semaphore(%dma_start3A_59 : memref<!tpu.dma_semaphore, #tpu.memory_space<semaphore_mem>>)
    } else {
    }
    %lt3A_5 = arith.constant 1 : i32
    %lt3A_6 = arith.cmpi slt, %lt3A_5, %select_n3A : i32
    %convert_element_type3A_7 = arith.extui %lt3A_6 : i1 to i32
    %cond3A_8 = arith.constant 0 : i32
    %cond3A_9 = arith.cmpi ne, %convert_element_type3A_7, %cond3A_8 : i32
    scf.if %cond3A_9 {
      %add3A = arith.constant 1 : i32
      %add3A_53 = arith.addi %mul3A_0, %add3A : i32
      %mul3A_54 = arith.constant 1024 : i32
      %mul3A_55 = arith.muli %add3A_53, %mul3A_54 : i32
      %min3A = arith.constant 98976 : i32
      %min3A_56 = arith.minsi %mul3A_55, %min3A : i32
      %dma_start3A = arith.constant 1 : i32
      %dma_start3A_57 = arith.constant 1 : i32
      %dma_start3A_58 = tpu.memref_slice %arg8[%dma_start3A_57] : memref<6x!tpu.dma_semaphore, #tpu.memory_space<semaphore_mem>> -> memref<1x!tpu.dma_semaphore, #tpu.memory_space<semaphore_mem>>
      %dma_start3A_59 = tpu.memref_squeeze %dma_start3A_58 : memref<1x!tpu.dma_semaphore, #tpu.memory_space<semaphore_mem>> -> memref<!tpu.dma_semaphore, #tpu.memory_space<semaphore_mem>>
      %dma_start3A_60 = arith.constant 0 : i32
      %dma_start3A_61 = arith.constant 0 : i32
      %dma_start3A_62 = tpu.memref_slice %arg4[%dma_start3A, %dma_start3A_60, %dma_start3A_61] : memref<6x1024x512xf32, #tpu.memory_space<vmem>> -> memref<1x1024x512xf32, #tpu.memory_space<vmem>>
      %dma_start3A_63 = tpu.memref_squeeze %dma_start3A_62 : memref<1x1024x512xf32, #tpu.memory_space<vmem>> -> memref<1024x512xf32, #tpu.memory_space<vmem>>
      %dma_start3A_64 = arith.constant 0 : i32
      %dma_start3A_65 = tpu.memref_slice %arg1[%min3A_56, %dma_start3A_64] : memref<100000x512xf32, #tpu.memory_space<any>> -> memref<1024x512xf32, #tpu.memory_space<any>>
      tpu.enqueue_dma source(%dma_start3A_65 : memref<1024x512xf32, #tpu.memory_space<any>>) target(%dma_start3A_63 : memref<1024x512xf32, #tpu.memory_space<vmem>>) target_semaphore(%dma_start3A_59 : memref<!tpu.dma_semaphore, #tpu.memory_space<semaphore_mem>>)
    } else {
    }
    %lt3A_10 = arith.constant 2 : i32
    %lt3A_11 = arith.cmpi slt, %lt3A_10, %select_n3A : i32
    %convert_element_type3A_12 = arith.extui %lt3A_11 : i1 to i32
    %cond3A_13 = arith.constant 0 : i32
    %cond3A_14 = arith.cmpi ne, %convert_element_type3A_12, %cond3A_13 : i32
    scf.if %cond3A_14 {
      %add3A = arith.constant 2 : i32
      %add3A_53 = arith.addi %mul3A_0, %add3A : i32
      %mul3A_54 = arith.constant 1024 : i32
      %mul3A_55 = arith.muli %add3A_53, %mul3A_54 : i32
      %min3A = arith.constant 98976 : i32
      %min3A_56 = arith.minsi %mul3A_55, %min3A : i32
      %dma_start3A = arith.constant 2 : i32
      %dma_start3A_57 = arith.constant 2 : i32
      %dma_start3A_58 = tpu.memref_slice %arg8[%dma_start3A_57] : memref<6x!tpu.dma_semaphore, #tpu.memory_space<semaphore_mem>> -> memref<1x!tpu.dma_semaphore, #tpu.memory_space<semaphore_mem>>
      %dma_start3A_59 = tpu.memref_squeeze %dma_start3A_58 : memref<1x!tpu.dma_semaphore, #tpu.memory_space<semaphore_mem>> -> memref<!tpu.dma_semaphore, #tpu.memory_space<semaphore_mem>>
      %dma_start3A_60 = arith.constant 0 : i32
      %dma_start3A_61 = arith.constant 0 : i32
      %dma_start3A_62 = tpu.memref_slice %arg4[%dma_start3A, %dma_start3A_60, %dma_start3A_61] : memref<6x1024x512xf32, #tpu.memory_space<vmem>> -> memref<1x1024x512xf32, #tpu.memory_space<vmem>>
      %dma_start3A_63 = tpu.memref_squeeze %dma_start3A_62 : memref<1x1024x512xf32, #tpu.memory_space<vmem>> -> memref<1024x512xf32, #tpu.memory_space<vmem>>
      %dma_start3A_64 = arith.constant 0 : i32
      %dma_start3A_65 = tpu.memref_slice %arg1[%min3A_56, %dma_start3A_64] : memref<100000x512xf32, #tpu.memory_space<any>> -> memref<1024x512xf32, #tpu.memory_space<any>>
      tpu.enqueue_dma source(%dma_start3A_65 : memref<1024x512xf32, #tpu.memory_space<any>>) target(%dma_start3A_63 : memref<1024x512xf32, #tpu.memory_space<vmem>>) target_semaphore(%dma_start3A_59 : memref<!tpu.dma_semaphore, #tpu.memory_space<semaphore_mem>>)
    } else {
    }
    %lt3A_15 = arith.constant 3 : i32
    %lt3A_16 = arith.cmpi slt, %lt3A_15, %select_n3A : i32
    %convert_element_type3A_17 = arith.extui %lt3A_16 : i1 to i32
    %cond3A_18 = arith.constant 0 : i32
    %cond3A_19 = arith.cmpi ne, %convert_element_type3A_17, %cond3A_18 : i32
    scf.if %cond3A_19 {
      %add3A = arith.constant 3 : i32
      %add3A_53 = arith.addi %mul3A_0, %add3A : i32
      %mul3A_54 = arith.constant 1024 : i32
      %mul3A_55 = arith.muli %add3A_53, %mul3A_54 : i32
      %min3A = arith.constant 98976 : i32
      %min3A_56 = arith.minsi %mul3A_55, %min3A : i32
      %dma_start3A = arith.constant 3 : i32
      %dma_start3A_57 = arith.constant 3 : i32
      %dma_start3A_58 = tpu.memref_slice %arg8[%dma_start3A_57] : memref<6x!tpu.dma_semaphore, #tpu.memory_space<semaphore_mem>> -> memref<1x!tpu.dma_semaphore, #tpu.memory_space<semaphore_mem>>
      %dma_start3A_59 = tpu.memref_squeeze %dma_start3A_58 : memref<1x!tpu.dma_semaphore, #tpu.memory_space<semaphore_mem>> -> memref<!tpu.dma_semaphore, #tpu.memory_space<semaphore_mem>>
      %dma_start3A_60 = arith.constant 0 : i32
      %dma_start3A_61 = arith.constant 0 : i32
      %dma_start3A_62 = tpu.memref_slice %arg4[%dma_start3A, %dma_start3A_60, %dma_start3A_61] : memref<6x1024x512xf32, #tpu.memory_space<vmem>> -> memref<1x1024x512xf32, #tpu.memory_space<vmem>>
      %dma_start3A_63 = tpu.memref_squeeze %dma_start3A_62 : memref<1x1024x512xf32, #tpu.memory_space<vmem>> -> memref<1024x512xf32, #tpu.memory_space<vmem>>
      %dma_start3A_64 = arith.constant 0 : i32
      %dma_start3A_65 = tpu.memref_slice %arg1[%min3A_56, %dma_start3A_64] : memref<100000x512xf32, #tpu.memory_space<any>> -> memref<1024x512xf32, #tpu.memory_space<any>>
      tpu.enqueue_dma source(%dma_start3A_65 : memref<1024x512xf32, #tpu.memory_space<any>>) target(%dma_start3A_63 : memref<1024x512xf32, #tpu.memory_space<vmem>>) target_semaphore(%dma_start3A_59 : memref<!tpu.dma_semaphore, #tpu.memory_space<semaphore_mem>>)
    } else {
    }
    %lt3A_20 = arith.constant 4 : i32
    %lt3A_21 = arith.cmpi slt, %lt3A_20, %select_n3A : i32
    %convert_element_type3A_22 = arith.extui %lt3A_21 : i1 to i32
    %cond3A_23 = arith.constant 0 : i32
    %cond3A_24 = arith.cmpi ne, %convert_element_type3A_22, %cond3A_23 : i32
    scf.if %cond3A_24 {
      %add3A = arith.constant 4 : i32
      %add3A_53 = arith.addi %mul3A_0, %add3A : i32
      %mul3A_54 = arith.constant 1024 : i32
      %mul3A_55 = arith.muli %add3A_53, %mul3A_54 : i32
      %min3A = arith.constant 98976 : i32
      %min3A_56 = arith.minsi %mul3A_55, %min3A : i32
      %dma_start3A = arith.constant 4 : i32
      %dma_start3A_57 = arith.constant 4 : i32
      %dma_start3A_58 = tpu.memref_slice %arg8[%dma_start3A_57] : memref<6x!tpu.dma_semaphore, #tpu.memory_space<semaphore_mem>> -> memref<1x!tpu.dma_semaphore, #tpu.memory_space<semaphore_mem>>
      %dma_start3A_59 = tpu.memref_squeeze %dma_start3A_58 : memref<1x!tpu.dma_semaphore, #tpu.memory_space<semaphore_mem>> -> memref<!tpu.dma_semaphore, #tpu.memory_space<semaphore_mem>>
      %dma_start3A_60 = arith.constant 0 : i32
      %dma_start3A_61 = arith.constant 0 : i32
      %dma_start3A_62 = tpu.memref_slice %arg4[%dma_start3A, %dma_start3A_60, %dma_start3A_61] : memref<6x1024x512xf32, #tpu.memory_space<vmem>> -> memref<1x1024x512xf32, #tpu.memory_space<vmem>>
      %dma_start3A_63 = tpu.memref_squeeze %dma_start3A_62 : memref<1x1024x512xf32, #tpu.memory_space<vmem>> -> memref<1024x512xf32, #tpu.memory_space<vmem>>
      %dma_start3A_64 = arith.constant 0 : i32
      %dma_start3A_65 = tpu.memref_slice %arg1[%min3A_56, %dma_start3A_64] : memref<100000x512xf32, #tpu.memory_space<any>> -> memref<1024x512xf32, #tpu.memory_space<any>>
      tpu.enqueue_dma source(%dma_start3A_65 : memref<1024x512xf32, #tpu.memory_space<any>>) target(%dma_start3A_63 : memref<1024x512xf32, #tpu.memory_space<vmem>>) target_semaphore(%dma_start3A_59 : memref<!tpu.dma_semaphore, #tpu.memory_space<semaphore_mem>>)
    } else {
    }
    %lt3A_25 = arith.constant 5 : i32
    %lt3A_26 = arith.cmpi slt, %lt3A_25, %select_n3A : i32
    %convert_element_type3A_27 = arith.extui %lt3A_26 : i1 to i32
    %cond3A_28 = arith.constant 0 : i32
    %cond3A_29 = arith.cmpi ne, %convert_element_type3A_27, %cond3A_28 : i32
    scf.if %cond3A_29 {
      %add3A = arith.constant 5 : i32
      %add3A_53 = arith.addi %mul3A_0, %add3A : i32
      %mul3A_54 = arith.constant 1024 : i32
      %mul3A_55 = arith.muli %add3A_53, %mul3A_54 : i32
      %min3A = arith.constant 98976 : i32
      %min3A_56 = arith.minsi %mul3A_55, %min3A : i32
      %dma_start3A = arith.constant 5 : i32
      %dma_start3A_57 = arith.constant 5 : i32
      %dma_start3A_58 = tpu.memref_slice %arg8[%dma_start3A_57] : memref<6x!tpu.dma_semaphore, #tpu.memory_space<semaphore_mem>> -> memref<1x!tpu.dma_semaphore, #tpu.memory_space<semaphore_mem>>
      %dma_start3A_59 = tpu.memref_squeeze %dma_start3A_58 : memref<1x!tpu.dma_semaphore, #tpu.memory_space<semaphore_mem>> -> memref<!tpu.dma_semaphore, #tpu.memory_space<semaphore_mem>>
      %dma_start3A_60 = arith.constant 0 : i32
      %dma_start3A_61 = arith.constant 0 : i32
      %dma_start3A_62 = tpu.memref_slice %arg4[%dma_start3A, %dma_start3A_60, %dma_start3A_61] : memref<6x1024x512xf32, #tpu.memory_space<vmem>> -> memref<1x1024x512xf32, #tpu.memory_space<vmem>>
      %dma_start3A_63 = tpu.memref_squeeze %dma_start3A_62 : memref<1x1024x512xf32, #tpu.memory_space<vmem>> -> memref<1024x512xf32, #tpu.memory_space<vmem>>
      %dma_start3A_64 = arith.constant 0 : i32
      %dma_start3A_65 = tpu.memref_slice %arg1[%min3A_56, %dma_start3A_64] : memref<100000x512xf32, #tpu.memory_space<any>> -> memref<1024x512xf32, #tpu.memory_space<any>>
      tpu.enqueue_dma source(%dma_start3A_65 : memref<1024x512xf32, #tpu.memory_space<any>>) target(%dma_start3A_63 : memref<1024x512xf32, #tpu.memory_space<vmem>>) target_semaphore(%dma_start3A_59 : memref<!tpu.dma_semaphore, #tpu.memory_space<semaphore_mem>>)
    } else {
    }
    %broadcast_in_dim3A = arith.constant 0xFF800000 : f32
    %broadcast_in_dim3A_30 = vector.broadcast %broadcast_in_dim3A : f32 to vector<1x512xf32>
    %swap3A = arith.constant 0 : index
    %swap3A_31 = arith.constant 0 : index
    %swap3A_32 = vector.load %arg5[%swap3A, %swap3A_31] : memref<1x512xf32, #tpu.memory_space<vmem>>, vector<1x512xf32>
    tpu.vector_store %arg5[%swap3A, %swap3A_31], %broadcast_in_dim3A_30 {strides = array<i32>} : memref<1x512xf32, #tpu.memory_space<vmem>>, vector<1x512xf32>,
    %broadcast_in_dim3A_33 = arith.constant 0.000000e+00 : f32
    %broadcast_in_dim3A_34 = vector.broadcast %broadcast_in_dim3A_33 : f32 to vector<1x512xf32>
    %swap3A_35 = arith.constant 0 : index
    %swap3A_36 = arith.constant 0 : index
    %swap3A_37 = vector.load %arg6[%swap3A_35, %swap3A_36] : memref<1x512xf32, #tpu.memory_space<vmem>>, vector<1x512xf32>
    tpu.vector_store %arg6[%swap3A_35, %swap3A_36], %broadcast_in_dim3A_34 {strides = array<i32>} : memref<1x512xf32, #tpu.memory_space<vmem>>, vector<1x512xf32>,
    %while3A = arith.constant 0 : i32
    %while3A_38 = arith.constant 0 : i32
    %while3A_39 = arith.subi %select_n3A, %while3A_38 : i32
    %while3A_40 = arith.addi %while3A_38, %while3A_39 : i32
    %while3A_41 = arith.constant 1 : i32
    %while3A_42 = arith.divsi %while3A_39, %while3A_41 : i32
    %while3A_43 = arith.muli %while3A_42, %while3A_41 : i32
    %while3A_44 = arith.addi %while3A_38, %while3A_43 : i32
    %while3A_45 = arith.constant 1 : i32
    scf.for %while3A_53 = %while3A_38 to %while3A_44 step %while3A_45  : i32 {
      %rem3A = arith.constant 6 : i32
      %rem3A_54 = arith.remsi %while3A_53, %rem3A : i32
      %add3A = arith.addi %mul3A_0, %while3A_53 : i32
      %mul3A_55 = arith.constant 1024 : i32
      %mul3A_56 = arith.muli %add3A, %mul3A_55 : i32
      %min3A = arith.constant 98976 : i32
      %min3A_57 = arith.minsi %mul3A_56, %min3A : i32
      %dma_wait3A = tpu.memref_slice %arg8[%rem3A_54] : memref<6x!tpu.dma_semaphore, #tpu.memory_space<semaphore_mem>> -> memref<1x!tpu.dma_semaphore, #tpu.memory_space<semaphore_mem>>
      %dma_wait3A_58 = tpu.memref_squeeze %dma_wait3A : memref<1x!tpu.dma_semaphore, #tpu.memory_space<semaphore_mem>> -> memref<!tpu.dma_semaphore, #tpu.memory_space<semaphore_mem>>
      %dma_wait3A_59 = arith.constant 0 : i32
      %dma_wait3A_60 = arith.constant 0 : i32
      %dma_wait3A_61 = tpu.memref_slice %arg4[%rem3A_54, %dma_wait3A_59, %dma_wait3A_60] : memref<6x1024x512xf32, #tpu.memory_space<vmem>> -> memref<1x1024x512xf32, #tpu.memory_space<vmem>>
      %dma_wait3A_62 = tpu.memref_squeeze %dma_wait3A_61 : memref<1x1024x512xf32, #tpu.memory_space<vmem>> -> memref<1024x512xf32, #tpu.memory_space<vmem>>
      %dma_wait3A_63 = arith.constant 0 : i32
      %dma_wait3A_64 = tpu.memref_slice %arg1[%min3A_57, %dma_wait3A_63] : memref<100000x512xf32, #tpu.memory_space<any>> -> memref<1024x512xf32, #tpu.memory_space<any>>
      tpu.wait_dma2 semaphore(%dma_wait3A_58 : memref<!tpu.dma_semaphore, #tpu.memory_space<semaphore_mem>>) src(%dma_wait3A_64 : memref<1024x512xf32, #tpu.memory_space<any>>) dst(%dma_wait3A_62 : memref<1024x512xf32, #tpu.memory_space<vmem>>)
      %add3A_65 = arith.addi %mul3A_0, %while3A_53 : i32
      %mul3A_66 = arith.constant 1024 : i32
      %mul3A_67 = arith.muli %add3A_65, %mul3A_66 : i32
      %min3A_68 = arith.constant 98976 : i32
      %min3A_69 = arith.minsi %mul3A_67, %min3A_68 : i32
      %get3A_70 = arith.index_cast %rem3A_54 : i32 to index
      %get3A_71 = arith.constant 0 : index
      %get3A_72 = arith.constant 0 : index
      %get3A_73 = vector.load %arg4[%get3A_70, %get3A_71, %get3A_72] : memref<6x1024x512xf32, #tpu.memory_space<vmem>>, vector<1x1024x512xf32>
      %get3A_74 = vector.shape_cast %get3A_73 : vector<1x1024x512xf32> to vector<1024x512xf32>
      %reduce_max3A = arith.constant dense<0xFF800000> : vector<512xf32>
      %reduce_max3A_75 = vector.multi_reduction <maximumf>, %get3A_74, %reduce_max3A [0] : vector<1024x512xf32> to vector<512xf32>
      %broadcast_in_dim3A_76 = vector.shape_cast %reduce_max3A_75 : vector<512xf32> to vector<1x512xf32>
      %iota3A = tpu.iota {dimensions = array<i32: 0>} : vector<1024x512xi32>
      %convert_element_type3A_77 = arith.sitofp %iota3A : vector<1024x512xi32> to vector<1024x512xf32>
      %eq3A_78 = vector.broadcast %broadcast_in_dim3A_76 : vector<1x512xf32> to vector<1024x512xf32>
      %eq3A_79 = arith.cmpf oeq, %get3A_74, %eq3A_78 : vector<1024x512xf32>
      %jit3A_80 = arith.constant 0x7F800000 : f32
      %broadcast_in_dim3A_81 = vector.broadcast %jit3A_80 : f32 to vector<1024x512xf32>
      %select_n3A_82 = arith.select %eq3A_79, %convert_element_type3A_77, %broadcast_in_dim3A_81 : vector<1024x512xi1>, vector<1024x512xf32>
      %reduce_min3A = arith.constant dense<0x7F800000> : vector<512xf32>
      %reduce_min3A_83 = vector.multi_reduction <minimumf>, %select_n3A_82, %reduce_min3A [0] : vector<1024x512xf32> to vector<512xf32>
      %broadcast_in_dim3A_84 = vector.shape_cast %reduce_min3A_83 : vector<512xf32> to vector<1x512xf32>
      %convert_element_type3A_85 = arith.sitofp %min3A_69 : i32 to f32
      %add3A_86 = vector.broadcast %convert_element_type3A_85 : f32 to vector<1x512xf32>
      %add3A_87 = arith.addf %broadcast_in_dim3A_84, %add3A_86 : vector<1x512xf32>
      %get3A_88 = arith.constant 0 : index
      %get3A_89 = arith.constant 0 : index
      %get3A_90 = vector.load %arg5[%get3A_88, %get3A_89] : memref<1x512xf32, #tpu.memory_space<vmem>>, vector<1x512xf32>
      %gt3A = arith.cmpf ogt, %broadcast_in_dim3A_76, %get3A_90 : vector<1x512xf32>
      %get3A_91 = arith.constant 0 : index
      %get3A_92 = arith.constant 0 : index
      %get3A_93 = vector.load %arg6[%get3A_91, %get3A_92] : memref<1x512xf32, #tpu.memory_space<vmem>>, vector<1x512xf32>
      %select_n3A_94 = arith.select %gt3A, %add3A_87, %get3A_93 : vector<1x512xi1>, vector<1x512xf32>
      %swap3A_95 = arith.constant 0 : index
      %swap3A_96 = arith.constant 0 : index
      %swap3A_97 = vector.load %arg6[%swap3A_95, %swap3A_96] : memref<1x512xf32, #tpu.memory_space<vmem>>, vector<1x512xf32>
      tpu.vector_store %arg6[%swap3A_95, %swap3A_96], %select_n3A_94 {strides = array<i32>} : memref<1x512xf32, #tpu.memory_space<vmem>>, vector<1x512xf32>,
      %select_n3A_98 = arith.select %gt3A, %broadcast_in_dim3A_76, %get3A_90 : vector<1x512xi1>, vector<1x512xf32>
      %swap3A_99 = arith.constant 0 : index
      %swap3A_100 = arith.constant 0 : index
      %swap3A_101 = vector.load %arg5[%swap3A_99, %swap3A_100] : memref<1x512xf32, #tpu.memory_space<vmem>>, vector<1x512xf32>
      tpu.vector_store %arg5[%swap3A_99, %swap3A_100], %select_n3A_98 {strides = array<i32>} : memref<1x512xf32, #tpu.memory_space<vmem>>, vector<1x512xf32>,
      %add3A_102 = arith.constant 6 : i32
      %add3A_103 = arith.addi %while3A_53, %add3A_102 : i32
      %lt3A_104 = arith.cmpi slt, %add3A_103, %select_n3A : i32
      %convert_element_type3A_105 = arith.extui %lt3A_104 : i1 to i32
      %cond3A_106 = arith.constant 0 : i32
      %cond3A_107 = arith.cmpi ne, %convert_element_type3A_105, %cond3A_106 : i32
      scf.if %cond3A_107 {
        %add3A_108 = arith.constant 6 : i32
        %add3A_109 = arith.addi %while3A_53, %add3A_108 : i32
        %add3A_110 = arith.addi %mul3A_0, %add3A_109 : i32
        %mul3A_111 = arith.constant 1024 : i32
        %mul3A_112 = arith.muli %add3A_110, %mul3A_111 : i32
        %min3A_113 = arith.constant 98976 : i32
        %min3A_114 = arith.minsi %mul3A_112, %min3A_113 : i32
        %dma_start3A = tpu.memref_slice %arg8[%rem3A_54] : memref<6x!tpu.dma_semaphore, #tpu.memory_space<semaphore_mem>> -> memref<1x!tpu.dma_semaphore, #tpu.memory_space<semaphore_mem>>
        %dma_start3A_115 = tpu.memref_squeeze %dma_start3A : memref<1x!tpu.dma_semaphore, #tpu.memory_space<semaphore_mem>> -> memref<!tpu.dma_semaphore, #tpu.memory_space<semaphore_mem>>
        %dma_start3A_116 = arith.constant 0 : i32
        %dma_start3A_117 = arith.constant 0 : i32
        %dma_start3A_118 = tpu.memref_slice %arg4[%rem3A_54, %dma_start3A_116, %dma_start3A_117] : memref<6x1024x512xf32, #tpu.memory_space<vmem>> -> memref<1x1024x512xf32, #tpu.memory_space<vmem>>
        %dma_start3A_119 = tpu.memref_squeeze %dma_start3A_118 : memref<1x1024x512xf32, #tpu.memory_space<vmem>> -> memref<1024x512xf32, #tpu.memory_space<vmem>>
        %dma_start3A_120 = arith.constant 0 : i32
        %dma_start3A_121 = tpu.memref_slice %arg1[%min3A_114, %dma_start3A_120] : memref<100000x512xf32, #tpu.memory_space<any>> -> memref<1024x512xf32, #tpu.memory_space<any>>
        tpu.enqueue_dma source(%dma_start3A_121 : memref<1024x512xf32, #tpu.memory_space<any>>) target(%dma_start3A_119 : memref<1024x512xf32, #tpu.memory_space<vmem>>) target_semaphore(%dma_start3A_115 : memref<!tpu.dma_semaphore, #tpu.memory_space<semaphore_mem>>)
      } else {
      }
    }
    %while3A_46 = arith.constant 1 : i32
    scf.for %while3A_53 = %while3A_44 to %while3A_40 step %while3A_46  : i32 {
      %rem3A = arith.constant 6 : i32
      %rem3A_54 = arith.remsi %while3A_53, %rem3A : i32
      %add3A = arith.addi %mul3A_0, %while3A_53 : i32
      %mul3A_55 = arith.constant 1024 : i32
      %mul3A_56 = arith.muli %add3A, %mul3A_55 : i32
      %min3A = arith.constant 98976 : i32
      %min3A_57 = arith.minsi %mul3A_56, %min3A : i32
      %dma_wait3A = tpu.memref_slice %arg8[%rem3A_54] : memref<6x!tpu.dma_semaphore, #tpu.memory_space<semaphore_mem>> -> memref<1x!tpu.dma_semaphore, #tpu.memory_space<semaphore_mem>>
      %dma_wait3A_58 = tpu.memref_squeeze %dma_wait3A : memref<1x!tpu.dma_semaphore, #tpu.memory_space<semaphore_mem>> -> memref<!tpu.dma_semaphore, #tpu.memory_space<semaphore_mem>>
      %dma_wait3A_59 = arith.constant 0 : i32
      %dma_wait3A_60 = arith.constant 0 : i32
      %dma_wait3A_61 = tpu.memref_slice %arg4[%rem3A_54, %dma_wait3A_59, %dma_wait3A_60] : memref<6x1024x512xf32, #tpu.memory_space<vmem>> -> memref<1x1024x512xf32, #tpu.memory_space<vmem>>
      %dma_wait3A_62 = tpu.memref_squeeze %dma_wait3A_61 : memref<1x1024x512xf32, #tpu.memory_space<vmem>> -> memref<1024x512xf32, #tpu.memory_space<vmem>>
      %dma_wait3A_63 = arith.constant 0 : i32
      %dma_wait3A_64 = tpu.memref_slice %arg1[%min3A_57, %dma_wait3A_63] : memref<100000x512xf32, #tpu.memory_space<any>> -> memref<1024x512xf32, #tpu.memory_space<any>>
      tpu.wait_dma2 semaphore(%dma_wait3A_58 : memref<!tpu.dma_semaphore, #tpu.memory_space<semaphore_mem>>) src(%dma_wait3A_64 : memref<1024x512xf32, #tpu.memory_space<any>>) dst(%dma_wait3A_62 : memref<1024x512xf32, #tpu.memory_space<vmem>>)
      %add3A_65 = arith.addi %mul3A_0, %while3A_53 : i32
      %mul3A_66 = arith.constant 1024 : i32
      %mul3A_67 = arith.muli %add3A_65, %mul3A_66 : i32
      %min3A_68 = arith.constant 98976 : i32
      %min3A_69 = arith.minsi %mul3A_67, %min3A_68 : i32
      %get3A_70 = arith.index_cast %rem3A_54 : i32 to index
      %get3A_71 = arith.constant 0 : index
      %get3A_72 = arith.constant 0 : index
      %get3A_73 = vector.load %arg4[%get3A_70, %get3A_71, %get3A_72] : memref<6x1024x512xf32, #tpu.memory_space<vmem>>, vector<1x1024x512xf32>
      %get3A_74 = vector.shape_cast %get3A_73 : vector<1x1024x512xf32> to vector<1024x512xf32>
      %reduce_max3A = arith.constant dense<0xFF800000> : vector<512xf32>
      %reduce_max3A_75 = vector.multi_reduction <maximumf>, %get3A_74, %reduce_max3A [0] : vector<1024x512xf32> to vector<512xf32>
      %broadcast_in_dim3A_76 = vector.shape_cast %reduce_max3A_75 : vector<512xf32> to vector<1x512xf32>
      %iota3A = tpu.iota {dimensions = array<i32: 0>} : vector<1024x512xi32>
      %convert_element_type3A_77 = arith.sitofp %iota3A : vector<1024x512xi32> to vector<1024x512xf32>
      %eq3A_78 = vector.broadcast %broadcast_in_dim3A_76 : vector<1x512xf32> to vector<1024x512xf32>
      %eq3A_79 = arith.cmpf oeq, %get3A_74, %eq3A_78 : vector<1024x512xf32>
      %jit3A_80 = arith.constant 0x7F800000 : f32
      %broadcast_in_dim3A_81 = vector.broadcast %jit3A_80 : f32 to vector<1024x512xf32>
      %select_n3A_82 = arith.select %eq3A_79, %convert_element_type3A_77, %broadcast_in_dim3A_81 : vector<1024x512xi1>, vector<1024x512xf32>
      %reduce_min3A = arith.constant dense<0x7F800000> : vector<512xf32>
      %reduce_min3A_83 = vector.multi_reduction <minimumf>, %select_n3A_82, %reduce_min3A [0] : vector<1024x512xf32> to vector<512xf32>
      %broadcast_in_dim3A_84 = vector.shape_cast %reduce_min3A_83 : vector<512xf32> to vector<1x512xf32>
      %convert_element_type3A_85 = arith.sitofp %min3A_69 : i32 to f32
      %add3A_86 = vector.broadcast %convert_element_type3A_85 : f32 to vector<1x512xf32>
      %add3A_87 = arith.addf %broadcast_in_dim3A_84, %add3A_86 : vector<1x512xf32>
      %get3A_88 = arith.constant 0 : index
      %get3A_89 = arith.constant 0 : index
      %get3A_90 = vector.load %arg5[%get3A_88, %get3A_89] : memref<1x512xf32, #tpu.memory_space<vmem>>, vector<1x512xf32>
      %gt3A = arith.cmpf ogt, %broadcast_in_dim3A_76, %get3A_90 : vector<1x512xf32>
      %get3A_91 = arith.constant 0 : index
      %get3A_92 = arith.constant 0 : index
      %get3A_93 = vector.load %arg6[%get3A_91, %get3A_92] : memref<1x512xf32, #tpu.memory_space<vmem>>, vector<1x512xf32>
      %select_n3A_94 = arith.select %gt3A, %add3A_87, %get3A_93 : vector<1x512xi1>, vector<1x512xf32>
      %swap3A_95 = arith.constant 0 : index
      %swap3A_96 = arith.constant 0 : index
      %swap3A_97 = vector.load %arg6[%swap3A_95, %swap3A_96] : memref<1x512xf32, #tpu.memory_space<vmem>>, vector<1x512xf32>
      tpu.vector_store %arg6[%swap3A_95, %swap3A_96], %select_n3A_94 {strides = array<i32>} : memref<1x512xf32, #tpu.memory_space<vmem>>, vector<1x512xf32>,
      %select_n3A_98 = arith.select %gt3A, %broadcast_in_dim3A_76, %get3A_90 : vector<1x512xi1>, vector<1x512xf32>
      %swap3A_99 = arith.constant 0 : index
      %swap3A_100 = arith.constant 0 : index
      %swap3A_101 = vector.load %arg5[%swap3A_99, %swap3A_100] : memref<1x512xf32, #tpu.memory_space<vmem>>, vector<1x512xf32>
      tpu.vector_store %arg5[%swap3A_99, %swap3A_100], %select_n3A_98 {strides = array<i32>} : memref<1x512xf32, #tpu.memory_space<vmem>>, vector<1x512xf32>,
      %add3A_102 = arith.constant 6 : i32
      %add3A_103 = arith.addi %while3A_53, %add3A_102 : i32
      %lt3A_104 = arith.cmpi slt, %add3A_103, %select_n3A : i32
      %convert_element_type3A_105 = arith.extui %lt3A_104 : i1 to i32
      %cond3A_106 = arith.constant 0 : i32
      %cond3A_107 = arith.cmpi ne, %convert_element_type3A_105, %cond3A_106 : i32
      scf.if %cond3A_107 {
        %add3A_108 = arith.constant 6 : i32
        %add3A_109 = arith.addi %while3A_53, %add3A_108 : i32
        %add3A_110 = arith.addi %mul3A_0, %add3A_109 : i32
        %mul3A_111 = arith.constant 1024 : i32
        %mul3A_112 = arith.muli %add3A_110, %mul3A_111 : i32
        %min3A_113 = arith.constant 98976 : i32
        %min3A_114 = arith.minsi %mul3A_112, %min3A_113 : i32
        %dma_start3A = tpu.memref_slice %arg8[%rem3A_54] : memref<6x!tpu.dma_semaphore, #tpu.memory_space<semaphore_mem>> -> memref<1x!tpu.dma_semaphore, #tpu.memory_space<semaphore_mem>>
        %dma_start3A_115 = tpu.memref_squeeze %dma_start3A : memref<1x!tpu.dma_semaphore, #tpu.memory_space<semaphore_mem>> -> memref<!tpu.dma_semaphore, #tpu.memory_space<semaphore_mem>>
        %dma_start3A_116 = arith.constant 0 : i32
        %dma_start3A_117 = arith.constant 0 : i32
        %dma_start3A_118 = tpu.memref_slice %arg4[%rem3A_54, %dma_start3A_116, %dma_start3A_117] : memref<6x1024x512xf32, #tpu.memory_space<vmem>> -> memref<1x1024x512xf32, #tpu.memory_space<vmem>>
        %dma_start3A_119 = tpu.memref_squeeze %dma_start3A_118 : memref<1x1024x512xf32, #tpu.memory_space<vmem>> -> memref<1024x512xf32, #tpu.memory_space<vmem>>
        %dma_start3A_120 = arith.constant 0 : i32
        %dma_start3A_121 = tpu.memref_slice %arg1[%min3A_114, %dma_start3A_120] : memref<100000x512xf32, #tpu.memory_space<any>> -> memref<1024x512xf32, #tpu.memory_space<any>>
        tpu.enqueue_dma source(%dma_start3A_121 : memref<1024x512xf32, #tpu.memory_space<any>>) target(%dma_start3A_119 : memref<1024x512xf32, #tpu.memory_space<vmem>>) target_semaphore(%dma_start3A_115 : memref<!tpu.dma_semaphore, #tpu.memory_space<semaphore_mem>>)
      } else {
      }
    }
    %get3A = arith.constant 0 : index
    %get3A_47 = arith.constant 0 : index
    %get3A_48 = vector.load %arg6[%get3A, %get3A_47] : memref<1x512xf32, #tpu.memory_space<vmem>>, vector<1x512xf32>
    %convert_element_type3A_49 = arith.fptosi %get3A_48 : vector<1x512xf32> to vector<1x512xi32>
    %swap3A_50 = arith.constant 0 : index
    %swap3A_51 = arith.constant 0 : index
    %swap3A_52 = vector.load %arg7[%swap3A_50, %swap3A_51] : memref<1x512xi32, #tpu.memory_space<vmem>>, vector<1x512xi32>
    tpu.vector_store %arg7[%swap3A_50, %swap3A_51], %convert_element_type3A_49 {strides = array<i32>} : memref<1x512xi32, #tpu.memory_space<vmem>>, vector<1x512xi32>,
    "tpu.region"() ({
      %run_scoped3A = tpu.sem_alloc : memref<!tpu.dma_semaphore, #tpu.memory_space<semaphore_mem>>
      %dma_start3A = arith.constant 0 : i32
      %dma_start3A_53 = tpu.memref_slice %arg2[%arg0, %dma_start3A] : memref<2x512xf32, #tpu.memory_space<any>> -> memref<1x512xf32, #tpu.memory_space<any>>
      tpu.enqueue_dma source(%arg5 : memref<1x512xf32, #tpu.memory_space<vmem>>) target(%dma_start3A_53 : memref<1x512xf32, #tpu.memory_space<any>>) target_semaphore(%run_scoped3A : memref<!tpu.dma_semaphore, #tpu.memory_space<semaphore_mem>>)
      %dma_wait3A = arith.constant 0 : i32
      %dma_wait3A_54 = tpu.memref_slice %arg2[%arg0, %dma_wait3A] : memref<2x512xf32, #tpu.memory_space<any>> -> memref<1x512xf32, #tpu.memory_space<any>>
      tpu.wait_dma2 semaphore(%run_scoped3A : memref<!tpu.dma_semaphore, #tpu.memory_space<semaphore_mem>>) src(%arg5 : memref<1x512xf32, #tpu.memory_space<vmem>>) dst(%dma_wait3A_54 : memref<1x512xf32, #tpu.memory_space<any>>)
      tpu.yield
    }) : () -> ()
    "tpu.region"() ({
      %run_scoped3A = tpu.sem_alloc : memref<!tpu.dma_semaphore, #tpu.memory_space<semaphore_mem>>
      %dma_start3A = arith.constant 0 : i32
      %dma_start3A_53 = tpu.memref_slice %arg3[%arg0, %dma_start3A] : memref<2x512xi32, #tpu.memory_space<any>> -> memref<1x512xi32, #tpu.memory_space<any>>
      tpu.enqueue_dma source(%arg7 : memref<1x512xi32, #tpu.memory_space<vmem>>) target(%dma_start3A_53 : memref<1x512xi32, #tpu.memory_space<any>>) target_semaphore(%run_scoped3A : memref<!tpu.dma_semaphore, #tpu.memory_space<semaphore_mem>>)
      %dma_wait3A = arith.constant 0 : i32
      %dma_wait3A_54 = tpu.memref_slice %arg3[%arg0, %dma_wait3A] : memref<2x512xi32, #tpu.memory_space<any>> -> memref<1x512xi32, #tpu.memory_space<any>>
      tpu.wait_dma2 semaphore(%run_scoped3A : memref<!tpu.dma_semaphore, #tpu.memory_space<semaphore_mem>>) src(%arg7 : memref<1x512xi32, #tpu.memory_space<vmem>>) dst(%dma_wait3A_54 : memref<1x512xi32, #tpu.memory_space<any>>)
      tpu.yield
    }) : () -> ()
    return
  }
}

</mosaic_0001>

<sc_bundles>
// kernel: kernel.4.cloned.1.call-start
scs
__scs_entry_jumppad:
0x0: {  	(pc) =	sbr.rel $0x88, $3  }
0x1: {  	(tag) =	ssettag $0x0;
	lr =	simm.s32 $0x1  }
0x2: {  	[smem:$0x3F9C] =	sst lr;
	_ =	strace $0xD0000000  }
0x3: {  	_ = 	snop  }
0x4: {  	_ = 	snop  }
0x5: {  	_ = 	snop  }
0x6: {  	_ = 	snop  }
0x7: {  	_ = 	snop  }
__scs_overlays_trampoline_lowered:
0x8: {  	[smem:$0x3FAB] =	sst s0  }
0x9: {  	[smem:$0x3FAC] =	sst s1  }
0xa: {  	[smem:$0x3FAD] =	sst s2  }
0xb: {  	[smem:$0x3FAE] =	sst s3  }
0xc: {  	[smem:$0x3FAF] =	sst s4  }
0xd: {  	[smem:$0x3FB0] =	sst s5  }
0xe: {  	[smem:$0x3FB1] =	sst s6  }
0xf: {  	[smem:$0x3FB2] =	sst s7  }
0x10: {  	[smem:$0x3FB3] =	sst s8  }
0x11: {  	[smem:$0x3FB4] =	sst s9;
	s0 =	simm.s32 @!p0 $0x0  }
0x12: {  	s1 =	sld [smem:$0x3F9A];
	s0 =	simm.s32 @p0 $0x1  }
0x13: {  	[smem:$0x3FB5] =	sst s0;
	s0 =	simm.s32 @!p1 $0x0  }
0x14: {  	s2 =	sld [smem:$0x3F99];
	s0 =	simm.s32 @p1 $0x1  }
0x15: {  	[smem:$0x3FB6] =	sst s0;
	s0 =	simm.s32 @!p2 $0x0  }
0x16: {  	s3 =	sld [smem:$0x3FDB];
	s0 =	simm.s32 @p2 $0x1  }
0x17: {  	s4 =	simm.s32 $0x1BF5;
	[smem:$0x3FB8] =	sst s0  }
0x18: {  	s0 =	sld [smem:$0x3F9B];
	_ =	swait.ge [sflag:s4], $0x0  }
0x19: {  	s7 =	sld [smem:$0x3F9C]  }
0x1a: {  	s8 =	sadd.s32 $0xFFFFE003, lr  }
0x1b: {  	s9 =	sadd.s32 $0xFFFFFEF7, lr;
	s5 =	simm.s32 $0xFFFFFFFF;
	p2 =	slt.u32 s8, $0xFFFFF086  }
0x1c: {  	p1 =	slt.u32 s9, $0xF7A;
	s5 =	simm.s32 @!p2 $0x0  }
0x1d: {  	s5 =	simm.s32 @p1 $0x1;
	p0 =	seq.s32 s7, s2  }
0x1e: {  	s7 =	smul.u32 @!p0 $0xF7A, s2;
	p2 =	seq.s32 @!p0 s5, $0x0  }
0x1f: {  	s9 =	smul.u32 $0xF7A, s1;
	s8 =	simm.s32 @!p0 $0x1BF5;
	p2 =	por !p2, p0  }
0x20: {  	[sflag:s8] =	ssyncset.s32 @!p0 $0xFFFFF086;
	s6 =	sadd.s32 @!p0 s3, s7;
	s7 =	simm.s32 @!p0 $0x108  }
0x21: {  	s3 =	sadd.s32 s3, s9;
	s6 =	sadd.s32 @!p0 $0x88, s6;
	s7 =	simm.s32 @p2 $0x1082  }
0x22: {  	[simem:s7], [sflag:s8] =	dma.local @!p0 [hbm:s6], $0xF7A  }
0x23: {  	s9 =	sor.u32 $0xD0000000, s2;
	s6 =	simm.s32 $0x108;
	_ =	swait.ge @!p0 [sflag:s8], $0x0  }
0x24: {  	s3 =	sadd.s32 $0x88, s3;
	s6 =	simm.s32 @!p1 $0x1082;
	[sflag:s4] =	ssyncset.s32 $0xFFFFF086  }
0x25: {  	[simem:s6], [sflag:s4] =	dma.local [hbm:s3], $0xF7A  }
0x26: {  	[smem:$0x3F9C] =	sst s1;
	(tag) =	ssettag s2;
	_ =	strace s9  }
0x27: {  	s1 =	sld [smem:$0x3FAC]  }
0x28: {  	s2 =	sld [smem:$0x3FAD]  }
0x29: {  	s4 =	sld [smem:$0x3FAF]  }
0x2a: {  	p0 =	seq.s32 s5, $0x0;
	s5 =	sld [smem:$0x3FB0]  }
0x2b: {  	s6 =	sld [smem:$0x3FB1]  }
0x2c: {  	s7 =	sld [smem:$0x3FB2]  }
0x2d: {  	s3 =	simm.s32 $0x108;
	s8 =	sld [smem:$0x3FB3]  }
0x2e: {  	s3 =	simm.s32 @!p0 $0x1082;
	s9 =	sld [smem:$0x3FB4]  }
0x2f: {  	lr =	sadd.s32 s0, s3;
	s0 =	sld [smem:$0x3FAB]  }
0x30: {  	s3 =	sld [smem:$0x3FAE]  }
0x31: {  	[smem:$0x3FB7] =	sst s10  }
0x32: {  	s10 =	sld [smem:$0x3FB5];
	_ =	sdelay $0x3  }
0x33: {  	p0 =	seq.s32 s10, $0x1;
	s10 =	sld [smem:$0x3FB7];
	_ =	sdelay $0x3  }
0x34: {  	[smem:$0x3FB7] =	sst s10  }
0x35: {  	s10 =	sld [smem:$0x3FB6];
	_ =	sdelay $0x3  }
0x36: {  	p1 =	seq.s32 s10, $0x1;
	s10 =	sld [smem:$0x3FB7];
	_ =	sdelay $0x3  }
0x37: {  	[smem:$0x3FB7] =	sst s10  }
0x38: {  	s10 =	sld [smem:$0x3FB8]  }
0x39: {  	_ = 	snop;
	(pc) =	sbr.ind lr, $3  }
0x3a: {  	_ = 	snop  }
0x3b: {  	_ = 	snop  }
0x3c: {  	p2 =	seq.s32 s10, $0x1;
	s10 =	sld [smem:$0x3FB7]  }
0x3d: {  	_ =	shalt  }
0x3e: {  	_ =	shalt  }
0x3f: {  	_ =	shalt  }
0x40: {  	_ =	shalt  }
0x41: {  	_ =	shalt  }
0x42: {  	_ =	shalt  }
0x43: {  	_ =	shalt  }
0x44: {  	_ =	shalt  }
0x45: {  	_ =	shalt  }
0x46: {  	_ =	shalt  }
0x47: {  	_ =	shalt  }
0x48: {  	_ =	shalt  }
0x49: {  	_ =	shalt  }
0x4a: {  	_ =	shalt  }
0x4b: {  	_ =	shalt  }
0x4c: {  	_ =	shalt  }
0x4d: {  	_ =	shalt  }
0x4e: {  	_ =	shalt  }
0x4f: {  	_ =	shalt  }
0x50: {  	_ =	shalt  }
0x51: {  	_ =	shalt  }
0x52: {  	_ =	shalt  }
0x53: {  	_ =	shalt  }
0x54: {  	_ =	shalt  }
0x55: {  	_ =	shalt  }
0x56: {  	_ =	shalt  }
0x57: {  	_ =	shalt  }
0x58: {  	_ =	shalt  }
0x59: {  	_ =	shalt  }
0x5a: {  	_ =	shalt  }
0x5b: {  	_ =	shalt  }
0x5c: {  	_ =	shalt  }
0x5d: {  	_ =	shalt  }
0x5e: {  	_ =	shalt  }
0x5f: {  	_ =	shalt  }
0x60: {  	_ =	shalt  }
0x61: {  	_ =	shalt  }
0x62: {  	_ =	shalt  }
0x63: {  	_ =	shalt  }
0x64: {  	_ =	shalt  }
0x65: {  	_ =	shalt  }
0x66: {  	_ =	shalt  }
0x67: {  	_ =	shalt  }
0x68: {  	_ =	shalt  }
0x69: {  	_ =	shalt  }
0x6a: {  	_ =	shalt  }
0x6b: {  	_ =	shalt  }
0x6c: {  	_ =	shalt  }
0x6d: {  	_ =	shalt  }
0x6e: {  	_ =	shalt  }
0x6f: {  	_ =	shalt  }
0x70: {  	_ =	shalt  }
0x71: {  	_ =	shalt  }
0x72: {  	_ =	shalt  }
0x73: {  	_ =	shalt  }
0x74: {  	_ =	shalt  }
0x75: {  	_ =	shalt  }
0x76: {  	_ =	shalt  }
0x77: {  	_ =	shalt  }
0x78: {  	_ =	shalt  }
0x79: {  	_ =	shalt  }
0x7a: {  	_ =	shalt  }
0x7b: {  	_ =	shalt  }
0x7c: {  	_ =	shalt  }
0x7d: {  	_ =	shalt  }
0x7e: {  	_ =	shalt  }
0x7f: {  	_ =	shalt  }
0x80: {  	_ =	shalt  }
0x81: {  	_ =	shalt  }
0x82: {  	_ =	shalt  }
0x83: {  	_ =	shalt  }
0x84: {  	_ =	shalt  }
0x85: {  	_ =	shalt  }
0x86: {  	_ =	shalt  }
0x87: {  	_ =	shalt  }
.Lfunc_end0:
.L_simem_size_0:
called_computation_lowered:
.L_overlay_start_0:
0x88: {  	s2 =	sld [smem:$0x3FD9]  }
0x89: {  	s3 =	sld [smem:$0x3FFE];
	_ =	sdelay $0x1  }
0x8a: {  	s1 =	srdreg.scid  }
0x8b: {  	s0 =	sand.u32 $0x1, s1  }
0x8c: {  	s14 =	sshll.u32 s0, $0xA;
	s2 =	sadd.s32 s3, s2  }
0x8d: {  	s2 =	sadd.s32 s2, s14  }
0x8e: {  	[smem:$0x3FC3] =	sst s2  }
0x8f: {  	_ = 	snop  }
0x90: {  	s2 =	sld [smem:$0x3FD0];
	_ =	sdelay $0x2  }
0x91: {  	s15 =	simm.s32 $0xA;
	s4 =	simm.s32 $0x10  }
0x92: {  	[smem:s4], [sflag:s15] =	dma.local [hbm:s2], $0x1  }
0x93: {  	_ =	swait.eq [sflag:s15], $0x1  }
0x94: {  	s16 =	sld [smem:$0x10];
	[sflag:s15] =	ssyncset.done $0x0  }
0x95: {  	s17 =	sld [smem:$0x11];
	[sflag:s15] =	ssyncadd.s32 $0xFFFFFFFF  }
0x96: {  	s18 =	sld [smem:$0x12];
	(tm) =	ssettm $0x1  }
0x97: {  	s5 =	sld [smem:$0x3FFB];
	_ =	sdelay $0x3  }
0x98: {  	_ =	strace s5  }
0x99: {  	s5 =	sld [smem:$0x3FFC];
	_ =	sdelay $0x3  }
0x9a: {  	_ =	strace s5  }
0x9b: {  	s5 =	sld [smem:$0x3FFD];
	_ =	sdelay $0x3  }
0x9c: {  	_ =	strace s5  }
0x9d: {  	_ =	strace $0x8FFFFFFF  }
0x9e: {  	s19 =	sld [smem:$0x3FDB];
	_ =	sdelay $0x1  }
0x9f: {  	s6 =	simm.s32 $_scs_section_size  }
0xa0: {  	s7 =	simm.s32 $_size__tile_overlayer_lowered;
	s8 =	simm.s32 $_tile_overlayer_lowered  }
0xa1: {  	s22 =	simm.s32 $0x1BFF;
	s21 =	sshll.u32 s8, $0x1;
	s5 =	sadd.s32 s6, s19  }
0xa2: {  	s9 =	simm.s32 $0x0;
	s20 =	sshll.u32 s7, $0x1;
	s7 =	sadd.s32 s21, s5  }
0xa3: {  	[timem:s9], [sflag:s22] =	dma.local [hbm:s7], s20  }
0xa4: {  	_ =	swait.ge [sflag:s22], s20  }
0xa5: {  	s6 =	ssub.s32 $0x0, s20;
	[sflag:s22] =	ssyncset.done $0x0  }
0xa6: {  	[sflag:s22] =	ssyncadd.s32 s6;
	_ =	sdelay $0x1  }
0xa7: {  	s23 =	simm.s32 $0x1B8B  }
0xa8: {  	_ =	swait.ge [sflag:s23], $0x1  }
0xa9: {  	[sflag:s23] =	ssyncset.done $0x0  }
0xaa: {  	s25 =	simm.s32 $0x1B8E;
	s24 =	sld [smem:$0x3FFE];
	[sflag:s23] =	ssyncadd.s32 $0xFFFFFFFF  }
0xab: {  	s26 =	simm.s32 $execute0_lowered;
	[smem:$0x3FD2] =	sst s25  }
0xac: {  	s7 =	sshll.u32 s26, $0x1;
	_ =	strace $0x80000046;
	[dreg:$0x1] =	wrdreg $0xFFFFFFFF  }
0xad: {  	s28 =	simm.s32 $_size_execute0_lowered;
	s5 =	sadd.s32 s5, s7;
	[dreg:$0x0] =	wrdreg $0x0  }
0xae: {  	s7 =	sshll.u32 s28, $0x1;
	[dreg:$0x2] =	wrdreg s5  }
0xaf: {  	[dreg:$0x3] =	wrdreg s7  }
0xb0: {  	[dreg:$0x4] =	wrdreg $0xC0  }
0xb1: {  	_ =	task [dreg:s9], $0x5FFFF  }
0xb2: {  	[dreg:$0x1] =	wrdreg $0xFFFFFFFF  }
0xb3: {  	[dreg:$0x0] =	wrdreg $0x60  }
0xb4: {  	[dreg:$0x2] =	wrdreg s16  }
0xb5: {  	[dreg:$0x3] =	wrdreg s24  }
0xb6: {  	[dreg:$0x4] =	wrdreg s18  }
0xb7: {  	[dreg:$0x5] =	wrdreg s17  }
0xb8: {  	[dreg:$0x6] =	wrdreg $0x9  }
0xb9: {  	_ =	task.clear_ibuf [dreg:s9], $0x7FFFF;
	_ =	strace $0x90000046  }
0xba: {  	s29 =	simm.s32 $0x9;
	_ =	strace $0x80000048  }
0xbb: {  	_ =	swait.ge [sflag:s29], $0x1  }
0xbc: {  	[sflag:s29] =	ssyncadd.s32 $0xFFFFFFFF  }
0xbd: {  	_ =	strace $0x90000048  }
0xbe: {  	_ =	sfence  }
0xbf: {  	s30 =	sld [smem:$0x0];
	_ =	sdelay $0x2  }
0xc0: {  	s31 =	sshll.u32 s1, $0xD;
	s1 =	sshrl.u32 s1, $0x2  }
0xc1: {  	s3 =	sand.u32 $0x4000, s31;
	s1 =	sadd.s32 s1, s30  }
0xc2: {  	s0 =	sor.u32 s3, s0;
	s1 =	sshll.u32 s1, $0x11  }
0xc3: {  	s0 =	sor.u32 s1, s0  }
0xc4: {  	s0 =	sadd.s32 $0x8F2B, s0  }
0xc5: {  	[sflag:s0] =	ssyncadd.remote.s32 $0x1  }
0xc6: {  	_ =	sfence.sel $0xFFFF  }
0xc7: {  	[dreg:$0x0] =	wrdreg $0xFFFFFFFF;
	(pc) =	sbr.abs _section_cstart, $3  }
0xc8: {  	[dreg:$0x1] =	wrdreg $0xFFFFFFFF  }
0xc9: {  	_ =	task.clear_ibuf [dreg:s9], $0x2FFFF;
	_ =	strace $0x9FFFFFFF  }
0xca: {  	(tm) =	ssettm $0x7FFFFFFF  }
0xcb: {  	_ =	shalt  }
tec
execute0_lowered:
.L_overlay_start_1:
0x0: {  	(tag) =	ssettag $0x1  }
0x1: {  	s1 =	srdreg.scid  }
0x2: {  	s9 =	sand.u32 $0x1, s1;
	s1 =	stileid.u32  }
0x3: {  	s5 =	sor.u32 s1, s9  }
0x4: {  	p0 =	sne.s32 s5, $0x0  }
.Ltmp0:
0x5: {  	s0 =	rddreg [dreg:$0x0];
	(pc) =	sbr.rel @p0 .LBB2_3-.Ltmp0, $4  }
0x6: {  	s10 =	rddreg [dreg:$0x1]  }
0x7: {  	s3 =	rddreg [dreg:$0x2]  }
0x8: {  	s4 =	rddreg [dreg:$0x3]  }
0x9: {  	s2 =	rddreg [dreg:$0x4];
	_ =	strace $0x80000047  }
0xa: {  	v0 =	vlaneseq.u32  }
0xb: {  	v1 =	vor.u32 $0x200, v0  }
0xc: {  	[tilespmem:$0x1FEA0] =	vst v1;
	v1 =	vor.u32 $0x10, v0  }
0xd: {  	v2 =	vimm.s32 $0x0;
	v23 =	vor.u32 $0x2B0, v0;
	[tilespmem:$0x1FEB0] =	vst v1;
	v1 =	vor.u32 $0x210, v0  }
0xe: {  	v24 =	vor.u32 $0xC0, v0;
	v25 =	vor.u32 $0x2C0, v0;
	[tilespmem:$0x1FEC0] =	vst v1;
	v1 =	vor.u32 $0x20, v0  }
0xf: {  	v26 =	vor.u32 $0xD0, v0;
	v27 =	vor.u32 $0x2D0, v0;
	[tilespmem:$0x1FED0] =	vst v1;
	v1 =	vor.u32 $0x220, v0  }
0x10: {  	v28 =	vor.u32 $0xE0, v0;
	v29 =	vor.u32 $0x2E0, v0;
	[tilespmem:$0x1FEE0] =	vst v1;
	v1 =	vor.u32 $0x30, v0  }
0x11: {  	v30 =	vor.u32 $0xF0, v0;
	v31 =	vor.u32 $0x2F0, v0;
	[tilespmem:$0x1FEF0] =	vst v1;
	v1 =	vor.u32 $0x230, v0  }
0x12: {  	v32 =	vor.u32 $0x100, v0;
	v33 =	vor.u32 $0x300, v0;
	[tilespmem:$0x1FF00] =	vst v1;
	v1 =	vor.u32 $0x40, v0  }
0x13: {  	v34 =	vor.u32 $0x110, v0;
	v35 =	vor.u32 $0x310, v0;
	[tilespmem:$0x1FF10] =	vst v1;
	v1 =	vor.u32 $0x240, v0  }
0x14: {  	v36 =	vor.u32 $0x120, v0;
	v37 =	vor.u32 $0x320, v0;
	[tilespmem:$0x1FF20] =	vst v1;
	v1 =	vor.u32 $0x50, v0  }
0x15: {  	v38 =	vor.u32 $0x130, v0;
	v39 =	vor.u32 $0x330, v0;
	[tilespmem:$0x1FF30] =	vst v1;
	v1 =	vor.u32 $0x250, v0  }
0x16: {  	v40 =	vor.u32 $0x140, v0;
	v41 =	vor.u32 $0x340, v0;
	[tilespmem:$0x1FF40] =	vst v1;
	v1 =	vor.u32 $0x60, v0  }
0x17: {  	v42 =	vor.u32 $0x150, v0;
	v43 =	vor.u32 $0x350, v0;
	[tilespmem:$0x1FF50] =	vst v1;
	v1 =	vor.u32 $0x260, v0  }
0x18: {  	v44 =	vor.u32 $0x160, v0;
	v45 =	vor.u32 $0x360, v0;
	[tilespmem:$0x1FF60] =	vst v1;
	v1 =	vor.u32 $0x70, v0  }
0x19: {  	v46 =	vor.u32 $0x170, v0;
	v47 =	vor.u32 $0x370, v0;
	[tilespmem:$0x1FF70] =	vst v1;
	v1 =	vor.u32 $0x270, v0  }
0x1a: {  	s5 =	sadd.s32 $0xE00, s10;
	s6 =	sadd.s32 $0x1000, s10;
	v48 =	vor.u32 $0x180, v0;
	v49 =	vor.u32 $0x380, v0;
	[tilespmem:$0x1FF80] =	vst v1;
	v1 =	vor.u32 $0x80, v0  }
0x1b: {  	s7 =	sadd.s32 $0x1200, s10;
	s8 =	sadd.s32 $0x1400, s10;
	v50 =	vor.u32 $0x190, v0;
	v51 =	vor.u32 $0x390, v0;
	[tilespmem:$0x1FF90] =	vst v1;
	v1 =	vor.u32 $0x280, v0  }
0x1c: {  	s11 =	ssub.s32 $0x2, s9;
	s9 =	sadd.s32 $0x1800, s10;
	s10 =	sadd.s32 $0x1A00, s10;
	v52 =	vor.u32 $0x1A0, v0;
	v53 =	vor.u32 $0x3A0, v0;
	[tilespmem:$0x1FFA0] =	vst v1;
	v1 =	vor.u32 $0x90, v0  }
0x1d: {  	s14 =	simm.s32 $0x400;
	s15 =	simm.s32 $0x800;
	v54 =	vor.u32 $0x1B0, v0;
	v55 =	vor.u32 $0x3B0, v0;
	[tilespmem:$0x1FFB0] =	vst v1;
	v1 =	vor.u32 $0x290, v0  }
0x1e: {  	s16 =	simm.s32 $0xC00;
	s17 =	simm.s32 $0xC80;
	v56 =	vor.u32 $0x1C0, v0;
	v57 =	vor.u32 $0x3C0, v0;
	[tilespmem:$0x1FFC0] =	vst v1;
	v1 =	vor.u32 $0xA0, v0  }
0x1f: {  	s13 =	simm.s32 $0x1;
	s18 =	simm.s32 $0xD00;
	s19 =	simm.s32 $0xA00;
	v58 =	vor.u32 $0x1D0, v0;
	v59 =	vor.u32 $0x3D0, v0;
	[tilespmem:$0x1FFD0] =	vst v1;
	v1 =	vor.u32 $0x2A0, v0  }
0x20: {  	s20 =	simm.s32 $0xD80;
	s21 =	simm.s32 $0x2D80;
	s12 =	sshrl.u32 s11, $0x1;
	v60 =	vor.u32 $0x1E0, v0;
	v61 =	vor.u32 $0x3E0, v0;
	[tilespmem:$0x1FFE0] =	vst v1;
	v1 =	vor.u32 $0xB0, v0  }
0x21: {  	s22 =	simm.s32 $0x2E00;
	v62 =	vor.u32 $0x1F0, v0;
	v63 =	vor.u32 $0x3F0, v0;
	s11 =	ssub.s32 s11, s12;
	s12 =	simm.s32 $0x0;
	[tilespmem:$0x1FFF0] =	vst v1;
	v1 =	vimm.s32 $0x7  }
.LBB2_2:
0x22: {  	[tilespmem:s12], [sflag:$0x1] =	stream.linear.gather [hbm4b:s0+s12], $0x400, $0x38;
	[tilespmem:$0x2E80] =	vst v63  }
0x23: {  	_ =	swait.ge [sflag:s13], $0x400  }
0x24: {  	[sflag:s13] =	ssyncset.done $0x0  }
0x25: {  	[sflag:s13] =	ssyncadd.s32 $0xFFFFFC00  }
0x26: {  	[tilespmem:s14], [sflag:$0x1] =	stream.linear.gather [hbm4b:s5+s12], $0x400, $0x38;
	[tilespmem:$0x2E80] =	vst v63  }
0x27: {  	_ =	swait.ge [sflag:s13], $0x400  }
0x28: {  	[sflag:s13] =	ssyncset.done $0x0  }
0x29: {  	[sflag:s13] =	ssyncadd.s32 $0xFFFFFC00  }
0x2a: {  	[tilespmem:s15], [sflag:$0x1] =	stream.linear.gather [hbm4b:s6+s12], $0x200, $0x38;
	[tilespmem:$0x2E80] =	vst v63  }
0x2b: {  	_ =	swait.ge [sflag:s13], $0x200  }
0x2c: {  	[sflag:s13] =	ssyncset.done $0x0  }
0x2d: {  	[sflag:s13] =	ssyncadd.s32 $0xFFFFFE00  }
0x2e: {  	[tilespmem:s16], [sflag:$0x1] =	stream.linear.gather [hbm4b:s3+s12], $0x80, $0x38;
	[tilespmem:$0x2E80] =	vst v63  }
0x2f: {  	_ =	swait.ge [sflag:s13], $0x80  }
0x30: {  	[sflag:s13] =	ssyncset.done $0x0  }
0x31: {  	[sflag:s13] =	ssyncadd.s32 $0xFFFFFF80  }
0x32: {  	[tilespmem:s17], [sflag:$0x1] =	stream.linear.gather [hbm4b:s4+s12], $0x80, $0x38;
	[tilespmem:$0x2E80] =	vst v63  }
0x33: {  	_ =	swait.ge [sflag:s13], $0x80  }
0x34: {  	[sflag:s13] =	ssyncset.done $0x0  }
0x35: {  	[sflag:s13] =	ssyncadd.s32 $0xFFFFFF80  }
0x36: {  	[tilespmem:s18], [sflag:$0x1] =	stream.linear.gather [hbm4b:s7+s12], $0x80, $0x38;
	[tilespmem:$0x2E80] =	vst v63  }
0x37: {  	_ =	swait.ge [sflag:s13], $0x80  }
0x38: {  	v6 =	vld [tilespmem:$0x1FEA0];
	_ =	sdelay $0x3  }
0x39: {  	[sflag:s13] =	ssyncset.done $0x0  }
0x3a: {  	[sflag:s13] =	ssyncadd.s32 $0xFFFFFF80  }
0x3b: {  	v3 =	vld.idx.msk [tilespmem:v0+s12+$0x0], $0xffff  }
0x3c: {  	v5 =	vld.idx.msk [tilespmem:v0+s14+$0x0], $0xffff  }
0x3d: {  	v4 =	vld.idx.msk [tilespmem:v6+s12+$0x0], $0xffff  }
0x3e: {  	v6 =	vld.idx.msk [tilespmem:v6+s14+$0x0], $0xffff;
	_ =	sdelay $0x1  }
0x3f: {  	v13 =	vld [tilespmem:$0x1FEB0]  }
0x40: {  	v14 =	vld [tilespmem:$0x1FEC0];
	_ =	sdelay $0x1  }
0x41: {  	vm0 =	veq.f32 v4, v3;
	vm1 =	vlt.s32 v6, v5  }
0x42: {  	vm2 =	vgt.f32 v4, v3;
	vm0 =	vmand vm0, vm1  }
0x43: {  	vm0 =	vmor vm2, vm0  }
0x44: {  	v3 =	vsel vm0, v6, v5  }
0x45: {  	[tilespmem:$0xA00] =	vst v3  }
0x46: {  	v3 =	vld.idx.msk [tilespmem:v13+s12+$0x0], $0xffff  }
0x47: {  	v15 =	vld.idx.msk [tilespmem:v14+s12+$0x0], $0xffff  }
0x48: {  	v5 =	vld.idx.msk [tilespmem:v13+s14+$0x0], $0xffff  }
0x49: {  	v6 =	vld.idx.msk [tilespmem:v14+s14+$0x0], $0xffff;
	_ =	sdelay $0x1  }
0x4a: {  	v16 =	vld [tilespmem:$0x1FED0]  }
0x4b: {  	v17 =	vld [tilespmem:$0x1FEE0];
	_ =	sdelay $0x1  }
0x4c: {  	vm7 =	veq.f32 v15, v3;
	vm8 =	vlt.s32 v6, v5  }
0x4d: {  	vm9 =	vgt.f32 v15, v3;
	vm0 =	vmand vm7, vm8  }
0x4e: {  	vm0 =	vmor vm9, vm0  }
0x4f: {  	v3 =	vsel vm0, v6, v5  }
0x50: {  	[tilespmem:$0xA10] =	vst v3  }
0x51: {  	v3 =	vld.idx.msk [tilespmem:v16+s12+$0x0], $0xffff  }
0x52: {  	v18 =	vld.idx.msk [tilespmem:v17+s12+$0x0], $0xffff  }
0x53: {  	v5 =	vld.idx.msk [tilespmem:v16+s14+$0x0], $0xffff  }
0x54: {  	v6 =	vld.idx.msk [tilespmem:v17+s14+$0x0], $0xffff;
	_ =	sdelay $0x1  }
0x55: {  	v19 =	vld [tilespmem:$0x1FEF0]  }
0x56: {  	v9 =	vld [tilespmem:$0x1FF00];
	_ =	sdelay $0x1  }
0x57: {  	vm10 =	veq.f32 v18, v3;
	vm11 =	vlt.s32 v6, v5  }
0x58: {  	vm12 =	vgt.f32 v18, v3;
	vm0 =	vmand vm10, vm11  }
0x59: {  	vm0 =	vmor vm12, vm0  }
0x5a: {  	v3 =	vsel vm0, v6, v5  }
0x5b: {  	[tilespmem:$0xA20] =	vst v3  }
0x5c: {  	v3 =	vld.idx.msk [tilespmem:v19+s12+$0x0], $0xffff  }
0x5d: {  	v10 =	vld.idx.msk [tilespmem:v9+s12+$0x0], $0xffff  }
0x5e: {  	v5 =	vld.idx.msk [tilespmem:v19+s14+$0x0], $0xffff  }
0x5f: {  	v6 =	vld.idx.msk [tilespmem:v9+s14+$0x0], $0xffff;
	_ =	sdelay $0x1  }
0x60: {  	v11 =	vld [tilespmem:$0x1FF10]  }
0x61: {  	v12 =	vld [tilespmem:$0x1FF20];
	_ =	sdelay $0x1  }
0x62: {  	vm13 =	veq.f32 v10, v3;
	vm14 =	vlt.s32 v6, v5  }
0x63: {  	vm15 =	vgt.f32 v10, v3;
	vm0 =	vmand vm13, vm14  }
0x64: {  	vm0 =	vmor vm15, vm0  }
0x65: {  	v3 =	vsel vm0, v6, v5  }
0x66: {  	[tilespmem:$0xA30] =	vst v3  }
0x67: {  	v3 =	vld.idx.msk [tilespmem:v11+s12+$0x0], $0xffff  }
0x68: {  	v13 =	vld.idx.msk [tilespmem:v12+s12+$0x0], $0xffff  }
0x69: {  	v5 =	vld.idx.msk [tilespmem:v11+s14+$0x0], $0xffff  }
0x6a: {  	v6 =	vld.idx.msk [tilespmem:v12+s14+$0x0], $0xffff;
	_ =	sdelay $0x1  }
0x6b: {  	v14 =	vld [tilespmem:$0x1FF30]  }
0x6c: {  	v15 =	vld [tilespmem:$0x1FF40];
	_ =	sdelay $0x1  }
0x6d: {  	vm4 =	veq.f32 v13, v3;
	vm5 =	vlt.s32 v6, v5  }
0x6e: {  	vm6 =	vgt.f32 v13, v3;
	vm0 =	vmand vm4, vm5  }
0x6f: {  	vm0 =	vmor vm6, vm0  }
0x70: {  	v3 =	vsel vm0, v6, v5  }
0x71: {  	[tilespmem:$0xA40] =	vst v3  }
0x72: {  	v3 =	vld.idx.msk [tilespmem:v14+s12+$0x0], $0xffff  }
0x73: {  	v16 =	vld.idx.msk [tilespmem:v15+s12+$0x0], $0xffff  }
0x74: {  	v5 =	vld.idx.msk [tilespmem:v14+s14+$0x0], $0xffff  }
0x75: {  	v6 =	vld.idx.msk [tilespmem:v15+s14+$0x0], $0xffff;
	_ =	sdelay $0x1  }
0x76: {  	v17 =	vld [tilespmem:$0x1FF50]  }
0x77: {  	v18 =	vld [tilespmem:$0x1FF60];
	_ =	sdelay $0x1  }
0x78: {  	vm7 =	veq.f32 v16, v3;
	vm8 =	vlt.s32 v6, v5  }
0x79: {  	vm9 =	vgt.f32 v16, v3;
	vm0 =	vmand vm7, vm8  }
0x7a: {  	vm0 =	vmor vm9, vm0  }
0x7b: {  	v3 =	vsel vm0, v6, v5  }
0x7c: {  	[tilespmem:$0xA50] =	vst v3  }
0x7d: {  	v3 =	vld.idx.msk [tilespmem:v17+s12+$0x0], $0xffff  }
0x7e: {  	v19 =	vld.idx.msk [tilespmem:v18+s12+$0x0], $0xffff  }
0x7f: {  	v5 =	vld.idx.msk [tilespmem:v17+s14+$0x0], $0xffff  }
0x80: {  	v6 =	vld.idx.msk [tilespmem:v18+s14+$0x0], $0xffff;
	_ =	sdelay $0x1  }
0x81: {  	v9 =	vld [tilespmem:$0x1FF70]  }
0x82: {  	v10 =	vld [tilespmem:$0x1FF80];
	_ =	sdelay $0x1  }
0x83: {  	vm10 =	veq.f32 v19, v3;
	vm11 =	vlt.s32 v6, v5  }
0x84: {  	vm12 =	vgt.f32 v19, v3;
	vm0 =	vmand vm10, vm11  }
0x85: {  	vm0 =	vmor vm12, vm0  }
0x86: {  	v3 =	vsel vm0, v6, v5  }
0x87: {  	[tilespmem:$0xA60] =	vst v3  }
0x88: {  	v3 =	vld.idx.msk [tilespmem:v9+s12+$0x0], $0xffff  }
0x89: {  	v11 =	vld.idx.msk [tilespmem:v10+s12+$0x0], $0xffff  }
0x8a: {  	v5 =	vld.idx.msk [tilespmem:v9+s14+$0x0], $0xffff  }
0x8b: {  	v6 =	vld.idx.msk [tilespmem:v10+s14+$0x0], $0xffff;
	_ =	sdelay $0x1  }
0x8c: {  	v12 =	vld [tilespmem:$0x1FF90]  }
0x8d: {  	v13 =	vld [tilespmem:$0x1FFA0];
	_ =	sdelay $0x1  }
0x8e: {  	vm13 =	veq.f32 v11, v3;
	vm14 =	vlt.s32 v6, v5  }
0x8f: {  	vm15 =	vgt.f32 v11, v3;
	vm0 =	vmand vm13, vm14  }
0x90: {  	vm0 =	vmor vm15, vm0  }
0x91: {  	v3 =	vsel vm0, v6, v5  }
0x92: {  	[tilespmem:$0xA70] =	vst v3  }
0x93: {  	v3 =	vld.idx.msk [tilespmem:v12+s12+$0x0], $0xffff  }
0x94: {  	v14 =	vld.idx.msk [tilespmem:v13+s12+$0x0], $0xffff  }
0x95: {  	v5 =	vld.idx.msk [tilespmem:v12+s14+$0x0], $0xffff  }
0x96: {  	v6 =	vld.idx.msk [tilespmem:v13+s14+$0x0], $0xffff;
	_ =	sdelay $0x1  }
0x97: {  	v15 =	vld [tilespmem:$0x1FFB0]  }
0x98: {  	v16 =	vld [tilespmem:$0x1FFC0];
	_ =	sdelay $0x1  }
0x99: {  	vm4 =	veq.f32 v14, v3;
	vm5 =	vlt.s32 v6, v5  }
0x9a: {  	vm6 =	vgt.f32 v14, v3;
	vm0 =	vmand vm4, vm5  }
0x9b: {  	vm0 =	vmor vm6, vm0  }
0x9c: {  	v3 =	vsel vm0, v6, v5  }
0x9d: {  	[tilespmem:$0xA80] =	vst v3  }
0x9e: {  	v3 =	vld.idx.msk [tilespmem:v15+s12+$0x0], $0xffff  }
0x9f: {  	v17 =	vld.idx.msk [tilespmem:v16+s12+$0x0], $0xffff  }
0xa0: {  	v5 =	vld.idx.msk [tilespmem:v15+s14+$0x0], $0xffff  }
0xa1: {  	v6 =	vld.idx.msk [tilespmem:v16+s14+$0x0], $0xffff;
	_ =	sdelay $0x1  }
0xa2: {  	v18 =	vld [tilespmem:$0x1FFD0]  }
0xa3: {  	v19 =	vld [tilespmem:$0x1FFE0];
	_ =	sdelay $0x1  }
0xa4: {  	vm7 =	veq.f32 v17, v3;
	vm8 =	vlt.s32 v6, v5  }
0xa5: {  	vm9 =	vgt.f32 v17, v3;
	vm0 =	vmand vm7, vm8  }
0xa6: {  	vm0 =	vmor vm9, vm0  }
0xa7: {  	v3 =	vsel vm0, v6, v5  }
0xa8: {  	[tilespmem:$0xA90] =	vst v3  }
0xa9: {  	v3 =	vld.idx.msk [tilespmem:v18+s12+$0x0], $0xffff  }
0xaa: {  	v9 =	vld.idx.msk [tilespmem:v19+s12+$0x0], $0xffff  }
0xab: {  	v5 =	vld.idx.msk [tilespmem:v18+s14+$0x0], $0xffff  }
0xac: {  	v6 =	vld.idx.msk [tilespmem:v19+s14+$0x0], $0xffff;
	_ =	sdelay $0x1  }
0xad: {  	v10 =	vld [tilespmem:$0x1FFF0];
	_ =	sdelay $0x2  }
0xae: {  	vm10 =	veq.f32 v9, v3;
	vm11 =	vlt.s32 v6, v5  }
0xaf: {  	vm12 =	vgt.f32 v9, v3;
	vm0 =	vmand vm10, vm11  }
0xb0: {  	vm0 =	vmor vm12, vm0  }
0xb1: {  	v3 =	vsel vm0, v6, v5  }
0xb2: {  	[tilespmem:$0xAA0] =	vst v3  }
0xb3: {  	v3 =	vld.idx.msk [tilespmem:v10+s12+$0x0], $0xffff  }
0xb4: {  	v11 =	vld.idx.msk [tilespmem:v23+s12+$0x0], $0xffff  }
0xb5: {  	v5 =	vld.idx.msk [tilespmem:v10+s14+$0x0], $0xffff  }
0xb6: {  	v12 =	vld.idx.msk [tilespmem:v23+s14+$0x0], $0xffff;
	_ =	sdelay $0x4  }
0xb7: {  	vm13 =	veq.f32 v11, v3;
	vm14 =	vlt.s32 v12, v5  }
0xb8: {  	vm15 =	vgt.f32 v11, v3;
	vm0 =	vmand vm13, vm14  }
0xb9: {  	vm0 =	vmor vm15, vm0  }
0xba: {  	v3 =	vsel vm0, v12, v5  }
0xbb: {  	[tilespmem:$0xAB0] =	vst v3  }
0xbc: {  	v3 =	vld.idx.msk [tilespmem:v24+s12+$0x0], $0xffff  }
0xbd: {  	v13 =	vld.idx.msk [tilespmem:v25+s12+$0x0], $0xffff  }
0xbe: {  	v14 =	vld.idx.msk [tilespmem:v24+s14+$0x0], $0xffff  }
0xbf: {  	v15 =	vld.idx.msk [tilespmem:v25+s14+$0x0], $0xffff;
	_ =	sdelay $0x4  }
0xc0: {  	vm4 =	veq.f32 v13, v3;
	vm5 =	vlt.s32 v15, v14  }
0xc1: {  	vm6 =	vgt.f32 v13, v3;
	vm0 =	vmand vm4, vm5  }
0xc2: {  	vm0 =	vmor vm6, vm0  }
0xc3: {  	v3 =	vsel vm0, v15, v14  }
0xc4: {  	[tilespmem:$0xAC0] =	vst v3  }
0xc5: {  	v3 =	vld.idx.msk [tilespmem:v26+s12+$0x0], $0xffff  }
0xc6: {  	v16 =	vld.idx.msk [tilespmem:v27+s12+$0x0], $0xffff  }
0xc7: {  	v17 =	vld.idx.msk [tilespmem:v26+s14+$0x0], $0xffff  }
0xc8: {  	v18 =	vld.idx.msk [tilespmem:v27+s14+$0x0], $0xffff;
	_ =	sdelay $0x4  }
0xc9: {  	vm7 =	veq.f32 v16, v3;
	vm8 =	vlt.s32 v18, v17  }
0xca: {  	vm9 =	vgt.f32 v16, v3;
	vm0 =	vmand vm7, vm8  }
0xcb: {  	vm0 =	vmor vm9, vm0  }
0xcc: {  	v3 =	vsel vm0, v18, v17  }
0xcd: {  	[tilespmem:$0xAD0] =	vst v3  }
0xce: {  	v3 =	vld.idx.msk [tilespmem:v28+s12+$0x0], $0xffff  }
0xcf: {  	v19 =	vld.idx.msk [tilespmem:v29+s12+$0x0], $0xffff  }
0xd0: {  	v9 =	vld.idx.msk [tilespmem:v28+s14+$0x0], $0xffff  }
0xd1: {  	v10 =	vld.idx.msk [tilespmem:v29+s14+$0x0], $0xffff;
	_ =	sdelay $0x4  }
0xd2: {  	vm10 =	veq.f32 v19, v3;
	vm11 =	vlt.s32 v10, v9  }
0xd3: {  	vm12 =	vgt.f32 v19, v3;
	vm0 =	vmand vm10, vm11  }
0xd4: {  	vm0 =	vmor vm12, vm0  }
0xd5: {  	v3 =	vsel vm0, v10, v9  }
0xd6: {  	[tilespmem:$0xAE0] =	vst v3  }
0xd7: {  	v3 =	vld.idx.msk [tilespmem:v30+s12+$0x0], $0xffff  }
0xd8: {  	v11 =	vld.idx.msk [tilespmem:v31+s12+$0x0], $0xffff  }
0xd9: {  	v12 =	vld.idx.msk [tilespmem:v30+s14+$0x0], $0xffff  }
0xda: {  	v13 =	vld.idx.msk [tilespmem:v31+s14+$0x0], $0xffff;
	_ =	sdelay $0x4  }
0xdb: {  	vm13 =	veq.f32 v11, v3;
	vm14 =	vlt.s32 v13, v12  }
0xdc: {  	vm15 =	vgt.f32 v11, v3;
	vm0 =	vmand vm13, vm14  }
0xdd: {  	vm0 =	vmor vm15, vm0  }
0xde: {  	v3 =	vsel vm0, v13, v12  }
0xdf: {  	[tilespmem:$0xAF0] =	vst v3  }
0xe0: {  	v3 =	vld.idx.msk [tilespmem:v32+s12+$0x0], $0xffff  }
0xe1: {  	v14 =	vld.idx.msk [tilespmem:v33+s12+$0x0], $0xffff  }
0xe2: {  	v15 =	vld.idx.msk [tilespmem:v32+s14+$0x0], $0xffff  }
0xe3: {  	v16 =	vld.idx.msk [tilespmem:v33+s14+$0x0], $0xffff;
	_ =	sdelay $0x4  }
0xe4: {  	vm4 =	veq.f32 v14, v3;
	vm5 =	vlt.s32 v16, v15  }
0xe5: {  	vm6 =	vgt.f32 v14, v3;
	vm0 =	vmand vm4, vm5  }
0xe6: {  	vm0 =	vmor vm6, vm0  }
0xe7: {  	v3 =	vsel vm0, v16, v15  }
0xe8: {  	[tilespmem:$0xB00] =	vst v3  }
0xe9: {  	v3 =	vld.idx.msk [tilespmem:v34+s12+$0x0], $0xffff  }
0xea: {  	v17 =	vld.idx.msk [tilespmem:v35+s12+$0x0], $0xffff  }
0xeb: {  	v18 =	vld.idx.msk [tilespmem:v34+s14+$0x0], $0xffff  }
0xec: {  	v19 =	vld.idx.msk [tilespmem:v35+s14+$0x0], $0xffff;
	_ =	sdelay $0x4  }
0xed: {  	vm7 =	veq.f32 v17, v3;
	vm8 =	vlt.s32 v19, v18  }
0xee: {  	vm9 =	vgt.f32 v17, v3;
	vm0 =	vmand vm7, vm8  }
0xef: {  	vm0 =	vmor vm9, vm0  }
0xf0: {  	v3 =	vsel vm0, v19, v18  }
0xf1: {  	[tilespmem:$0xB10] =	vst v3  }
0xf2: {  	v3 =	vld.idx.msk [tilespmem:v36+s12+$0x0], $0xffff  }
0xf3: {  	v9 =	vld.idx.msk [tilespmem:v37+s12+$0x0], $0xffff  }
0xf4: {  	v10 =	vld.idx.msk [tilespmem:v36+s14+$0x0], $0xffff  }
0xf5: {  	v11 =	vld.idx.msk [tilespmem:v37+s14+$0x0], $0xffff;
	_ =	sdelay $0x4  }
0xf6: {  	vm10 =	veq.f32 v9, v3;
	vm11 =	vlt.s32 v11, v10  }
0xf7: {  	vm12 =	vgt.f32 v9, v3;
	vm0 =	vmand vm10, vm11  }
0xf8: {  	vm0 =	vmor vm12, vm0  }
0xf9: {  	v3 =	vsel vm0, v11, v10  }
0xfa: {  	[tilespmem:$0xB20] =	vst v3  }
0xfb: {  	v3 =	vld.idx.msk [tilespmem:v38+s12+$0x0], $0xffff  }
0xfc: {  	v12 =	vld.idx.msk [tilespmem:v39+s12+$0x0], $0xffff  }
0xfd: {  	v13 =	vld.idx.msk [tilespmem:v38+s14+$0x0], $0xffff  }
0xfe: {  	v14 =	vld.idx.msk [tilespmem:v39+s14+$0x0], $0xffff;
	_ =	sdelay $0x4  }
0xff: {  	vm13 =	veq.f32 v12, v3;
	vm14 =	vlt.s32 v14, v13  }
0x100: {  	vm15 =	vgt.f32 v12, v3;
	vm0 =	vmand vm13, vm14  }
0x101: {  	vm0 =	vmor vm15, vm0  }
0x102: {  	v3 =	vsel vm0, v14, v13  }
0x103: {  	[tilespmem:$0xB30] =	vst v3  }
0x104: {  	v3 =	vld.idx.msk [tilespmem:v40+s12+$0x0], $0xffff  }
0x105: {  	v15 =	vld.idx.msk [tilespmem:v41+s12+$0x0], $0xffff  }
0x106: {  	v16 =	vld.idx.msk [tilespmem:v40+s14+$0x0], $0xffff  }
0x107: {  	v17 =	vld.idx.msk [tilespmem:v41+s14+$0x0], $0xffff;
	_ =	sdelay $0x4  }
0x108: {  	vm4 =	veq.f32 v15, v3;
	vm5 =	vlt.s32 v17, v16  }
0x109: {  	vm6 =	vgt.f32 v15, v3;
	vm0 =	vmand vm4, vm5  }
0x10a: {  	vm0 =	vmor vm6, vm0  }
0x10b: {  	v3 =	vsel vm0, v17, v16  }
0x10c: {  	[tilespmem:$0xB40] =	vst v3  }
0x10d: {  	v3 =	vld.idx.msk [tilespmem:v42+s12+$0x0], $0xffff  }
0x10e: {  	v18 =	vld.idx.msk [tilespmem:v43+s12+$0x0], $0xffff  }
0x10f: {  	v19 =	vld.idx.msk [tilespmem:v42+s14+$0x0], $0xffff  }
0x110: {  	v9 =	vld.idx.msk [tilespmem:v43+s14+$0x0], $0xffff;
	_ =	sdelay $0x4  }
0x111: {  	vm7 =	veq.f32 v18, v3;
	vm8 =	vlt.s32 v9, v19  }
0x112: {  	vm9 =	vgt.f32 v18, v3;
	vm0 =	vmand vm7, vm8  }
0x113: {  	vm0 =	vmor vm9, vm0  }
0x114: {  	v3 =	vsel vm0, v9, v19  }
0x115: {  	[tilespmem:$0xB50] =	vst v3  }
0x116: {  	v3 =	vld.idx.msk [tilespmem:v44+s12+$0x0], $0xffff  }
0x117: {  	v10 =	vld.idx.msk [tilespmem:v45+s12+$0x0], $0xffff  }
0x118: {  	v11 =	vld.idx.msk [tilespmem:v44+s14+$0x0], $0xffff  }
0x119: {  	v12 =	vld.idx.msk [tilespmem:v45+s14+$0x0], $0xffff;
	_ =	sdelay $0x4  }
0x11a: {  	vm10 =	veq.f32 v10, v3;
	vm11 =	vlt.s32 v12, v11  }
0x11b: {  	vm12 =	vgt.f32 v10, v3;
	vm0 =	vmand vm10, vm11  }
0x11c: {  	vm0 =	vmor vm12, vm0  }
0x11d: {  	v3 =	vsel vm0, v12, v11  }
0x11e: {  	[tilespmem:$0xB60] =	vst v3  }
0x11f: {  	v3 =	vld.idx.msk [tilespmem:v46+s12+$0x0], $0xffff  }
0x120: {  	v13 =	vld.idx.msk [tilespmem:v47+s12+$0x0], $0xffff  }
0x121: {  	v14 =	vld.idx.msk [tilespmem:v46+s14+$0x0], $0xffff  }
0x122: {  	v15 =	vld.idx.msk [tilespmem:v47+s14+$0x0], $0xffff;
	_ =	sdelay $0x4  }
0x123: {  	vm13 =	veq.f32 v13, v3;
	vm14 =	vlt.s32 v15, v14  }
0x124: {  	vm15 =	vgt.f32 v13, v3;
	vm0 =	vmand vm13, vm14  }
0x125: {  	vm0 =	vmor vm15, vm0  }
0x126: {  	v3 =	vsel vm0, v15, v14  }
0x127: {  	[tilespmem:$0xB70] =	vst v3  }
0x128: {  	v3 =	vld.idx.msk [tilespmem:v48+s12+$0x0], $0xffff  }
0x129: {  	v16 =	vld.idx.msk [tilespmem:v49+s12+$0x0], $0xffff  }
0x12a: {  	v17 =	vld.idx.msk [tilespmem:v48+s14+$0x0], $0xffff  }
0x12b: {  	v18 =	vld.idx.msk [tilespmem:v49+s14+$0x0], $0xffff;
	_ =	sdelay $0x4  }
0x12c: {  	vm4 =	veq.f32 v16, v3;
	vm5 =	vlt.s32 v18, v17  }
0x12d: {  	vm6 =	vgt.f32 v16, v3;
	vm0 =	vmand vm4, vm5  }
0x12e: {  	vm0 =	vmor vm6, vm0  }
0x12f: {  	v3 =	vsel vm0, v18, v17  }
0x130: {  	[tilespmem:$0xB80] =	vst v3  }
0x131: {  	v3 =	vld.idx.msk [tilespmem:v50+s12+$0x0], $0xffff  }
0x132: {  	v19 =	vld.idx.msk [tilespmem:v51+s12+$0x0], $0xffff  }
0x133: {  	v9 =	vld.idx.msk [tilespmem:v50+s14+$0x0], $0xffff  }
0x134: {  	v10 =	vld.idx.msk [tilespmem:v51+s14+$0x0], $0xffff;
	_ =	sdelay $0x4  }
0x135: {  	vm7 =	veq.f32 v19, v3;
	vm8 =	vlt.s32 v10, v9  }
0x136: {  	vm9 =	vgt.f32 v19, v3;
	vm0 =	vmand vm7, vm8  }
0x137: {  	vm0 =	vmor vm9, vm0  }
0x138: {  	v3 =	vsel vm0, v10, v9  }
0x139: {  	[tilespmem:$0xB90] =	vst v3  }
0x13a: {  	v3 =	vld.idx.msk [tilespmem:v52+s12+$0x0], $0xffff  }
0x13b: {  	v11 =	vld.idx.msk [tilespmem:v53+s12+$0x0], $0xffff  }
0x13c: {  	v12 =	vld.idx.msk [tilespmem:v52+s14+$0x0], $0xffff  }
0x13d: {  	v13 =	vld.idx.msk [tilespmem:v53+s14+$0x0], $0xffff;
	_ =	sdelay $0x4  }
0x13e: {  	vm10 =	veq.f32 v11, v3;
	vm11 =	vlt.s32 v13, v12  }
0x13f: {  	vm12 =	vgt.f32 v11, v3;
	vm0 =	vmand vm10, vm11  }
0x140: {  	vm0 =	vmor vm12, vm0  }
0x141: {  	v3 =	vsel vm0, v13, v12  }
0x142: {  	[tilespmem:$0xBA0] =	vst v3  }
0x143: {  	v3 =	vld.idx.msk [tilespmem:v54+s12+$0x0], $0xffff  }
0x144: {  	v14 =	vld.idx.msk [tilespmem:v55+s12+$0x0], $0xffff  }
0x145: {  	v15 =	vld.idx.msk [tilespmem:v54+s14+$0x0], $0xffff  }
0x146: {  	v16 =	vld.idx.msk [tilespmem:v55+s14+$0x0], $0xffff;
	_ =	sdelay $0x4  }
0x147: {  	vm13 =	veq.f32 v14, v3;
	vm14 =	vlt.s32 v16, v15  }
0x148: {  	vm15 =	vgt.f32 v14, v3;
	vm0 =	vmand vm13, vm14  }
0x149: {  	vm0 =	vmor vm15, vm0  }
0x14a: {  	v3 =	vsel vm0, v16, v15  }
0x14b: {  	[tilespmem:$0xBB0] =	vst v3  }
0x14c: {  	v3 =	vld.idx.msk [tilespmem:v56+s12+$0x0], $0xffff  }
0x14d: {  	v17 =	vld.idx.msk [tilespmem:v57+s12+$0x0], $0xffff  }
0x14e: {  	v18 =	vld.idx.msk [tilespmem:v56+s14+$0x0], $0xffff  }
0x14f: {  	v19 =	vld.idx.msk [tilespmem:v57+s14+$0x0], $0xffff;
	_ =	sdelay $0x4  }
0x150: {  	vm4 =	veq.f32 v17, v3;
	vm5 =	vlt.s32 v19, v18  }
0x151: {  	vm6 =	vgt.f32 v17, v3;
	vm0 =	vmand vm4, vm5  }
0x152: {  	vm0 =	vmor vm6, vm0  }
0x153: {  	v3 =	vsel vm0, v19, v18  }
0x154: {  	[tilespmem:$0xBC0] =	vst v3  }
0x155: {  	v3 =	vld.idx.msk [tilespmem:v58+s12+$0x0], $0xffff  }
0x156: {  	v9 =	vld.idx.msk [tilespmem:v59+s12+$0x0], $0xffff  }
0x157: {  	v10 =	vld.idx.msk [tilespmem:v58+s14+$0x0], $0xffff  }
0x158: {  	v11 =	vld.idx.msk [tilespmem:v59+s14+$0x0], $0xffff;
	_ =	sdelay $0x4  }
0x159: {  	vm7 =	veq.f32 v9, v3;
	vm8 =	vlt.s32 v11, v10  }
0x15a: {  	vm9 =	vgt.f32 v9, v3;
	vm0 =	vmand vm7, vm8  }
0x15b: {  	vm0 =	vmor vm9, vm0  }
0x15c: {  	v3 =	vsel vm0, v11, v10  }
0x15d: {  	[tilespmem:$0xBD0] =	vst v3  }
0x15e: {  	v3 =	vld.idx.msk [tilespmem:v60+s12+$0x0], $0xffff  }
0x15f: {  	v12 =	vld.idx.msk [tilespmem:v61+s12+$0x0], $0xffff  }
0x160: {  	v13 =	vld.idx.msk [tilespmem:v60+s14+$0x0], $0xffff  }
0x161: {  	v7 =	vld.idx.msk [tilespmem:v61+s14+$0x0], $0xffff  }
0x162: {  	v4 =	vld [tilespmem:$0xC00];
	_ =	sdelay $0x3  }
0x163: {  	vm10 =	veq.f32 v12, v3;
	vm11 =	vlt.s32 v7, v13  }
0x164: {  	(xrf0) =	vadd.scan.msk.s32 $0xffff, v4;
	vm12 =	vgt.f32 v12, v3;
	vm0 =	vmand vm10, vm11  }
0x165: {  	vm0 =	vmor vm12, vm0  }
0x166: {  	v3 =	vsel vm0, v7, v13  }
0x167: {  	[tilespmem:$0xBE0] =	vst v3  }
0x168: {  	v3 =	vld.idx.msk [tilespmem:v62+s12+$0x0], $0xffff  }
0x169: {  	v14 =	vld.idx.msk [tilespmem:v63+s12+$0x0], $0xffff  }
0x16a: {  	v8, _, _ =	vpop (xrf0);
	v15 =	vld.idx.msk [tilespmem:v62+s14+$0x0], $0xffff  }
0x16b: {  	v9 =	vsub.s32 v8, v4;
	v16 =	vld.idx.msk [tilespmem:v63+s14+$0x0], $0xffff  }
0x16c: {  	v17 =	vadd.s32 $0x1, v9  }
0x16d: {  	vm3 =	vgt.s32 v17, $0x0;
	v10 =	vadd.s32 $0x2, v9  }
0x16e: {  	v19 =	vadd.s32 $0x3, v9;
	v5 =	vnsel vm3, $0x0, v17;
	vm7 =	vgt.s32 v10, $0x0  }
0x16f: {  	vm8 =	vgt.s32 v19, $0x0;
	v5 =	vmin.u32 v5, $0x1FF;
	v18 =	vnsel vm7, $0x0, v10  }
0x170: {  	v10 =	vnsel vm8, $0x0, v19;
	vm15 =	veq.f32 v14, v3;
	vm6 =	vlt.s32 v16, v15  }
0x171: {  	v12 =	vadd.s32 $0x4, v9;
	vm13 =	vgt.f32 v14, v3;
	vm1 =	vmand vm15, vm6  }
0x172: {  	v10 =	vmin.u32 v10, $0x1FF;
	vm9 =	vgt.s32 v12, $0x0;
	vm0 =	vmor vm13, vm1  }
0x173: {  	vm14 =	vgt.s32 v9, $0x0;
	v12 =	vnsel vm9, $0x0, v12;
	v6 =	vsel vm0, v16, v15  }
0x174: {  	v12 =	vmin.u32 v12, $0x1FF;
	v3 =	vnsel vm14, $0x0, v9;
	v14 =	vadd.s32 $0x5, v9;
	[tilespmem:$0xBF0] =	vst v6;
	v6 =	vld [tilespmem:$0xC80]  }
0x175: {  	v3 =	vmin.u32 v3, $0x1FF;
	vm10 =	vgt.s32 v14, $0x0;
	v16 =	vadd.s32 $0x6, v9;
	v13 =	vld.idx.msk [tilespmem:v5+s19+$0x0], $0xffff  }
0x176: {  	v14 =	vnsel vm10, $0x0, v14;
	v9 =	vadd.s32 $0x7, v9;
	vm11 =	vgt.s32 v16, $0x0;
	v5 =	vld.idx.msk [tilespmem:v5+s15+$0x0], $0xffff  }
0x177: {  	v14 =	vmin.u32 v14, $0x1FF;
	vm12 =	vgt.s32 v9, $0x0;
	v17 =	vld.idx.msk [tilespmem:v10+s19+$0x0], $0xffff;
	v16 =	vnsel vm11, $0x0, v16  }
0x178: {  	v10 =	vld.idx.msk [tilespmem:v10+s15+$0x0], $0xffff;
	v9 =	vnsel vm12, $0x0, v9;
	v16 =	vmin.u32 v16, $0x1FF  }
0x179: {  	v7 =	vmin.u32 v18, $0x1FF;
	v18 =	vld.idx.msk [tilespmem:v12+s19+$0x0], $0xffff;
	v9 =	vmin.u32 v9, $0x1FF  }
0x17a: {  	v11 =	vld.idx.msk [tilespmem:v3+s19+$0x0], $0xffff  }
0x17b: {  	v3 =	vld.idx.msk [tilespmem:v3+s15+$0x0], $0xffff  }
0x17c: {  	v19 =	vld.idx.msk [tilespmem:v14+s19+$0x0], $0xffff  }
0x17d: {  	v20 =	vld.idx.msk [tilespmem:v16+s19+$0x0], $0xffff  }
0x17e: {  	v21 =	vld.idx.msk [tilespmem:v9+s19+$0x0], $0xffff  }
0x17f: {  	v9 =	vld.idx.msk [tilespmem:v9+s15+$0x0], $0xffff  }
0x180: {  	v16 =	vld.idx.msk [tilespmem:v16+s15+$0x0], $0xffff  }
0x181: {  	v14 =	vld.idx.msk [tilespmem:v14+s15+$0x0], $0xffff  }
0x182: {  	v12 =	vld.idx.msk [tilespmem:v12+s15+$0x0], $0xffff;
	vm7 =	vgt.s32 v6, $0x7;
	vm14 =	vgt.s32 v6, $0x6;
	vm15 =	vgt.s32 v6, $0x5  }
0x183: {  	v15 =	vld.idx.msk [tilespmem:v7+s19+$0x0], $0xffff;
	vm10 =	vgt.s32 v6, $0x4;
	vm11 =	vgt.s32 v6, $0x3;
	vm12 =	vgt.s32 v6, $0x2  }
0x184: {  	v7 =	vld.idx.msk [tilespmem:v7+s15+$0x0], $0xffff;
	vm1 =	veq.s32 v13, v5;
	vm13 =	veq.s32 v17, v10;
	vm6 =	veq.s32 v21, v9  }
0x185: {  	vm0 =	veq.s32 v11, v3;
	vm8 =	veq.s32 v20, v16;
	vm6 =	vmand vm7, vm6  }
0x186: {  	vm5 =	veq.s32 v19, v14;
	vm7 =	vmand vm14, vm8;
	v3 =	vsel vm6, $0x8, v1  }
0x187: {  	vm4 =	veq.s32 v18, v12;
	vm5 =	vmand vm15, vm5;
	v3 =	vnsel vm7, $0x6, v3  }
0x188: {  	v10 =	vxor.u32 $0x80000000, v8;
	vm4 =	vmand vm10, vm4;
	v3 =	vnsel vm5, $0x5, v3  }
0x189: {  	vm2 =	veq.s32 v15, v7;
	vm3 =	vmand vm11, vm13;
	(xrf0) =	vmax.scan.msk.u32 $0xffff, v10;
	v3 =	vnsel vm4, $0x4, v3  }
0x18a: {  	vm13 =	vgt.s32 v6, $0x1;
	vm2 =	vmand vm12, vm2;
	v3 =	vnsel vm3, $0x3, v3  }
0x18b: {  	vm1 =	vmand vm13, vm1;
	vm14 =	vgt.s32 v6, $0x0;
	v3 =	vnsel vm2, $0x2, v3  }
0x18c: {  	vm0 =	vmand vm14, vm0;
	v3 =	vnsel vm1, $0x1, v3  }
0x18d: {  	v3 =	vnsel vm0, $0x0, v3  }
0x18e: {  	vm10 =	veq.s32 v4, $0x0;
	vm0 =	vne.s32 v4, v3  }
0x18f: {  	vm11 =	veq.s32 v4, $0x1;
	vm13 =	veq.s32 v4, $0x2;
	v16, _, _ =	vpop (xrf0);
	v9 =	vsel vm0, $0x1, v2  }
0x190: {  	(v2sf) =	vpush v16, $0xF;
	vm14 =	veq.s32 v4, $0x3;
	v5 =	vadd.s32 v9, v3  }
0x191: {  	vm0 =	veq.s32 v4, v3;
	v12 =	vadd.s32 $0xFFFFFFFF, v5;
	vm15 =	vgt.u32 v5, $0x1  }
0x192: {  	v8 =	vld [tilespmem:$0xD00];
	vm3 =	vmand vm10, vm0;
	v14 =	vsel vm15, $0x0, v11;
	vm4 =	veq.s32 v12, $0x1  }
0x193: {  	vm2 =	vmand vm13, vm0;
	vm5 =	veq.s32 v12, $0x2;
	v7 =	vsel vm4, v13, v14  }
0x194: {  	vm13 =	veq.s32 v4, $0x6;
	vm6 =	veq.s32 v12, $0x3;
	v7 =	vsel vm5, v15, v7  }
0x195: {  	vm1 =	vgt.u32 v5, $0x7;
	vm7 =	veq.s32 v12, $0x4;
	v7 =	vsel vm6, v17, v7  }
0x196: {  	vm12 =	veq.s32 v5, $0x0;
	vm8 =	veq.s32 v12, $0x5;
	v7 =	vsel vm7, v18, v7  }
0x197: {  	v16 =	vnsel vm2, $0xFFFFFFFF, v8;
	vm9 =	veq.s32 v12, $0x6;
	v7 =	vsel vm8, v19, v7  }
0x198: {  	vm10 =	vgt.u32 v5, $0x4;
	v12 =	vnsel vm3, $0xFFFFFFFF, v8;
	v6 =	vsel vm9, v20, v7  }
0x199: {  	vm4 =	vmand vm11, vm0;
	v7 =	vsub.s32 v4, v3;
	v3 =	vsel vm1, v21, v6  }
0x19a: {  	v9 =	vsel vm12, v12, v11;
	v6 =	vsel vm0, v8, v3;
	v3 =	vmul.u32 $0x80, v0  }
0x19b: {  	vm11 =	veq.s32 v4, $0x5;
	vm12 =	vgt.u32 v5, $0x5;
	v14 =	vnsel vm4, $0xFFFFFFFF, v8  }
0x19c: {  	v10 =	vsel vm15, v13, v14;
	vm15 =	vgt.u32 v5, $0x2;
	v11 =	vor.u32 $0x1, v3  }
0x19d: {  	vm7 =	vmand vm14, vm0;
	v12 =	vsel vm15, v15, v16;
	v14 =	vor.u32 $0x2, v3  }
0x19e: {  	vm14 =	veq.s32 v4, $0x7;
	vm8 =	vgt.u32 v5, $0x3;
	[tilespmem:$0x2D80] =	vst v7;
	v7 =	vor.u32 $0x3, v3  }
0x19f: {  	v16 =	vnsel vm7, $0xFFFFFFFF, v8;
	vm9 =	veq.s32 v4, $0x4;
	[tilespmem:$0x2E00] =	vst v6;
	v15 =	vor.u32 $0x4, v3  }
0x1a0: {  	v13 =	vsel vm8, v17, v16;
	vm2 =	vmand vm9, vm0;
	[tilespmem:v3+s20+$0x0] =	vst.idx.msk $0xffff, v9;
	v9 =	vor.u32 $0x5, v3  }
0x1a1: {  	v6 =	vnsel vm2, $0xFFFFFFFF, v8;
	vm2 =	vmand vm11, vm0;
	v16 =	vor.u32 $0x6, v3;
	[tilespmem:v11+s20+$0x0] =	vst.idx.msk $0xffff, v10  }
0x1a2: {  	v6 =	vsel vm10, v18, v6;
	v18 =	vnsel vm2, $0xFFFFFFFF, v8;
	v17 =	vor.u32 $0x7, v3;
	[tilespmem:v14+s20+$0x0] =	vst.idx.msk $0xffff, v12  }
0x1a3: {  	vm2 =	vmand vm13, vm0;
	v10 =	vsel vm12, v19, v18;
	v18 =	vor.u32 $0x8, v3;
	[tilespmem:v7+s20+$0x0] =	vst.idx.msk $0xffff, v13  }
0x1a4: {  	vm15 =	vgt.u32 v5, $0x6;
	vm5 =	vmand vm14, vm0;
	v19 =	vnsel vm2, $0xFFFFFFFF, v8;
	[tilespmem:v15+s20+$0x0] =	vst.idx.msk $0xffff, v6  }
0x1a5: {  	vm6 =	veq.s32 v4, $0x8;
	v5 =	vsel vm15, v20, v19;
	[tilespmem:v9+s20+$0x0] =	vst.idx.msk $0xffff, v10;
	v10 =	vnsel vm5, $0xFFFFFFFF, v8  }
0x1a6: {  	vm0 =	vmand vm6, vm0;
	[tilespmem:v16+s20+$0x0] =	vst.idx.msk $0xffff, v5;
	v11 =	vsel vm1, v21, v10  }
0x1a7: {  	v13 =	vnsel vm0, $0xFFFFFFFF, v8;
	[tilespmem:v17+s20+$0x0] =	vst.idx.msk $0xffff, v11  }
0x1a8: {  	[tilespmem:v18+s20+$0x0] =	vst.idx.msk $0xffff, v13  }
0x1a9: {  	v4 =	vld [tilespmem:$0xC10];
	_ =	sdelay $0x4  }
0x1aa: {  	(xrf0) =	vadd.scan.msk.s32 $0xffff, v4;
	_ =	sdelay $0x5  }
0x1ab: {  	s23 =	spop (v2sf);
	v5, _, _ =	vpop (xrf0)  }
0x1ac: {  	s23 =	sxor.u32 $0x80000000, s23;
	v14 =	vsub.s32 v5, v4  }
0x1ad: {  	v6 =	vadd.s32 s23, v14  }
0x1ae: {  	vm7 =	vgt.s32 v6, $0x0  }
0x1af: {  	v16 =	vadd.s32 $0x1, v6;
	v15 =	vnsel vm7, $0x0, v6  }
0x1b0: {  	vm8 =	vgt.s32 v16, $0x0;
	v7 =	vmin.u32 v15, $0x1FF  }
0x1b1: {  	v18 =	vadd.s32 $0x3, v6;
	v8 =	vnsel vm8, $0x0, v16  }
0x1b2: {  	v17 =	vadd.s32 $0x2, v6;
	vm10 =	vgt.s32 v18, $0x0;
	v8 =	vmin.u32 v8, $0x1FF  }
0x1b3: {  	v19 =	vadd.s32 $0x4, v6;
	v10 =	vnsel vm10, $0x0, v18;
	v15 =	vadd.s32 $0x5, v6  }
0x1b4: {  	v11 =	vld [tilespmem:$0xC90];
	vm9 =	vgt.s32 v17, $0x0;
	v10 =	vmin.u32 v10, $0x1FF;
	vm12 =	vgt.s32 v15, $0x0  }
0x1b5: {  	v9 =	vnsel vm9, $0x0, v17;
	v17 =	vadd.s32 $0x6, v6;
	v15 =	vnsel vm12, $0x0, v15;
	v12 =	vld.idx.msk [tilespmem:v7+s19+$0x0], $0xffff  }
0x1b6: {  	v6 =	vadd.s32 $0x7, v6;
	vm13 =	vgt.s32 v17, $0x0;
	v15 =	vmin.u32 v15, $0x1FF;
	v7 =	vld.idx.msk [tilespmem:v7+s15+$0x0], $0xffff  }
0x1b7: {  	vm14 =	vgt.s32 v6, $0x0;
	v17 =	vnsel vm13, $0x0, v17;
	v14 =	vld.idx.msk [tilespmem:v8+s19+$0x0], $0xffff  }
0x1b8: {  	v6 =	vnsel vm14, $0x0, v6;
	v17 =	vmin.u32 v17, $0x1FF;
	v8 =	vld.idx.msk [tilespmem:v8+s15+$0x0], $0xffff  }
0x1b9: {  	v6 =	vmin.u32 v6, $0x1FF;
	v18 =	vld.idx.msk [tilespmem:v10+s19+$0x0], $0xffff  }
0x1ba: {  	vm11 =	vgt.s32 v19, $0x0;
	v10 =	vld.idx.msk [tilespmem:v10+s15+$0x0], $0xffff  }
0x1bb: {  	v13 =	vnsel vm11, $0x0, v19;
	v20 =	vld.idx.msk [tilespmem:v15+s19+$0x0], $0xffff  }
0x1bc: {  	v13 =	vmin.u32 v13, $0x1FF;
	v15 =	vld.idx.msk [tilespmem:v15+s15+$0x0], $0xffff  }
0x1bd: {  	v21 =	vld.idx.msk [tilespmem:v17+s19+$0x0], $0xffff  }
0x1be: {  	v9 =	vmin.u32 v9, $0x1FF;
	v22 =	vld.idx.msk [tilespmem:v6+s19+$0x0], $0xffff  }
0x1bf: {  	v6 =	vld.idx.msk [tilespmem:v6+s15+$0x0], $0xffff  }
0x1c0: {  	v17 =	vld.idx.msk [tilespmem:v17+s15+$0x0], $0xffff  }
0x1c1: {  	v19 =	vld.idx.msk [tilespmem:v13+s19+$0x0], $0xffff  }
0x1c2: {  	v5 =	vxor.u32 $0x80000000, v5;
	vm9 =	vgt.s32 v11, $0x4;
	vm10 =	vgt.s32 v11, $0x3;
	v13 =	vld.idx.msk [tilespmem:v13+s15+$0x0], $0xffff  }
0x1c3: {  	vm11 =	vgt.s32 v11, $0x2;
	vm12 =	vgt.s32 v11, $0x7;
	vm14 =	vgt.s32 v11, $0x6;
	v16 =	vld.idx.msk [tilespmem:v9+s19+$0x0], $0xffff  }
0x1c4: {  	v9 =	vld.idx.msk [tilespmem:v9+s15+$0x0], $0xffff;
	vm0 =	veq.s32 v12, v7;
	vm3 =	veq.s32 v18, v10;
	vm15 =	veq.s32 v22, v6  }
0x1c5: {  	vm5 =	veq.s32 v20, v15;
	vm13 =	veq.s32 v21, v17;
	vm6 =	vmand vm12, vm15  }
0x1c6: {  	vm7 =	vmand vm14, vm13;
	vm15 =	vgt.s32 v11, $0x5;
	v10 =	vsel vm6, $0x8, v1  }
0x1c7: {  	vm4 =	veq.s32 v19, v13;
	vm5 =	vmand vm15, vm5;
	v6 =	vnsel vm7, $0x6, v10  }
0x1c8: {  	(xrf0) =	vmax.scan.msk.u32 $0xffff, v5;
	vm1 =	veq.s32 v14, v8;
	vm4 =	vmand vm9, vm4;
	v6 =	vnsel vm5, $0x5, v6  }
0x1c9: {  	vm2 =	veq.s32 v16, v9;
	vm3 =	vmand vm10, vm3;
	v6 =	vnsel vm4, $0x4, v6  }
0x1ca: {  	vm2 =	vmand vm11, vm2;
	vm12 =	vgt.s32 v11, $0x1;
	v6 =	vnsel vm3, $0x3, v6  }
0x1cb: {  	vm13 =	vgt.s32 v11, $0x0;
	vm1 =	vmand vm12, vm1;
	v6 =	vnsel vm2, $0x2, v6  }
0x1cc: {  	vm0 =	vmand vm13, vm0;
	v6 =	vnsel vm1, $0x1, v6  }
0x1cd: {  	v6 =	vnsel vm0, $0x0, v6  }
0x1ce: {  	vm9 =	veq.s32 v4, $0x0;
	v17, _, _ =	vpop (xrf0);
	vm0 =	vne.s32 v4, v6  }
0x1cf: {  	vm10 =	veq.s32 v4, $0x1;
	(v2sf) =	vpush v17, $0xF;
	v10 =	vld [tilespmem:$0xD10];
	v11 =	vsel vm0, $0x1, v2  }
0x1d0: {  	vm13 =	veq.s32 v4, $0x2;
	vm0 =	veq.s32 v4, v6;
	v5 =	vadd.s32 v11, v6  }
0x1d1: {  	v6 =	vsub.s32 v4, v6;
	vm3 =	vmand vm9, vm0;
	vm12 =	vmand vm10, vm0  }
0x1d2: {  	v11 =	vor.u32 $0x800, v3;
	vm2 =	vmand vm13, vm0;
	vm9 =	veq.s32 v4, $0x4  }
0x1d3: {  	vm13 =	veq.s32 v4, $0x6;
	v13 =	vadd.s32 $0xFFFFFFFF, v5;
	vm14 =	vgt.u32 v5, $0x1  }
0x1d4: {  	vm1 =	vgt.u32 v5, $0x7;
	vm11 =	veq.s32 v5, $0x0;
	v17 =	vnsel vm2, $0xFFFFFFFF, v10  }
0x1d5: {  	[tilespmem:$0x2D90] =	vst v6;
	v6 =	vor.u32 $0x803, v3;
	vm10 =	vgt.u32 v5, $0x4;
	vm2 =	vmand vm9, vm0  }
0x1d6: {  	v15 =	vsel vm14, $0x0, v12;
	vm15 =	veq.s32 v13, $0x1;
	vm4 =	veq.s32 v13, $0x2  }
0x1d7: {  	vm5 =	veq.s32 v13, $0x3;
	vm6 =	veq.s32 v13, $0x4;
	v8 =	vsel vm15, v14, v15  }
0x1d8: {  	vm7 =	veq.s32 v13, $0x5;
	vm8 =	veq.s32 v13, $0x6;
	v8 =	vsel vm4, v16, v8  }
0x1d9: {  	v13 =	vnsel vm3, $0xFFFFFFFF, v10;
	v15 =	vnsel vm12, $0xFFFFFFFF, v10;
	v8 =	vsel vm5, v18, v8  }
0x1da: {  	vm15 =	vgt.u32 v5, $0x2;
	vm12 =	vgt.u32 v5, $0x5;
	v8 =	vsel vm6, v19, v8  }
0x1db: {  	v9 =	vsel vm14, v14, v15;
	vm14 =	veq.s32 v4, $0x3;
	v8 =	vsel vm7, v20, v8  }
0x1dc: {  	v7 =	vsel vm8, v21, v8;
	v8 =	vsel vm11, v13, v12;
	v12 =	vor.u32 $0x801, v3  }
0x1dd: {  	v15 =	vor.u32 $0x802, v3;
	vm7 =	vmand vm14, vm0;
	v7 =	vsel vm1, v22, v7  }
0x1de: {  	vm14 =	veq.s32 v4, $0x7;
	v13 =	vsel vm15, v16, v17;
	v7 =	vsel vm0, v10, v7  }
0x1df: {  	vm8 =	vgt.u32 v5, $0x3;
	v14 =	vnsel vm7, $0xFFFFFFFF, v10;
	v16 =	vor.u32 $0x804, v3;
	[tilespmem:$0x2E10] =	vst v7  }
0x1e0: {  	vm11 =	veq.s32 v4, $0x5;
	v17 =	vor.u32 $0x807, v3;
	[tilespmem:v11+s20+$0x0] =	vst.idx.msk $0xffff, v8;
	v8 =	vor.u32 $0x805, v3  }
0x1e1: {  	vm15 =	vgt.u32 v5, $0x6;
	v14 =	vsel vm8, v18, v14;
	v11 =	vor.u32 $0x806, v3;
	[tilespmem:v12+s20+$0x0] =	vst.idx.msk $0xffff, v9  }
0x1e2: {  	v18 =	vor.u32 $0x808, v3;
	v7 =	vnsel vm2, $0xFFFFFFFF, v10;
	vm2 =	vmand vm11, vm0;
	[tilespmem:v15+s20+$0x0] =	vst.idx.msk $0xffff, v13  }
0x1e3: {  	v7 =	vsel vm10, v19, v7;
	v12 =	vnsel vm2, $0xFFFFFFFF, v10;
	vm2 =	vmand vm13, vm0;
	[tilespmem:v6+s20+$0x0] =	vst.idx.msk $0xffff, v14  }
0x1e4: {  	vm5 =	vmand vm14, vm0;
	v9 =	vsel vm12, v20, v12;
	v19 =	vnsel vm2, $0xFFFFFFFF, v10;
	[tilespmem:v16+s20+$0x0] =	vst.idx.msk $0xffff, v7  }
0x1e5: {  	vm6 =	veq.s32 v4, $0x8;
	v5 =	vsel vm15, v21, v19;
	[tilespmem:v8+s20+$0x0] =	vst.idx.msk $0xffff, v9;
	v9 =	vnsel vm5, $0xFFFFFFFF, v10  }
0x1e6: {  	vm0 =	vmand vm6, vm0;
	[tilespmem:v11+s20+$0x0] =	vst.idx.msk $0xffff, v5;
	v11 =	vsel vm1, v22, v9  }
0x1e7: {  	v13 =	vnsel vm0, $0xFFFFFFFF, v10;
	[tilespmem:v17+s20+$0x0] =	vst.idx.msk $0xffff, v11  }
0x1e8: {  	[tilespmem:v18+s20+$0x0] =	vst.idx.msk $0xffff, v13  }
0x1e9: {  	v4 =	vld [tilespmem:$0xC20];
	_ =	sdelay $0x4  }
0x1ea: {  	(xrf0) =	vadd.scan.msk.s32 $0xffff, v4;
	_ =	sdelay $0x4  }
0x1eb: {  	s24 =	spop (v2sf)  }
0x1ec: {  	s23 =	sadd.s32 s24, s23;
	v5, _, _ =	vpop (xrf0)  }
0x1ed: {  	s23 =	sadd.s32 $0x80000000, s23;
	v14 =	vsub.s32 v5, v4  }
0x1ee: {  	v6 =	vadd.s32 s23, v14  }
0x1ef: {  	vm7 =	vgt.s32 v6, $0x0  }
0x1f0: {  	v16 =	vadd.s32 $0x1, v6;
	v15 =	vnsel vm7, $0x0, v6  }
0x1f1: {  	vm8 =	vgt.s32 v16, $0x0;
	v7 =	vmin.u32 v15, $0x1FF  }
0x1f2: {  	v18 =	vadd.s32 $0x3, v6;
	v8 =	vnsel vm8, $0x0, v16  }
0x1f3: {  	v17 =	vadd.s32 $0x2, v6;
	vm10 =	vgt.s32 v18, $0x0;
	v8 =	vmin.u32 v8, $0x1FF  }
0x1f4: {  	v19 =	vadd.s32 $0x4, v6;
	v10 =	vnsel vm10, $0x0, v18;
	v15 =	vadd.s32 $0x5, v6  }
0x1f5: {  	v11 =	vld [tilespmem:$0xCA0];
	vm9 =	vgt.s32 v17, $0x0;
	v10 =	vmin.u32 v10, $0x1FF;
	vm12 =	vgt.s32 v15, $0x0  }
0x1f6: {  	v9 =	vnsel vm9, $0x0, v17;
	v17 =	vadd.s32 $0x6, v6;
	v15 =	vnsel vm12, $0x0, v15;
	v12 =	vld.idx.msk [tilespmem:v7+s19+$0x0], $0xffff  }
0x1f7: {  	v6 =	vadd.s32 $0x7, v6;
	vm13 =	vgt.s32 v17, $0x0;
	v15 =	vmin.u32 v15, $0x1FF;
	v7 =	vld.idx.msk [tilespmem:v7+s15+$0x0], $0xffff  }
0x1f8: {  	vm14 =	vgt.s32 v6, $0x0;
	v17 =	vnsel vm13, $0x0, v17;
	v14 =	vld.idx.msk [tilespmem:v8+s19+$0x0], $0xffff  }
0x1f9: {  	v6 =	vnsel vm14, $0x0, v6;
	v17 =	vmin.u32 v17, $0x1FF;
	v8 =	vld.idx.msk [tilespmem:v8+s15+$0x0], $0xffff  }
0x1fa: {  	v6 =	vmin.u32 v6, $0x1FF;
	v18 =	vld.idx.msk [tilespmem:v10+s19+$0x0], $0xffff  }
0x1fb: {  	vm11 =	vgt.s32 v19, $0x0;
	v10 =	vld.idx.msk [tilespmem:v10+s15+$0x0], $0xffff  }
0x1fc: {  	v13 =	vnsel vm11, $0x0, v19;
	v20 =	vld.idx.msk [tilespmem:v15+s19+$0x0], $0xffff  }
0x1fd: {  	v13 =	vmin.u32 v13, $0x1FF;
	v15 =	vld.idx.msk [tilespmem:v15+s15+$0x0], $0xffff  }
0x1fe: {  	v21 =	vld.idx.msk [tilespmem:v17+s19+$0x0], $0xffff  }
0x1ff: {  	v9 =	vmin.u32 v9, $0x1FF;
	v22 =	vld.idx.msk [tilespmem:v6+s19+$0x0], $0xffff  }
0x200: {  	v6 =	vld.idx.msk [tilespmem:v6+s15+$0x0], $0xffff  }
0x201: {  	v17 =	vld.idx.msk [tilespmem:v17+s15+$0x0], $0xffff  }
0x202: {  	v19 =	vld.idx.msk [tilespmem:v13+s19+$0x0], $0xffff  }
0x203: {  	v5 =	vxor.u32 $0x80000000, v5;
	vm9 =	vgt.s32 v11, $0x4;
	vm10 =	vgt.s32 v11, $0x3;
	v13 =	vld.idx.msk [tilespmem:v13+s15+$0x0], $0xffff  }
0x204: {  	vm11 =	vgt.s32 v11, $0x2;
	vm12 =	vgt.s32 v11, $0x7;
	vm14 =	vgt.s32 v11, $0x6;
	v16 =	vld.idx.msk [tilespmem:v9+s19+$0x0], $0xffff  }
0x205: {  	v9 =	vld.idx.msk [tilespmem:v9+s15+$0x0], $0xffff;
	vm0 =	veq.s32 v12, v7;
	vm3 =	veq.s32 v18, v10;
	vm15 =	veq.s32 v22, v6  }
0x206: {  	vm5 =	veq.s32 v20, v15;
	vm13 =	veq.s32 v21, v17;
	vm6 =	vmand vm12, vm15  }
0x207: {  	vm7 =	vmand vm14, vm13;
	vm15 =	vgt.s32 v11, $0x5;
	v10 =	vsel vm6, $0x8, v1  }
0x208: {  	vm4 =	veq.s32 v19, v13;
	vm5 =	vmand vm15, vm5;
	v6 =	vnsel vm7, $0x6, v10  }
0x209: {  	(xrf0) =	vmax.scan.msk.u32 $0xffff, v5;
	vm1 =	veq.s32 v14, v8;
	vm4 =	vmand vm9, vm4;
	v6 =	vnsel vm5, $0x5, v6  }
0x20a: {  	vm2 =	veq.s32 v16, v9;
	vm3 =	vmand vm10, vm3;
	v6 =	vnsel vm4, $0x4, v6  }
0x20b: {  	vm2 =	vmand vm11, vm2;
	vm12 =	vgt.s32 v11, $0x1;
	v6 =	vnsel vm3, $0x3, v6  }
0x20c: {  	vm13 =	vgt.s32 v11, $0x0;
	vm1 =	vmand vm12, vm1;
	v6 =	vnsel vm2, $0x2, v6  }
0x20d: {  	vm0 =	vmand vm13, vm0;
	v6 =	vnsel vm1, $0x1, v6  }
0x20e: {  	v6 =	vnsel vm0, $0x0, v6  }
0x20f: {  	vm9 =	veq.s32 v4, $0x0;
	v17, _, _ =	vpop (xrf0);
	vm0 =	vne.s32 v4, v6  }
0x210: {  	vm10 =	veq.s32 v4, $0x1;
	(v2sf) =	vpush v17, $0xF;
	v10 =	vld [tilespmem:$0xD20];
	v11 =	vsel vm0, $0x1, v2  }
0x211: {  	vm13 =	veq.s32 v4, $0x2;
	vm0 =	veq.s32 v4, v6;
	v5 =	vadd.s32 v11, v6  }
0x212: {  	v6 =	vsub.s32 v4, v6;
	vm3 =	vmand vm9, vm0;
	vm12 =	vmand vm10, vm0  }
0x213: {  	v11 =	vor.u32 $0x1000, v3;
	vm2 =	vmand vm13, vm0;
	vm10 =	veq.s32 v4, $0x5  }
0x214: {  	vm13 =	veq.s32 v4, $0x7;
	v13 =	vadd.s32 $0xFFFFFFFF, v5;
	vm14 =	vgt.u32 v5, $0x1  }
0x215: {  	vm1 =	vgt.u32 v5, $0x7;
	vm11 =	veq.s32 v5, $0x0;
	v17 =	vnsel vm2, $0xFFFFFFFF, v10  }
0x216: {  	[tilespmem:$0x2DA0] =	vst v6;
	v6 =	vor.u32 $0x1003, v3;
	vm9 =	vgt.u32 v5, $0x4;
	v15 =	vsel vm14, $0x0, v12  }
0x217: {  	vm15 =	veq.s32 v13, $0x1;
	vm4 =	veq.s32 v13, $0x2;
	vm5 =	veq.s32 v13, $0x3  }
0x218: {  	vm6 =	veq.s32 v13, $0x4;
	vm7 =	veq.s32 v13, $0x5;
	v8 =	vsel vm15, v14, v15  }
0x219: {  	vm8 =	veq.s32 v13, $0x6;
	v13 =	vnsel vm3, $0xFFFFFFFF, v10;
	v8 =	vsel vm4, v16, v8  }
0x21a: {  	v15 =	vnsel vm12, $0xFFFFFFFF, v10;
	vm15 =	vgt.u32 v5, $0x2;
	v8 =	vsel vm5, v18, v8  }
0x21b: {  	vm12 =	veq.s32 v4, $0x6;
	v9 =	vsel vm14, v14, v15;
	v8 =	vsel vm6, v19, v8  }
0x21c: {  	vm14 =	veq.s32 v4, $0x3;
	v15 =	vor.u32 $0x1002, v3;
	v8 =	vsel vm7, v20, v8  }
0x21d: {  	v7 =	vsel vm8, v21, v8;
	v8 =	vsel vm11, v13, v12;
	v12 =	vor.u32 $0x1001, v3  }
0x21e: {  	vm6 =	vmand vm14, vm0;
	vm14 =	vgt.u32 v5, $0x6;
	v7 =	vsel vm1, v22, v7  }
0x21f: {  	vm7 =	vgt.u32 v5, $0x3;
	v14 =	vnsel vm6, $0xFFFFFFFF, v10;
	v7 =	vsel vm0, v10, v7  }
0x220: {  	v13 =	vsel vm15, v16, v17;
	v14 =	vsel vm7, v18, v14;
	v16 =	vor.u32 $0x1004, v3;
	[tilespmem:$0x2E20] =	vst v7  }
0x221: {  	vm8 =	veq.s32 v4, $0x4;
	vm11 =	vgt.u32 v5, $0x5;
	[tilespmem:v11+s20+$0x0] =	vst.idx.msk $0xffff, v8;
	v8 =	vor.u32 $0x1005, v3  }
0x222: {  	v17 =	vor.u32 $0x1007, v3;
	vm2 =	vmand vm8, vm0;
	v11 =	vor.u32 $0x1006, v3;
	[tilespmem:v12+s20+$0x0] =	vst.idx.msk $0xffff, v9  }
0x223: {  	v18 =	vor.u32 $0x1008, v3;
	v7 =	vnsel vm2, $0xFFFFFFFF, v10;
	vm2 =	vmand vm10, vm0;
	[tilespmem:v15+s20+$0x0] =	vst.idx.msk $0xffff, v13  }
0x224: {  	v7 =	vsel vm9, v19, v7;
	v12 =	vnsel vm2, $0xFFFFFFFF, v10;
	vm2 =	vmand vm12, vm0;
	[tilespmem:v6+s20+$0x0] =	vst.idx.msk $0xffff, v14  }
0x225: {  	vm15 =	vmand vm13, vm0;
	v9 =	vsel vm11, v20, v12;
	v19 =	vnsel vm2, $0xFFFFFFFF, v10;
	[tilespmem:v16+s20+$0x0] =	vst.idx.msk $0xffff, v7  }
0x226: {  	vm5 =	veq.s32 v4, $0x8;
	v5 =	vsel vm14, v21, v19;
	[tilespmem:v8+s20+$0x0] =	vst.idx.msk $0xffff, v9;
	v9 =	vnsel vm15, $0xFFFFFFFF, v10  }
0x227: {  	vm0 =	vmand vm5, vm0;
	[tilespmem:v11+s20+$0x0] =	vst.idx.msk $0xffff, v5;
	v11 =	vsel vm1, v22, v9  }
0x228: {  	v12 =	vnsel vm0, $0xFFFFFFFF, v10;
	[tilespmem:v17+s20+$0x0] =	vst.idx.msk $0xffff, v11  }
0x229: {  	[tilespmem:v18+s20+$0x0] =	vst.idx.msk $0xffff, v12  }
0x22a: {  	v4 =	vld [tilespmem:$0xC30];
	_ =	sdelay $0x4  }
0x22b: {  	(xrf0) =	vadd.scan.msk.s32 $0xffff, v4;
	_ =	sdelay $0x4  }
0x22c: {  	s31 =	spop (v2sf)  }
0x22d: {  	s23 =	sadd.s32 s31, s23;
	v13, _, _ =	vpop (xrf0)  }
0x22e: {  	s23 =	sadd.s32 $0x80000000, s23;
	v5 =	vsub.s32 v13, v4  }
0x22f: {  	v5 =	vadd.s32 s23, v5  }
0x230: {  	vm6 =	vgt.s32 v5, $0x0;
	v17 =	vadd.s32 $0x3, v5  }
0x231: {  	v14 =	vnsel vm6, $0x0, v5;
	vm9 =	vgt.s32 v17, $0x0  }
0x232: {  	v18 =	vadd.s32 $0x4, v5;
	v6 =	vmin.u32 v14, $0x1FF;
	v9 =	vnsel vm9, $0x0, v17  }
0x233: {  	v15 =	vadd.s32 $0x1, v5;
	vm10 =	vgt.s32 v18, $0x0;
	v9 =	vmin.u32 v9, $0x1FF  }
0x234: {  	v16 =	vadd.s32 $0x2, v5;
	v19 =	vadd.s32 $0x5, v5;
	v12 =	vnsel vm10, $0x0, v18  }
0x235: {  	vm8 =	vgt.s32 v16, $0x0;
	vm11 =	vgt.s32 v19, $0x0;
	v12 =	vmin.u32 v12, $0x1FF  }
0x236: {  	v10 =	vld [tilespmem:$0xCB0];
	v8 =	vnsel vm8, $0x0, v16;
	v14 =	vnsel vm11, $0x0, v19;
	v16 =	vadd.s32 $0x6, v5  }
0x237: {  	v5 =	vadd.s32 $0x7, v5;
	v14 =	vmin.u32 v14, $0x1FF;
	vm12 =	vgt.s32 v16, $0x0;
	v11 =	vld.idx.msk [tilespmem:v6+s19+$0x0], $0xffff  }
0x238: {  	vm13 =	vgt.s32 v5, $0x0;
	v16 =	vnsel vm12, $0x0, v16;
	v17 =	vld.idx.msk [tilespmem:v9+s19+$0x0], $0xffff  }
0x239: {  	v5 =	vnsel vm13, $0x0, v5;
	v16 =	vmin.u32 v16, $0x1FF;
	v9 =	vld.idx.msk [tilespmem:v9+s15+$0x0], $0xffff  }
0x23a: {  	v5 =	vmin.u32 v5, $0x1FF;
	v18 =	vld.idx.msk [tilespmem:v12+s19+$0x0], $0xffff  }
0x23b: {  	v12 =	vld.idx.msk [tilespmem:v12+s15+$0x0], $0xffff  }
0x23c: {  	vm7 =	vgt.s32 v15, $0x0;
	v19 =	vld.idx.msk [tilespmem:v14+s19+$0x0], $0xffff  }
0x23d: {  	v7 =	vnsel vm7, $0x0, v15;
	v14 =	vld.idx.msk [tilespmem:v14+s15+$0x0], $0xffff  }
0x23e: {  	v7 =	vmin.u32 v7, $0x1FF;
	v20 =	vld.idx.msk [tilespmem:v16+s19+$0x0], $0xffff  }
0x23f: {  	v8 =	vmin.u32 v8, $0x1FF;
	v21 =	vld.idx.msk [tilespmem:v5+s19+$0x0], $0xffff  }
0x240: {  	v5 =	vld.idx.msk [tilespmem:v5+s15+$0x0], $0xffff  }
0x241: {  	v16 =	vld.idx.msk [tilespmem:v16+s15+$0x0], $0xffff  }
0x242: {  	v6 =	vld.idx.msk [tilespmem:v6+s15+$0x0], $0xffff  }
0x243: {  	vm15 =	vgt.s32 v10, $0x7;
	vm9 =	vgt.s32 v10, $0x3;
	v13 =	vld.idx.msk [tilespmem:v7+s19+$0x0], $0xffff  }
0x244: {  	vm10 =	vgt.s32 v10, $0x2;
	vm11 =	vgt.s32 v10, $0x1;
	vm13 =	vgt.s32 v10, $0x6;
	v15 =	vld.idx.msk [tilespmem:v8+s19+$0x0], $0xffff  }
0x245: {  	v8 =	vld.idx.msk [tilespmem:v8+s15+$0x0], $0xffff;
	vm3 =	veq.s32 v17, v9;
	vm4 =	veq.s32 v18, v12;
	vm14 =	veq.s32 v21, v5  }
0x246: {  	v7 =	vld.idx.msk [tilespmem:v7+s15+$0x0], $0xffff;
	vm5 =	veq.s32 v19, v14;
	vm12 =	veq.s32 v20, v16;
	vm6 =	vmand vm15, vm14  }
0x247: {  	vm7 =	vmand vm13, vm12;
	vm14 =	vgt.s32 v10, $0x5;
	v9 =	vsel vm6, $0x8, v1  }
0x248: {  	vm15 =	vgt.s32 v10, $0x4;
	vm5 =	vmand vm14, vm5;
	v5 =	vnsel vm7, $0x6, v9  }
0x249: {  	vm0 =	veq.s32 v11, v6;
	vm4 =	vmand vm15, vm4;
	v5 =	vnsel vm5, $0x5, v5  }
0x24a: {  	vm2 =	veq.s32 v15, v8;
	vm3 =	vmand vm9, vm3;
	v5 =	vnsel vm4, $0x4, v5  }
0x24b: {  	vm1 =	veq.s32 v13, v7;
	vm2 =	vmand vm10, vm2;
	v5 =	vnsel vm3, $0x3, v5  }
0x24c: {  	vm1 =	vmand vm11, vm1;
	vm12 =	vgt.s32 v10, $0x0;
	v5 =	vnsel vm2, $0x2, v5  }
0x24d: {  	vm0 =	vmand vm12, vm0;
	v5 =	vnsel vm1, $0x1, v5  }
0x24e: {  	v5 =	vnsel vm0, $0x0, v5  }
0x24f: {  	vm0 =	vne.s32 v4, v5  }
0x250: {  	vm8 =	veq.s32 v4, $0x0;
	vm9 =	veq.s32 v4, $0x1;
	v9 =	vld [tilespmem:$0xD30];
	v12 =	vsel vm0, $0x1, v2  }
0x251: {  	vm12 =	veq.s32 v4, $0x2;
	vm0 =	veq.s32 v4, v5;
	v6 =	vadd.s32 v12, v5  }
0x252: {  	v5 =	vsub.s32 v4, v5;
	vm3 =	vmand vm8, vm0;
	vm11 =	vmand vm9, vm0  }
0x253: {  	vm2 =	vmand vm12, vm0;
	vm9 =	veq.s32 v4, $0x5;
	v14 =	vadd.s32 $0xFFFFFFFF, v6  }
0x254: {  	vm13 =	vgt.u32 v6, $0x1;
	vm1 =	vgt.u32 v6, $0x7;
	vm10 =	veq.s32 v6, $0x0  }
0x255: {  	v12 =	vnsel vm3, $0xFFFFFFFF, v9;
	[tilespmem:$0x2DB0] =	vst v5;
	v5 =	vor.u32 $0x1803, v3;
	vm8 =	vgt.u32 v6, $0x4  }
0x256: {  	v16 =	vsel vm13, $0x0, v11;
	vm14 =	veq.s32 v14, $0x1;
	vm15 =	veq.s32 v14, $0x2  }
0x257: {  	vm4 =	veq.s32 v14, $0x3;
	vm5 =	veq.s32 v14, $0x4;
	v8 =	vsel vm14, v13, v16  }
0x258: {  	vm6 =	veq.s32 v14, $0x5;
	vm7 =	veq.s32 v14, $0x6;
	v8 =	vsel vm15, v15, v8  }
0x259: {  	v14 =	vnsel vm11, $0xFFFFFFFF, v9;
	vm11 =	veq.s32 v4, $0x6;
	v8 =	vsel vm4, v17, v8  }
0x25a: {  	v10 =	vsel vm13, v13, v14;
	vm13 =	veq.s32 v4, $0x3;
	v8 =	vsel vm5, v18, v8  }
0x25b: {  	vm14 =	vgt.u32 v6, $0x2;
	v16 =	vnsel vm2, $0xFFFFFFFF, v9;
	v8 =	vsel vm6, v19, v8  }
0x25c: {  	v7 =	vsel vm7, v20, v8;
	v8 =	vsel vm10, v12, v11;
	v11 =	vor.u32 $0x1800, v3  }
0x25d: {  	vm15 =	vmand vm13, vm0;
	v13 =	vsel vm14, v15, v16;
	v12 =	vor.u32 $0x1801, v3  }
0x25e: {  	v15 =	vor.u32 $0x1802, v3;
	v16 =	vor.u32 $0x1804, v3;
	v7 =	vsel vm1, v21, v7  }
0x25f: {  	v14 =	vnsel vm15, $0xFFFFFFFF, v9;
	vm7 =	veq.s32 v4, $0x4;
	v7 =	vsel vm0, v9, v7  }
0x260: {  	vm6 =	vgt.u32 v6, $0x3;
	vm10 =	vgt.u32 v6, $0x5;
	vm2 =	vmand vm7, vm0;
	[tilespmem:$0x2E30] =	vst v7  }
0x261: {  	v7 =	vnsel vm2, $0xFFFFFFFF, v9;
	vm2 =	vmand vm9, vm0;
	[tilespmem:v11+s20+$0x0] =	vst.idx.msk $0xffff, v8;
	v8 =	vor.u32 $0x1805, v3  }
0x262: {  	v7 =	vsel vm8, v18, v7;
	v18 =	vnsel vm2, $0xFFFFFFFF, v9;
	v11 =	vor.u32 $0x1806, v3;
	[tilespmem:v12+s20+$0x0] =	vst.idx.msk $0xffff, v10  }
0x263: {  	v14 =	vsel vm6, v17, v14;
	v10 =	vsel vm10, v19, v18;
	v19 =	vor.u32 $0x1807, v3;
	[tilespmem:v15+s20+$0x0] =	vst.idx.msk $0xffff, v13  }
0x264: {  	vm12 =	veq.s32 v4, $0x7;
	vm2 =	vmand vm11, vm0;
	v3 =	vor.u32 $0x1808, v3;
	[tilespmem:v5+s20+$0x0] =	vst.idx.msk $0xffff, v14  }
0x265: {  	vm13 =	vgt.u32 v6, $0x6;
	vm14 =	vmand vm12, vm0;
	v17 =	vnsel vm2, $0xFFFFFFFF, v9;
	[tilespmem:v16+s20+$0x0] =	vst.idx.msk $0xffff, v7  }
0x266: {  	vm15 =	veq.s32 v4, $0x8;
	v18 =	vnsel vm14, $0xFFFFFFFF, v9;
	v5 =	vsel vm13, v20, v17;
	[tilespmem:v8+s20+$0x0] =	vst.idx.msk $0xffff, v10  }
0x267: {  	vm0 =	vmand vm15, vm0;
	v4 =	vsel vm1, v21, v18;
	[tilespmem:v11+s20+$0x0] =	vst.idx.msk $0xffff, v5  }
0x268: {  	[tilespmem:v19+s20+$0x0] =	vst.idx.msk $0xffff, v4;
	v19 =	vnsel vm0, $0xFFFFFFFF, v9  }
0x269: {  	[tilespmem:v3+s20+$0x0] =	vst.idx.msk $0xffff, v19  }
0x26a: {  	[hbm4b:s8+s12] =	stream.linear.scatter [tilespmem:s20], [sflag:$0x1], $0x2000, $0x38;
	[tilespmem:$0x2E80] =	vst v63  }
0x26b: {  	_ =	swait.ge [sflag:s13], $0x2000  }
0x26c: {  	[sflag:s13] =	ssyncset.done $0x0  }
0x26d: {  	[sflag:s13] =	ssyncadd.s32 $0xFFFFE000  }
0x26e: {  	[hbm4b:s9+s12] =	stream.linear.scatter [tilespmem:s21], [sflag:$0x1], $0x80, $0x38;
	[tilespmem:$0x2E80] =	vst v63  }
0x26f: {  	_ =	swait.ge [sflag:s13], $0x80  }
0x270: {  	p0 =	sne.s32 s11, $0x1;
	[sflag:s13] =	ssyncset.done $0x0  }
.Ltmp1:
0x271: {  	[sflag:s13] =	ssyncadd.s32 $0xFFFFFF80;
	(pc) =	sbr.rel @p0 .LBB2_2-.Ltmp1, $4  }
0x272: {  	[hbm4b:s10+s12] =	stream.linear.scatter [tilespmem:s22], [sflag:$0x1], $0x80, $0x38;
	[tilespmem:$0x2E80] =	vst v63  }
0x273: {  	_ =	swait.ge [sflag:s13], $0x80  }
0x274: {  	[sflag:s13] =	ssyncset.done $0x0  }
0x275: {  	s11 =	sadd.s32 $0xFFFFFFFF, s11;
	[sflag:s13] =	ssyncadd.s32 $0xFFFFFF80  }
.LBB2_3:
0x276: {  	_ =	sfence.sel $0x180000  }
0x277: {  	[bflag:$0x0] =	sbarrier.arrive $0xFFFF  }
0x278: {  	p0 =	sne.s32 s1, $0x0;
	_ =	strace $0x90000047  }
0x279: {  	s0 =	sadd.s32 @!p0 $0x100000, s2;
	[bflag:$0x2] =	sbarrier.arrive $0xFFFF  }
0x27a: {  	[sflag:s0] =	ssyncadd.tile.s32 @!p0 $0x1;
	_ =	shalt  }
.Lfunc_end2:
_tile_overlayer_lowered:
.L_overlay_start_2:
0x27b: {  	(tag) =	ssettag $0x2  }
0x27c: {  	s0 =	rddreg [dreg:$0x0];
	s2 =	stileid.u32  }
0x27d: {  	s1 =	rddreg [dreg:$0x1];
	p0 =	sne.s32 s2, $0x0  }
0x27e: {  	s3 =	rddreg [dreg:$0x2];
	[bflag:$0x3] =	sbarrier.arrive $0xFFFF;
	s2 =	simm.s32 @!p0 $0x1C01  }
0x27f: {  	[timem:s3], [sflag:s2] =	dma.local @!p0 [hbm:s0], s1  }
0x280: {  	s0 =	simm.s32 @!p0 $0x1  }
0x281: {  	_ =	swait.ge @!p0 [sflag:s0], s1  }
0x282: {  	s1 =	ssub.s32 @!p0 $0x0, s1;
	[sflag:s0] =	ssyncset.done @!p0 $0x0  }
0x283: {  	[sflag:s0] =	ssyncadd.s32 @!p0 s1  }
0x284: {  	[bflag:$0x3] =	sbarrier.arrive $0xFFFF  }
0x285: {  	_ =	shalt  }

</sc_bundles>
